<compile_context>
chip_gen: v7x
topology: tpu7x:2x2x1
jax: 0.10.2.dev20260603
libtpu: 0.0.44.dev20260713+nightly
codegen_flags: <defaults>
</compile_context>

<pallas_src>
import functools

import jax
import jax.numpy as jnp
from jax import lax
from jax.experimental import pallas as pl
from jax.experimental.pallas import tpu as pltpu
from jax.experimental.pallas import tpu_sc as plsc

N = 10000
E = 320000
D = 128

NC = 2
NS = 16
NW = NC * NS
EW = E // NW
K = 80
NCHUNK = EW // K
NPAD = 10240
RPT = NPAD // NS
ZR = 128

_mesh = plsc.VectorSubcoreMesh(core_axis_name="c", subcore_axis_name="s")



def _deg_body(dst1_hbm, ones_hbm, zeros1_hbm, out_hbm, didx_v, ones_v, acc_sh,
              sem, lsem):
    c = lax.axis_index("c")
    s = lax.axis_index("s")
    wid = c * NS + s
    pltpu.sync_copy(zeros1_hbm, acc_sh.at[pl.ds(s * RPT, RPT)])
    pltpu.sync_copy(ones_hbm, ones_v)

    GRP = 25

    def ldgroup(g, carry):
        def fire(k, carry2):
            base = pl.multiple_of(wid * EW + (g * GRP + k) * K, 8)
            pltpu.async_copy(dst1_hbm.at[pl.ds(base, K)],
                             didx_v.at[g * GRP + k], lsem)
            return carry2

        lax.fori_loop(0, GRP, fire, 0)

        def drain(k, carry2):
            pltpu.make_async_copy(dst1_hbm.at[pl.ds(wid * EW, K)],
                                  didx_v.at[0], lsem).wait()
            return carry2

        lax.fori_loop(0, GRP, drain, 0)
        return carry

    lax.fori_loop(0, NCHUNK // GRP, ldgroup, 0)
    plsc.subcore_barrier()


    def group(g, carry):
        def fire(k, carry2):
            pltpu.async_copy(ones_v, acc_sh.at[didx_v.at[g * GRP + k]],
                             sem, add=True)
            return carry2

        lax.fori_loop(0, GRP, fire, 0)

        def drain(k, carry2):
            pltpu.make_async_copy(ones_v, acc_sh.at[didx_v.at[g * GRP]],
                                  sem).wait()
            return carry2

        lax.fori_loop(0, GRP, drain, 0)
        return carry

    lax.fori_loop(0, NCHUNK // GRP, group, 0)
    plsc.subcore_barrier()
    pltpu.sync_copy(acc_sh.at[pl.ds(s * RPT, RPT)],
                    out_hbm.at[c, pl.ds(s * RPT, RPT)])


_deg_call = pl.kernel(
    _deg_body,
    out_type=jax.ShapeDtypeStruct((NC, NPAD), jnp.float32),
    mesh=_mesh,
    scratch_types=[
        pltpu.VMEM((NCHUNK, K), jnp.int32),
        pltpu.VMEM((K,), jnp.float32),
        pltpu.VMEM_SHARED((NPAD,), jnp.float32),
        pltpu.SemaphoreType.DMA,
        pltpu.SemaphoreType.DMA,
    ],
)


def _prop_body(t_hbm, si3_hbm, dst1_hbm, zeros_hbm, out_hbm,
               sidx_v, didx_a, didx_b, rows_a, rows_b, acc_sh,
               gsa, gsb, dsa, dsb, ssa, ssb):
    c = lax.axis_index("c")
    s = lax.axis_index("s")
    wid = c * NS + s
    for j in range(RPT // ZR):
        pltpu.sync_copy(zeros_hbm, acc_sh.at[pl.ds(s * RPT + j * ZR, ZR)])
    pltpu.sync_copy(si3_hbm.at[pl.ds(wid, 1)], sidx_v)
    plsc.subcore_barrier()

    pltpu.async_copy(dst1_hbm.at[pl.ds(wid * EW, K)], didx_a, dsa)
    pltpu.async_copy(t_hbm.at[sidx_v.at[0, 0]], rows_a, gsa)

    def body(i, carry):
        k0 = 2 * i
        base = pl.multiple_of(wid * EW + k0 * K, 8)
        pltpu.async_copy(dst1_hbm.at[pl.ds(base + K, K)], didx_b, dsb)
        pltpu.async_copy(t_hbm.at[sidx_v.at[0, k0 + 1]], rows_b, gsb)
        pltpu.make_async_copy(dst1_hbm.at[pl.ds(base, K)], didx_a, dsa).wait()
        pltpu.make_async_copy(t_hbm.at[sidx_v.at[0, k0]], rows_a, gsa).wait()
        pltpu.sync_copy(rows_a, acc_sh.at[didx_a], add=True)
        pltpu.async_copy(dst1_hbm.at[pl.ds(base + 2 * K, K)], didx_a, dsa)
        pltpu.async_copy(t_hbm.at[sidx_v.at[0, k0 + 2]], rows_a, gsa)
        pltpu.make_async_copy(dst1_hbm.at[pl.ds(base + K, K)], didx_b,
                              dsb).wait()
        pltpu.make_async_copy(t_hbm.at[sidx_v.at[0, k0 + 1]], rows_b,
                              gsb).wait()
        pltpu.sync_copy(rows_b, acc_sh.at[didx_b], add=True)
        return carry

    lax.fori_loop(0, (NCHUNK - 1) // 2, body, 0)
    pltpu.make_async_copy(
        dst1_hbm.at[pl.ds(wid * EW + (NCHUNK - 1) * K, K)], didx_a,
        dsa).wait()
    pltpu.make_async_copy(t_hbm.at[sidx_v.at[0, NCHUNK - 1]], rows_a, gsa).wait()
    pltpu.sync_copy(rows_a, acc_sh.at[didx_a], add=True)
    plsc.subcore_barrier()
    pltpu.sync_copy(acc_sh.at[pl.ds(s * RPT, RPT)],
                    out_hbm.at[c, pl.ds(s * RPT, RPT)])


_prop_call = pl.kernel(
    _prop_body,
    out_type=jax.ShapeDtypeStruct((NC, NPAD, D), jnp.float32),
    mesh=_mesh,
    scratch_types=[
        pltpu.VMEM((1, NCHUNK, K), jnp.int32),
        pltpu.VMEM((K,), jnp.int32),
        pltpu.VMEM((K,), jnp.int32),
        pltpu.VMEM((K, D), jnp.float32),
        pltpu.VMEM((K, D), jnp.float32),
        pltpu.VMEM_SHARED((NPAD, D), jnp.float32),
        pltpu.SemaphoreType.DMA,
        pltpu.SemaphoreType.DMA,
        pltpu.SemaphoreType.DMA,
        pltpu.SemaphoreType.DMA,
        pltpu.SemaphoreType.DMA,
        pltpu.SemaphoreType.DMA,
    ],
)



R = 2000
GRID = N // R

_mm = functools.partial(jnp.dot, preferred_element_type=jnp.float32)


def _b1_body(dp_ref, x_ref, dis_ref, y0_ref):
    deg = dp_ref[0:1, :] + dp_ref[1:2, :] + 1.0
    disc = jnp.transpose(lax.rsqrt(deg), (1, 0))[:N]
    dis_ref[...] = disc
    y0_ref[...] = x_ref[...] * disc


def _b2_body(dis_ref, y0_ref, p0_ref, w1_ref, b1_ref, w2_ref, b2_ref,
             w4_ref, b4_ref, h1_ref, y2_ref, y3a_ref):
    dis = dis_ref[...]
    z = dis * (p0_ref[0] + p0_ref[1] + y0_ref[...])
    h1_ref[...] = jax.nn.relu(_mm(z, w1_ref[...]) + b1_ref[...])
    y2_ref[...] = dis * jax.nn.relu(_mm(z, w2_ref[...]) + b2_ref[...])
    y3a_ref[...] = dis * jax.nn.relu(_mm(z, w4_ref[...]) + b4_ref[...])


def _b3_body(dis_ref, y2_ref, p2_ref, y3a_ref, p3_ref, w3_ref, b3_ref,
             w5_ref, b5_ref, h2_ref, y3b_ref):
    dis = dis_ref[...]
    u2 = dis * (p2_ref[0] + p2_ref[1] + y2_ref[...])
    h2_ref[...] = jax.nn.relu(_mm(u2, w3_ref[...]) + b3_ref[...])
    u3 = dis * (p3_ref[0] + p3_ref[1] + y3a_ref[...])
    h3b = jax.nn.relu(_mm(u3, w5_ref[...]) + b5_ref[...])
    y3b_ref[...] = dis * h3b


def _b4_body(dis_ref, y3b_ref, p4_ref, h1_ref, h2_ref, w6_ref, b6_ref,
             wa_ref, ba_ref, wf_ref, bf_ref, out_ref):
    dis = dis_ref[...]
    u4 = dis * (p4_ref[0] + p4_ref[1] + y3b_ref[...])
    h3 = jax.nn.relu(_mm(u4, w6_ref[...]) + b6_ref[...])
    h1 = h1_ref[...]
    h2 = h2_ref[...]
    wa = wa_ref[...]
    ba = ba_ref[...]
    e1 = _mm(h1, wa) + ba
    e2 = _mm(h2, wa) + ba
    e3 = _mm(h3, wa) + ba
    m = jnp.maximum(jnp.maximum(e1, e2), e3)
    a1 = jnp.exp(e1 - m)
    a2 = jnp.exp(e2 - m)
    a3 = jnp.exp(e3 - m)
    tot = a1 + a2 + a3
    h_meta = (a1 * h1 + a2 * h2 + a3 * h3) / tot
    out_ref[...] = _mm(h_meta + h1, wf_ref[...]) + bf_ref[...]


def _col_spec(r):
    return pl.BlockSpec((r, 1), lambda i: (i, 0))


def _row_spec():
    return pl.BlockSpec((R, D), lambda i: (i, 0))


def _p_spec():
    return pl.BlockSpec((NC, R, D), lambda i: (0, i, 0))


def _w_spec(shape):
    return pl.BlockSpec(shape, lambda i: tuple(0 for _ in shape))


def _mk_call(body, in_specs, out_specs, out_shapes):
    return pl.pallas_call(
        body,
        grid=(GRID,),
        in_specs=in_specs,
        out_specs=out_specs,
        out_shape=out_shapes,
    )


_b1_call = pl.pallas_call(
    _b1_body,
    grid=(1,),
    in_specs=[pl.BlockSpec((NC, NPAD), lambda i: (0, 0)),
              pl.BlockSpec((N, D), lambda i: (0, 0))],
    out_specs=[pl.BlockSpec((N, 1), lambda i: (0, 0)),
               pl.BlockSpec((N, D), lambda i: (0, 0))],
    out_shape=[jax.ShapeDtypeStruct((N, 1), jnp.float32),
               jax.ShapeDtypeStruct((N, D), jnp.float32)],
)

_b2_call = _mk_call(
    _b2_body,
    [_col_spec(R), _row_spec(), _p_spec(),
     _w_spec((D, D)), _w_spec((1, D)),
     _w_spec((D, D)), _w_spec((1, D)),
     _w_spec((D, D)), _w_spec((1, D))],
    [_row_spec(), _row_spec(), _row_spec()],
    [jax.ShapeDtypeStruct((N, D), jnp.float32)] * 3,
)

_b3_call = _mk_call(
    _b3_body,
    [_col_spec(R), _row_spec(), _p_spec(), _row_spec(), _p_spec(),
     _w_spec((D, D)), _w_spec((1, D)),
     _w_spec((D, D)), _w_spec((1, D))],
    [_row_spec(), _row_spec()],
    [jax.ShapeDtypeStruct((N, D), jnp.float32)] * 2,
)

_b4_call = _mk_call(
    _b4_body,
    [_col_spec(R), _row_spec(), _p_spec(), _row_spec(), _row_spec(),
     _w_spec((D, D)), _w_spec((1, D)),
     _w_spec((D, 1)), _w_spec((1, 1)),
     _w_spec((D, D)), _w_spec((1, D))],
    [_row_spec()],
    [jax.ShapeDtypeStruct((N, D), jnp.float32)],
)


def kernel(x, edge_index, W1, b1, W2, b2, W3, b3, W4, b4, W5, b5, W6, b6,
           Wa, ba, Wf, bf):
    src3 = edge_index[0].reshape(NW, NCHUNK, K)
    dst1 = edge_index[1]
    ones_k = jnp.ones((K,), jnp.float32)
    zeros1 = jnp.zeros((RPT,), jnp.float32)
    zeros2 = jnp.zeros((ZR, D), jnp.float32)

    dp = _deg_call(dst1, ones_k, zeros1)
    dis, y0 = _b1_call(dp, x)

    p0 = _prop_call(y0, src3, dst1, zeros2)
    h1, y2, y3a = _b2_call(dis, y0, p0, W1, b1.reshape(1, D), W2,
                           b2.reshape(1, D), W4, b4.reshape(1, D))

    p2 = _prop_call(y2, src3, dst1, zeros2)
    p3 = _prop_call(y3a, src3, dst1, zeros2)
    h2, y3b = _b3_call(dis, y2, p2, y3a, p3, W3, b3.reshape(1, D),
                       W5, b5.reshape(1, D))

    p4 = _prop_call(y3b, src3, dst1, zeros2)
    out, = _b4_call(dis, y3b, p4, h1, h2, W6, b6.reshape(1, D),
                    Wa, ba.reshape(1, 1), Wf, bf.reshape(1, D))
    return out

# --- scband reference (transcript-rebuilt; emitter-appended) ---
"""Pipeline reference for scband-selarencoder-55920474194406 (READ-ONLY COPY).

The authoritative reference and input builder live on the scoring server;
editing this copy changes nothing except your own understanding.
"""

import jax, jax.numpy as jnp
import numpy as np

N = 10000
E = 320000
D = 128
H = 128
O = 128


def gcn_conv(x, W, b, src, dst, n):
    # GCNConv: add self-loops, symmetric normalization, linear transform, scatter-add aggregate
    src = jnp.concatenate([src, jnp.arange(n, dtype=src.dtype)])
    dst = jnp.concatenate([dst, jnp.arange(n, dtype=dst.dtype)])
    deg = jnp.zeros((n,), x.dtype).at[dst].add(1.0)
    dis = jnp.where(deg > 0, deg ** -0.5, 0.0)
    norm = dis[src] * dis[dst]
    xw = x @ W
    msg = xw[src] * norm[:, None]
    out = jnp.zeros((n, W.shape[1]), x.dtype).at[dst].add(msg)
    return out + b


def setup_inputs(seed: int = 0) -> dict:
    key = jax.random.key(seed)
    ks = jax.random.split(key, 20)
    x = jax.random.normal(ks[0], (N, D), jnp.float32)
    edge_index = jax.random.randint(ks[1], (2, E), 0, N, jnp.int32)
    s = 1.0 / np.sqrt(D)
    sh = 1.0 / np.sqrt(H)
    inp = {"x": x, "edge_index": edge_index}
    # 6 GCN layers: branch1, branch2_1, branch2_2, branch3_1, branch3_2, branch3_3
    fan_ins = [D, D, H, D, H, H]
    for i in range(6):
        fi = fan_ins[i]
        sc = 1.0 / np.sqrt(fi)
        inp[f"W{i+1}"] = jax.random.uniform(ks[2 + 2 * i], (fi, H), jnp.float32, -sc, sc)
        inp[f"b{i+1}"] = jax.random.uniform(ks[3 + 2 * i], (H,), jnp.float32, -sc, sc)
    inp["Wa"] = jax.random.uniform(ks[14], (H, 1), jnp.float32, -sh, sh)
    inp["ba"] = jax.random.uniform(ks[15], (1,), jnp.float32, -sh, sh)
    inp["Wf"] = jax.random.uniform(ks[16], (H, O), jnp.float32, -sh, sh)
    inp["bf"] = jax.random.uniform(ks[17], (O,), jnp.float32, -sh, sh)
    return inp


def reference(x, edge_index, W1, b1, W2, b2, W3, b3, W4, b4, W5, b5, W6, b6, Wa, ba, Wf, bf):
    src = edge_index[0]
    dst = edge_index[1]
    n = x.shape[0]
    h1 = jax.nn.relu(gcn_conv(x, W1, b1, src, dst, n))
    h2 = jax.nn.relu(gcn_conv(x, W2, b2, src, dst, n))
    h2 = jax.nn.relu(gcn_conv(h2, W3, b3, src, dst, n))
    h3 = jax.nn.relu(gcn_conv(x, W4, b4, src, dst, n))
    h3 = jax.nn.relu(gcn_conv(h3, W5, b5, src, dst, n))
    h3 = jax.nn.relu(gcn_conv(h3, W6, b6, src, dst, n))
    Hs = jnp.stack([h1, h2, h3], axis=1)  # [N, 3, H]
    attn_scores = Hs @ Wa + ba            # [N, 3, 1]
    attn_weights = jax.nn.softmax(attn_scores, axis=1)
    h_meta = jnp.sum(attn_weights * Hs, axis=1)
    h_out = h_meta + h1
    out = h_out @ Wf + bf
    return out

if __name__ == "__main__":
    import jax
    _d = setup_inputs()
    print(jax.jit(kernel)(*tuple(_d.values())))

</pallas_src>

<mosaic_0001>
#map = affine_map<(d0, d1) -> (0, 0)>
#map1 = affine_map<(d0, d1) -> (0, 0, 0)>
#map2 = affine_map<(d0, d1) -> (0)>
module attributes {stable_mosaic.version = 14 : i64} {
  func.func @_prop_body(%arg0: i32, %arg1: i32, %arg2: memref<10000x128xf32, #tpu.memory_space<hbm>>, %arg3: memref<32x125x80xi32, #tpu.memory_space<hbm>>, %arg4: memref<320000xi32, #tpu.memory_space<hbm>>, %arg5: memref<128x128xf32, #tpu.memory_space<hbm>>, %arg6: memref<2x10240x128xf32, #tpu.memory_space<hbm>>, %arg7: memref<1x125x80xi32, #tpu.memory_space<vmem>>, %arg8: memref<80xi32, #tpu.memory_space<vmem>>, %arg9: memref<80xi32, #tpu.memory_space<vmem>>, %arg10: memref<80x128xf32, #tpu.memory_space<vmem>>, %arg11: memref<80x128xf32, #tpu.memory_space<vmem>>, %arg12: memref<10240x128xf32, #tpu.memory_space<vmem_shared>>, %arg13: memref<!tpu.dma_semaphore, #tpu.memory_space<semaphore_mem>>, %arg14: memref<!tpu.dma_semaphore, #tpu.memory_space<semaphore_mem>>, %arg15: memref<!tpu.dma_semaphore, #tpu.memory_space<semaphore_mem>>, %arg16: memref<!tpu.dma_semaphore, #tpu.memory_space<semaphore_mem>>, %arg17: memref<!tpu.dma_semaphore, #tpu.memory_space<semaphore_mem>>, %arg18: memref<!tpu.dma_semaphore, #tpu.memory_space<semaphore_mem>>) attributes {dimension_semantics = [#tpu.dimension_semantics<core_parallel>, #tpu.dimension_semantics<subcore_parallel>], iteration_bounds = array<i64: 2, 16>, scalar_prefetch = 0 : i64, scratch_operands = 12 : i64, tpu.core_type = #tpu.core_type<sc_vector_subcore>, window_params = [{transform_indices = #map}, {transform_indices = #map1}, {transform_indices = #map2}, {transform_indices = #map}, {transform_indices = #map1}]} {
    %mul3A = arith.constant 16 : i32
    %mul3A_0 = arith.muli %arg0, %mul3A : i32
    %add3A = arith.addi %mul3A_0, %arg1 : i32
    %mul3A_1 = arith.constant 640 : i32
    %mul3A_2 = arith.muli %arg1, %mul3A_1 : i32
    %add3A_3 = arith.constant 0 : i32
    %add3A_4 = arith.addi %mul3A_2, %add3A_3 : i32
    "tpu.region"() ({
      %run_scoped3A = tpu.sem_alloc : memref<!tpu.dma_semaphore, #tpu.memory_space<semaphore_mem>>
      %dma_start3A_55 = arith.constant 0 : i32
      %dma_start3A_56 = tpu.memref_slice %arg12[%add3A_4, %dma_start3A_55] : memref<10240x128xf32, #tpu.memory_space<vmem_shared>> -> memref<128x128xf32, #tpu.memory_space<vmem_shared>>
      tpu.enqueue_dma source(%arg5 : memref<128x128xf32, #tpu.memory_space<hbm>>) target(%dma_start3A_56 : memref<128x128xf32, #tpu.memory_space<vmem_shared>>) target_semaphore(%run_scoped3A : memref<!tpu.dma_semaphore, #tpu.memory_space<semaphore_mem>>)
      %dma_wait3A_57 = arith.constant 0 : i32
      %dma_wait3A_58 = tpu.memref_slice %arg12[%add3A_4, %dma_wait3A_57] : memref<10240x128xf32, #tpu.memory_space<vmem_shared>> -> memref<128x128xf32, #tpu.memory_space<vmem_shared>>
      tpu.wait_dma2 semaphore(%run_scoped3A : memref<!tpu.dma_semaphore, #tpu.memory_space<semaphore_mem>>) src(%arg5 : memref<128x128xf32, #tpu.memory_space<hbm>>) dst(%dma_wait3A_58 : memref<128x128xf32, #tpu.memory_space<vmem_shared>>)
      tpu.yield
    }) : () -> ()
    %mul3A_5 = arith.constant 640 : i32
    %mul3A_6 = arith.muli %arg1, %mul3A_5 : i32
    %add3A_7 = arith.constant 128 : i32
    %add3A_8 = arith.addi %mul3A_6, %add3A_7 : i32
    "tpu.region"() ({
      %run_scoped3A = tpu.sem_alloc : memref<!tpu.dma_semaphore, #tpu.memory_space<semaphore_mem>>
      %dma_start3A_55 = arith.constant 0 : i32
      %dma_start3A_56 = tpu.memref_slice %arg12[%add3A_8, %dma_start3A_55] : memref<10240x128xf32, #tpu.memory_space<vmem_shared>> -> memref<128x128xf32, #tpu.memory_space<vmem_shared>>
      tpu.enqueue_dma source(%arg5 : memref<128x128xf32, #tpu.memory_space<hbm>>) target(%dma_start3A_56 : memref<128x128xf32, #tpu.memory_space<vmem_shared>>) target_semaphore(%run_scoped3A : memref<!tpu.dma_semaphore, #tpu.memory_space<semaphore_mem>>)
      %dma_wait3A_57 = arith.constant 0 : i32
      %dma_wait3A_58 = tpu.memref_slice %arg12[%add3A_8, %dma_wait3A_57] : memref<10240x128xf32, #tpu.memory_space<vmem_shared>> -> memref<128x128xf32, #tpu.memory_space<vmem_shared>>
      tpu.wait_dma2 semaphore(%run_scoped3A : memref<!tpu.dma_semaphore, #tpu.memory_space<semaphore_mem>>) src(%arg5 : memref<128x128xf32, #tpu.memory_space<hbm>>) dst(%dma_wait3A_58 : memref<128x128xf32, #tpu.memory_space<vmem_shared>>)
      tpu.yield
    }) : () -> ()
    %mul3A_9 = arith.constant 640 : i32
    %mul3A_10 = arith.muli %arg1, %mul3A_9 : i32
    %add3A_11 = arith.constant 256 : i32
    %add3A_12 = arith.addi %mul3A_10, %add3A_11 : i32
    "tpu.region"() ({
      %run_scoped3A = tpu.sem_alloc : memref<!tpu.dma_semaphore, #tpu.memory_space<semaphore_mem>>
      %dma_start3A_55 = arith.constant 0 : i32
      %dma_start3A_56 = tpu.memref_slice %arg12[%add3A_12, %dma_start3A_55] : memref<10240x128xf32, #tpu.memory_space<vmem_shared>> -> memref<128x128xf32, #tpu.memory_space<vmem_shared>>
      tpu.enqueue_dma source(%arg5 : memref<128x128xf32, #tpu.memory_space<hbm>>) target(%dma_start3A_56 : memref<128x128xf32, #tpu.memory_space<vmem_shared>>) target_semaphore(%run_scoped3A : memref<!tpu.dma_semaphore, #tpu.memory_space<semaphore_mem>>)
      %dma_wait3A_57 = arith.constant 0 : i32
      %dma_wait3A_58 = tpu.memref_slice %arg12[%add3A_12, %dma_wait3A_57] : memref<10240x128xf32, #tpu.memory_space<vmem_shared>> -> memref<128x128xf32, #tpu.memory_space<vmem_shared>>
      tpu.wait_dma2 semaphore(%run_scoped3A : memref<!tpu.dma_semaphore, #tpu.memory_space<semaphore_mem>>) src(%arg5 : memref<128x128xf32, #tpu.memory_space<hbm>>) dst(%dma_wait3A_58 : memref<128x128xf32, #tpu.memory_space<vmem_shared>>)
      tpu.yield
    }) : () -> ()
    %mul3A_13 = arith.constant 640 : i32
    %mul3A_14 = arith.muli %arg1, %mul3A_13 : i32
    %add3A_15 = arith.constant 384 : i32
    %add3A_16 = arith.addi %mul3A_14, %add3A_15 : i32
    "tpu.region"() ({
      %run_scoped3A = tpu.sem_alloc : memref<!tpu.dma_semaphore, #tpu.memory_space<semaphore_mem>>
      %dma_start3A_55 = arith.constant 0 : i32
      %dma_start3A_56 = tpu.memref_slice %arg12[%add3A_16, %dma_start3A_55] : memref<10240x128xf32, #tpu.memory_space<vmem_shared>> -> memref<128x128xf32, #tpu.memory_space<vmem_shared>>
      tpu.enqueue_dma source(%arg5 : memref<128x128xf32, #tpu.memory_space<hbm>>) target(%dma_start3A_56 : memref<128x128xf32, #tpu.memory_space<vmem_shared>>) target_semaphore(%run_scoped3A : memref<!tpu.dma_semaphore, #tpu.memory_space<semaphore_mem>>)
      %dma_wait3A_57 = arith.constant 0 : i32
      %dma_wait3A_58 = tpu.memref_slice %arg12[%add3A_16, %dma_wait3A_57] : memref<10240x128xf32, #tpu.memory_space<vmem_shared>> -> memref<128x128xf32, #tpu.memory_space<vmem_shared>>
      tpu.wait_dma2 semaphore(%run_scoped3A : memref<!tpu.dma_semaphore, #tpu.memory_space<semaphore_mem>>) src(%arg5 : memref<128x128xf32, #tpu.memory_space<hbm>>) dst(%dma_wait3A_58 : memref<128x128xf32, #tpu.memory_space<vmem_shared>>)
      tpu.yield
    }) : () -> ()
    %mul3A_17 = arith.constant 640 : i32
    %mul3A_18 = arith.muli %arg1, %mul3A_17 : i32
    %add3A_19 = arith.constant 512 : i32
    %add3A_20 = arith.addi %mul3A_18, %add3A_19 : i32
    "tpu.region"() ({
      %run_scoped3A = tpu.sem_alloc : memref<!tpu.dma_semaphore, #tpu.memory_space<semaphore_mem>>
      %dma_start3A_55 = arith.constant 0 : i32
      %dma_start3A_56 = tpu.memref_slice %arg12[%add3A_20, %dma_start3A_55] : memref<10240x128xf32, #tpu.memory_space<vmem_shared>> -> memref<128x128xf32, #tpu.memory_space<vmem_shared>>
      tpu.enqueue_dma source(%arg5 : memref<128x128xf32, #tpu.memory_space<hbm>>) target(%dma_start3A_56 : memref<128x128xf32, #tpu.memory_space<vmem_shared>>) target_semaphore(%run_scoped3A : memref<!tpu.dma_semaphore, #tpu.memory_space<semaphore_mem>>)
      %dma_wait3A_57 = arith.constant 0 : i32
      %dma_wait3A_58 = tpu.memref_slice %arg12[%add3A_20, %dma_wait3A_57] : memref<10240x128xf32, #tpu.memory_space<vmem_shared>> -> memref<128x128xf32, #tpu.memory_space<vmem_shared>>
      tpu.wait_dma2 semaphore(%run_scoped3A : memref<!tpu.dma_semaphore, #tpu.memory_space<semaphore_mem>>) src(%arg5 : memref<128x128xf32, #tpu.memory_space<hbm>>) dst(%dma_wait3A_58 : memref<128x128xf32, #tpu.memory_space<vmem_shared>>)
      tpu.yield
    }) : () -> ()
    "tpu.region"() ({
      %run_scoped3A = tpu.sem_alloc : memref<!tpu.dma_semaphore, #tpu.memory_space<semaphore_mem>>
      %dma_start3A_55 = arith.constant 0 : i32
      %dma_start3A_56 = arith.constant 0 : i32
      %dma_start3A_57 = tpu.memref_slice %arg3[%add3A, %dma_start3A_55, %dma_start3A_56] : memref<32x125x80xi32, #tpu.memory_space<hbm>> -> memref<1x125x80xi32, #tpu.memory_space<hbm>>
      %dma_start3A_58 = arith.constant 0 : i32
      %dma_start3A_59 = arith.constant 0 : i32
      %dma_start3A_60 = tpu.memref_slice %arg3[%add3A, %dma_start3A_58, %dma_start3A_59] : memref<32x125x80xi32, #tpu.memory_space<hbm>> -> memref<1x125x80xi32, #tpu.memory_space<hbm>>
      tpu.enqueue_dma source(%dma_start3A_60 : memref<1x125x80xi32, #tpu.memory_space<hbm>>) target(%arg7 : memref<1x125x80xi32, #tpu.memory_space<vmem>>) target_semaphore(%run_scoped3A : memref<!tpu.dma_semaphore, #tpu.memory_space<semaphore_mem>>)
      %dma_wait3A_61 = arith.constant 0 : i32
      %dma_wait3A_62 = arith.constant 0 : i32
      %dma_wait3A_63 = tpu.memref_slice %arg3[%add3A, %dma_wait3A_61, %dma_wait3A_62] : memref<32x125x80xi32, #tpu.memory_space<hbm>> -> memref<1x125x80xi32, #tpu.memory_space<hbm>>
      %dma_wait3A_64 = arith.constant 0 : i32
      %dma_wait3A_65 = arith.constant 0 : i32
      %dma_wait3A_66 = tpu.memref_slice %arg3[%add3A, %dma_wait3A_64, %dma_wait3A_65] : memref<32x125x80xi32, #tpu.memory_space<hbm>> -> memref<1x125x80xi32, #tpu.memory_space<hbm>>
      tpu.wait_dma2 semaphore(%run_scoped3A : memref<!tpu.dma_semaphore, #tpu.memory_space<semaphore_mem>>) src(%dma_wait3A_66 : memref<1x125x80xi32, #tpu.memory_space<hbm>>) dst(%arg7 : memref<1x125x80xi32, #tpu.memory_space<vmem>>)
      tpu.yield
    }) : () -> ()
    %barrier3A = arith.constant 0 : index
    tpu.barrier barrier_id(%barrier3A)
    %mul3A_21 = arith.constant 10000 : i32
    %mul3A_22 = arith.muli %add3A, %mul3A_21 : i32
    %dma_start3A = tpu.memref_slice %arg4[%mul3A_22] : memref<320000xi32, #tpu.memory_space<hbm>> -> memref<80xi32, #tpu.memory_space<hbm>>
    %dma_start3A_23 = tpu.memref_slice %arg4[%mul3A_22] : memref<320000xi32, #tpu.memory_space<hbm>> -> memref<80xi32, #tpu.memory_space<hbm>>
    tpu.enqueue_dma source(%dma_start3A_23 : memref<80xi32, #tpu.memory_space<hbm>>) target(%arg8 : memref<80xi32, #tpu.memory_space<vmem>>) target_semaphore(%arg15 : memref<!tpu.dma_semaphore, #tpu.memory_space<semaphore_mem>>)
    %dma_start3A_24 = arith.constant 0 : i32
    %dma_start3A_25 = arith.constant 0 : i32
    %dma_start3A_26 = arith.constant 0 : i32
    %dma_start3A_27 = tpu.memref_slice %arg7[%dma_start3A_24, %dma_start3A_25, %dma_start3A_26] : memref<1x125x80xi32, #tpu.memory_space<vmem>> -> memref<1x1x80xi32, #tpu.memory_space<vmem>>
    %dma_start3A_28 = tpu.memref_squeeze %dma_start3A_27 : memref<1x1x80xi32, #tpu.memory_space<vmem>> -> memref<80xi32, #tpu.memory_space<vmem>>
    %dma_start3A_29 = arith.constant 0 : i32
    %dma_start3A_30 = arith.constant 0 : i32
    %dma_start3A_31 = tpu.memref_slice %arg2[%dma_start3A_29, %dma_start3A_30] : memref<10000x128xf32, #tpu.memory_space<hbm>> -> memref<10000x128xf32, #tpu.memory_space<hbm>>
    tpu.enqueue_indirect_dma source(%dma_start3A_31 : memref<10000x128xf32, #tpu.memory_space<hbm>>) target(%arg10 : memref<80x128xf32, #tpu.memory_space<vmem>>) offsets(%dma_start3A_28 : memref<80xi32, #tpu.memory_space<vmem>>) semaphore(%arg13 : memref<!tpu.dma_semaphore, #tpu.memory_space<semaphore_mem>>)
    %scan3A = arith.constant 0 : i32
    %scan3A_32 = arith.constant 0 : i32
    %scan3A_33 = arith.constant 62 : i32
    %scan3A_34 = arith.addi %scan3A_32, %scan3A_33 : i32
    %scan3A_35 = arith.constant 1 : i32
    scf.for %scan3A_55 = %scan3A_32 to %scan3A_34 step %scan3A_35  : i32 {
      %mul3A_56 = arith.constant 2 : i32
      %mul3A_57 = arith.muli %mul3A_56, %scan3A_55 : i32
      %mul3A_58 = arith.constant 10000 : i32
      %mul3A_59 = arith.muli %add3A, %mul3A_58 : i32
      %mul3A_60 = arith.constant 80 : i32
      %mul3A_61 = arith.muli %mul3A_57, %mul3A_60 : i32
      %add3A_62 = arith.addi %mul3A_59, %mul3A_61 : i32
      %multiple_of3A = tpu.assume_multiple %add3A_62, 8 : i32
      %add3A_63 = arith.constant 80 : i32
      %add3A_64 = arith.addi %multiple_of3A, %add3A_63 : i32
      %dma_start3A_65 = tpu.memref_slice %arg4[%add3A_64] : memref<320000xi32, #tpu.memory_space<hbm>> -> memref<80xi32, #tpu.memory_space<hbm>>
      %dma_start3A_66 = tpu.memref_slice %arg4[%add3A_64] : memref<320000xi32, #tpu.memory_space<hbm>> -> memref<80xi32, #tpu.memory_space<hbm>>
      tpu.enqueue_dma source(%dma_start3A_66 : memref<80xi32, #tpu.memory_space<hbm>>) target(%arg9 : memref<80xi32, #tpu.memory_space<vmem>>) target_semaphore(%arg16 : memref<!tpu.dma_semaphore, #tpu.memory_space<semaphore_mem>>)
      %add3A_67 = arith.constant 1 : i32
      %add3A_68 = arith.addi %mul3A_57, %add3A_67 : i32
      %dma_start3A_69 = arith.constant 0 : i32
      %dma_start3A_70 = arith.constant 0 : i32
      %dma_start3A_71 = tpu.memref_slice %arg7[%dma_start3A_69, %add3A_68, %dma_start3A_70] : memref<1x125x80xi32, #tpu.memory_space<vmem>> -> memref<1x1x80xi32, #tpu.memory_space<vmem>>
      %dma_start3A_72 = tpu.memref_squeeze %dma_start3A_71 : memref<1x1x80xi32, #tpu.memory_space<vmem>> -> memref<80xi32, #tpu.memory_space<vmem>>
      %dma_start3A_73 = arith.constant 0 : i32
      %dma_start3A_74 = arith.constant 0 : i32
      %dma_start3A_75 = tpu.memref_slice %arg2[%dma_start3A_73, %dma_start3A_74] : memref<10000x128xf32, #tpu.memory_space<hbm>> -> memref<10000x128xf32, #tpu.memory_space<hbm>>
      tpu.enqueue_indirect_dma source(%dma_start3A_75 : memref<10000x128xf32, #tpu.memory_space<hbm>>) target(%arg11 : memref<80x128xf32, #tpu.memory_space<vmem>>) offsets(%dma_start3A_72 : memref<80xi32, #tpu.memory_space<vmem>>) semaphore(%arg14 : memref<!tpu.dma_semaphore, #tpu.memory_space<semaphore_mem>>)
      %dma_wait3A_76 = tpu.memref_slice %arg4[%multiple_of3A] : memref<320000xi32, #tpu.memory_space<hbm>> -> memref<80xi32, #tpu.memory_space<hbm>>
      %dma_wait3A_77 = tpu.memref_slice %arg4[%multiple_of3A] : memref<320000xi32, #tpu.memory_space<hbm>> -> memref<80xi32, #tpu.memory_space<hbm>>
      tpu.wait_dma2 semaphore(%arg15 : memref<!tpu.dma_semaphore, #tpu.memory_space<semaphore_mem>>) src(%dma_wait3A_77 : memref<80xi32, #tpu.memory_space<hbm>>) dst(%arg8 : memref<80xi32, #tpu.memory_space<vmem>>)
      %dma_wait3A_78 = arith.constant 0 : i32
      %dma_wait3A_79 = arith.constant 0 : i32
      %dma_wait3A_80 = tpu.memref_slice %arg7[%dma_wait3A_78, %mul3A_57, %dma_wait3A_79] : memref<1x125x80xi32, #tpu.memory_space<vmem>> -> memref<1x1x80xi32, #tpu.memory_space<vmem>>
      %dma_wait3A_81 = tpu.memref_squeeze %dma_wait3A_80 : memref<1x1x80xi32, #tpu.memory_space<vmem>> -> memref<80xi32, #tpu.memory_space<vmem>>
      %dma_wait3A_82 = arith.constant 0 : i32
      %dma_wait3A_83 = arith.constant 0 : i32
      %dma_wait3A_84 = tpu.memref_slice %arg2[%dma_wait3A_82, %dma_wait3A_83] : memref<10000x128xf32, #tpu.memory_space<hbm>> -> memref<10000x128xf32, #tpu.memory_space<hbm>>
      tpu.wait_indirect_dma semaphore(%arg13 : memref<!tpu.dma_semaphore, #tpu.memory_space<semaphore_mem>>) src(%dma_wait3A_84 : memref<10000x128xf32, #tpu.memory_space<hbm>>) dst(%arg10 : memref<80x128xf32, #tpu.memory_space<vmem>>)
      "tpu.region"() ({
        %run_scoped3A = tpu.sem_alloc : memref<!tpu.dma_semaphore, #tpu.memory_space<semaphore_mem>>
        %dma_start3A_111 = arith.constant 0 : i32
        %dma_start3A_112 = arith.constant 0 : i32
        %dma_start3A_113 = tpu.memref_slice %arg12[%dma_start3A_111, %dma_start3A_112] : memref<10240x128xf32, #tpu.memory_space<vmem_shared>> -> memref<10240x128xf32, #tpu.memory_space<vmem_shared>>
        tpu.enqueue_indirect_dma source(%arg10 : memref<80x128xf32, #tpu.memory_space<vmem>>) target(%dma_start3A_113 : memref<10240x128xf32, #tpu.memory_space<vmem_shared>>) offsets(%arg8 : memref<80xi32, #tpu.memory_space<vmem>>) semaphore(%run_scoped3A : memref<!tpu.dma_semaphore, #tpu.memory_space<semaphore_mem>>) {add = true}
        %dma_wait3A_114 = arith.constant 0 : i32
        %dma_wait3A_115 = arith.constant 0 : i32
        %dma_wait3A_116 = tpu.memref_slice %arg12[%dma_wait3A_114, %dma_wait3A_115] : memref<10240x128xf32, #tpu.memory_space<vmem_shared>> -> memref<10240x128xf32, #tpu.memory_space<vmem_shared>>
        tpu.wait_indirect_dma semaphore(%run_scoped3A : memref<!tpu.dma_semaphore, #tpu.memory_space<semaphore_mem>>) src(%arg10 : memref<80x128xf32, #tpu.memory_space<vmem>>) dst(%dma_wait3A_116 : memref<10240x128xf32, #tpu.memory_space<vmem_shared>>)
        tpu.yield
      }) : () -> ()
      %add3A_85 = arith.constant 160 : i32
      %add3A_86 = arith.addi %multiple_of3A, %add3A_85 : i32
      %dma_start3A_87 = tpu.memref_slice %arg4[%add3A_86] : memref<320000xi32, #tpu.memory_space<hbm>> -> memref<80xi32, #tpu.memory_space<hbm>>
      %dma_start3A_88 = tpu.memref_slice %arg4[%add3A_86] : memref<320000xi32, #tpu.memory_space<hbm>> -> memref<80xi32, #tpu.memory_space<hbm>>
      tpu.enqueue_dma source(%dma_start3A_88 : memref<80xi32, #tpu.memory_space<hbm>>) target(%arg8 : memref<80xi32, #tpu.memory_space<vmem>>) target_semaphore(%arg15 : memref<!tpu.dma_semaphore, #tpu.memory_space<semaphore_mem>>)
      %add3A_89 = arith.constant 2 : i32
      %add3A_90 = arith.addi %mul3A_57, %add3A_89 : i32
      %dma_start3A_91 = arith.constant 0 : i32
      %dma_start3A_92 = arith.constant 0 : i32
      %dma_start3A_93 = tpu.memref_slice %arg7[%dma_start3A_91, %add3A_90, %dma_start3A_92] : memref<1x125x80xi32, #tpu.memory_space<vmem>> -> memref<1x1x80xi32, #tpu.memory_space<vmem>>
      %dma_start3A_94 = tpu.memref_squeeze %dma_start3A_93 : memref<1x1x80xi32, #tpu.memory_space<vmem>> -> memref<80xi32, #tpu.memory_space<vmem>>
      %dma_start3A_95 = arith.constant 0 : i32
      %dma_start3A_96 = arith.constant 0 : i32
      %dma_start3A_97 = tpu.memref_slice %arg2[%dma_start3A_95, %dma_start3A_96] : memref<10000x128xf32, #tpu.memory_space<hbm>> -> memref<10000x128xf32, #tpu.memory_space<hbm>>
      tpu.enqueue_indirect_dma source(%dma_start3A_97 : memref<10000x128xf32, #tpu.memory_space<hbm>>) target(%arg10 : memref<80x128xf32, #tpu.memory_space<vmem>>) offsets(%dma_start3A_94 : memref<80xi32, #tpu.memory_space<vmem>>) semaphore(%arg13 : memref<!tpu.dma_semaphore, #tpu.memory_space<semaphore_mem>>)
      %add3A_98 = arith.constant 80 : i32
      %add3A_99 = arith.addi %multiple_of3A, %add3A_98 : i32
      %dma_wait3A_100 = tpu.memref_slice %arg4[%add3A_99] : memref<320000xi32, #tpu.memory_space<hbm>> -> memref<80xi32, #tpu.memory_space<hbm>>
      %dma_wait3A_101 = tpu.memref_slice %arg4[%add3A_99] : memref<320000xi32, #tpu.memory_space<hbm>> -> memref<80xi32, #tpu.memory_space<hbm>>
      tpu.wait_dma2 semaphore(%arg16 : memref<!tpu.dma_semaphore, #tpu.memory_space<semaphore_mem>>) src(%dma_wait3A_101 : memref<80xi32, #tpu.memory_space<hbm>>) dst(%arg9 : memref<80xi32, #tpu.memory_space<vmem>>)
      %add3A_102 = arith.constant 1 : i32
      %add3A_103 = arith.addi %mul3A_57, %add3A_102 : i32
      %dma_wait3A_104 = arith.constant 0 : i32
      %dma_wait3A_105 = arith.constant 0 : i32
      %dma_wait3A_106 = tpu.memref_slice %arg7[%dma_wait3A_104, %add3A_103, %dma_wait3A_105] : memref<1x125x80xi32, #tpu.memory_space<vmem>> -> memref<1x1x80xi32, #tpu.memory_space<vmem>>
      %dma_wait3A_107 = tpu.memref_squeeze %dma_wait3A_106 : memref<1x1x80xi32, #tpu.memory_space<vmem>> -> memref<80xi32, #tpu.memory_space<vmem>>
      %dma_wait3A_108 = arith.constant 0 : i32
      %dma_wait3A_109 = arith.constant 0 : i32
      %dma_wait3A_110 = tpu.memref_slice %arg2[%dma_wait3A_108, %dma_wait3A_109] : memref<10000x128xf32, #tpu.memory_space<hbm>> -> memref<10000x128xf32, #tpu.memory_space<hbm>>
      tpu.wait_indirect_dma semaphore(%arg14 : memref<!tpu.dma_semaphore, #tpu.memory_space<semaphore_mem>>) src(%dma_wait3A_110 : memref<10000x128xf32, #tpu.memory_space<hbm>>) dst(%arg11 : memref<80x128xf32, #tpu.memory_space<vmem>>)
      "tpu.region"() ({
        %run_scoped3A = tpu.sem_alloc : memref<!tpu.dma_semaphore, #tpu.memory_space<semaphore_mem>>
        %dma_start3A_111 = arith.constant 0 : i32
        %dma_start3A_112 = arith.constant 0 : i32
        %dma_start3A_113 = tpu.memref_slice %arg12[%dma_start3A_111, %dma_start3A_112] : memref<10240x128xf32, #tpu.memory_space<vmem_shared>> -> memref<10240x128xf32, #tpu.memory_space<vmem_shared>>
        tpu.enqueue_indirect_dma source(%arg11 : memref<80x128xf32, #tpu.memory_space<vmem>>) target(%dma_start3A_113 : memref<10240x128xf32, #tpu.memory_space<vmem_shared>>) offsets(%arg9 : memref<80xi32, #tpu.memory_space<vmem>>) semaphore(%run_scoped3A : memref<!tpu.dma_semaphore, #tpu.memory_space<semaphore_mem>>) {add = true}
        %dma_wait3A_114 = arith.constant 0 : i32
        %dma_wait3A_115 = arith.constant 0 : i32
        %dma_wait3A_116 = tpu.memref_slice %arg12[%dma_wait3A_114, %dma_wait3A_115] : memref<10240x128xf32, #tpu.memory_space<vmem_shared>> -> memref<10240x128xf32, #tpu.memory_space<vmem_shared>>
        tpu.wait_indirect_dma semaphore(%run_scoped3A : memref<!tpu.dma_semaphore, #tpu.memory_space<semaphore_mem>>) src(%arg11 : memref<80x128xf32, #tpu.memory_space<vmem>>) dst(%dma_wait3A_116 : memref<10240x128xf32, #tpu.memory_space<vmem_shared>>)
        tpu.yield
      }) : () -> ()
    }
    %scan3A_36 = arith.constant 62 : i32
    %mul3A_37 = arith.constant 10000 : i32
    %mul3A_38 = arith.muli %add3A, %mul3A_37 : i32
    %add3A_39 = arith.constant 9920 : i32
    %add3A_40 = arith.addi %mul3A_38, %add3A_39 : i32
    %dma_wait3A = tpu.memref_slice %arg4[%add3A_40] : memref<320000xi32, #tpu.memory_space<hbm>> -> memref<80xi32, #tpu.memory_space<hbm>>
    %dma_wait3A_41 = tpu.memref_slice %arg4[%add3A_40] : memref<320000xi32, #tpu.memory_space<hbm>> -> memref<80xi32, #tpu.memory_space<hbm>>
    tpu.wait_dma2 semaphore(%arg15 : memref<!tpu.dma_semaphore, #tpu.memory_space<semaphore_mem>>) src(%dma_wait3A_41 : memref<80xi32, #tpu.memory_space<hbm>>) dst(%arg8 : memref<80xi32, #tpu.memory_space<vmem>>)
    %dma_wait3A_42 = arith.constant 0 : i32
    %dma_wait3A_43 = arith.constant 124 : i32
    %dma_wait3A_44 = arith.constant 0 : i32
    %dma_wait3A_45 = tpu.memref_slice %arg7[%dma_wait3A_42, %dma_wait3A_43, %dma_wait3A_44] : memref<1x125x80xi32, #tpu.memory_space<vmem>> -> memref<1x1x80xi32, #tpu.memory_space<vmem>>
    %dma_wait3A_46 = tpu.memref_squeeze %dma_wait3A_45 : memref<1x1x80xi32, #tpu.memory_space<vmem>> -> memref<80xi32, #tpu.memory_space<vmem>>
    %dma_wait3A_47 = arith.constant 0 : i32
    %dma_wait3A_48 = arith.constant 0 : i32
    %dma_wait3A_49 = tpu.memref_slice %arg2[%dma_wait3A_47, %dma_wait3A_48] : memref<10000x128xf32, #tpu.memory_space<hbm>> -> memref<10000x128xf32, #tpu.memory_space<hbm>>
    tpu.wait_indirect_dma semaphore(%arg13 : memref<!tpu.dma_semaphore, #tpu.memory_space<semaphore_mem>>) src(%dma_wait3A_49 : memref<10000x128xf32, #tpu.memory_space<hbm>>) dst(%arg10 : memref<80x128xf32, #tpu.memory_space<vmem>>)
    "tpu.region"() ({
      %run_scoped3A = tpu.sem_alloc : memref<!tpu.dma_semaphore, #tpu.memory_space<semaphore_mem>>
      %dma_start3A_55 = arith.constant 0 : i32
      %dma_start3A_56 = arith.constant 0 : i32
      %dma_start3A_57 = tpu.memref_slice %arg12[%dma_start3A_55, %dma_start3A_56] : memref<10240x128xf32, #tpu.memory_space<vmem_shared>> -> memref<10240x128xf32, #tpu.memory_space<vmem_shared>>
      tpu.enqueue_indirect_dma source(%arg10 : memref<80x128xf32, #tpu.memory_space<vmem>>) target(%dma_start3A_57 : memref<10240x128xf32, #tpu.memory_space<vmem_shared>>) offsets(%arg8 : memref<80xi32, #tpu.memory_space<vmem>>) semaphore(%run_scoped3A : memref<!tpu.dma_semaphore, #tpu.memory_space<semaphore_mem>>) {add = true}
      %dma_wait3A_58 = arith.constant 0 : i32
      %dma_wait3A_59 = arith.constant 0 : i32
      %dma_wait3A_60 = tpu.memref_slice %arg12[%dma_wait3A_58, %dma_wait3A_59] : memref<10240x128xf32, #tpu.memory_space<vmem_shared>> -> memref<10240x128xf32, #tpu.memory_space<vmem_shared>>
      tpu.wait_indirect_dma semaphore(%run_scoped3A : memref<!tpu.dma_semaphore, #tpu.memory_space<semaphore_mem>>) src(%arg10 : memref<80x128xf32, #tpu.memory_space<vmem>>) dst(%dma_wait3A_60 : memref<10240x128xf32, #tpu.memory_space<vmem_shared>>)
      tpu.yield
    }) : () -> ()
    %barrier3A_50 = arith.constant 0 : index
    tpu.barrier barrier_id(%barrier3A_50)
    %mul3A_51 = arith.constant 640 : i32
    %mul3A_52 = arith.muli %arg1, %mul3A_51 : i32
    %mul3A_53 = arith.constant 640 : i32
    %mul3A_54 = arith.muli %arg1, %mul3A_53 : i32
    "tpu.region"() ({
      %run_scoped3A = tpu.sem_alloc : memref<!tpu.dma_semaphore, #tpu.memory_space<semaphore_mem>>
      %dma_start3A_55 = arith.constant 0 : i32
      %dma_start3A_56 = tpu.memref_slice %arg6[%arg0, %mul3A_54, %dma_start3A_55] : memref<2x10240x128xf32, #tpu.memory_space<hbm>> -> memref<1x640x128xf32, #tpu.memory_space<hbm>>
      %dma_start3A_57 = tpu.memref_squeeze %dma_start3A_56 : memref<1x640x128xf32, #tpu.memory_space<hbm>> -> memref<640x128xf32, #tpu.memory_space<hbm>>
      %dma_start3A_58 = arith.constant 0 : i32
      %dma_start3A_59 = tpu.memref_slice %arg12[%mul3A_52, %dma_start3A_58] : memref<10240x128xf32, #tpu.memory_space<vmem_shared>> -> memref<640x128xf32, #tpu.memory_space<vmem_shared>>
      tpu.enqueue_dma source(%dma_start3A_59 : memref<640x128xf32, #tpu.memory_space<vmem_shared>>) target(%dma_start3A_57 : memref<640x128xf32, #tpu.memory_space<hbm>>) target_semaphore(%run_scoped3A : memref<!tpu.dma_semaphore, #tpu.memory_space<semaphore_mem>>)
      %dma_wait3A_60 = arith.constant 0 : i32
      %dma_wait3A_61 = tpu.memref_slice %arg6[%arg0, %mul3A_54, %dma_wait3A_60] : memref<2x10240x128xf32, #tpu.memory_space<hbm>> -> memref<1x640x128xf32, #tpu.memory_space<hbm>>
      %dma_wait3A_62 = tpu.memref_squeeze %dma_wait3A_61 : memref<1x640x128xf32, #tpu.memory_space<hbm>> -> memref<640x128xf32, #tpu.memory_space<hbm>>
      %dma_wait3A_63 = arith.constant 0 : i32
      %dma_wait3A_64 = tpu.memref_slice %arg12[%mul3A_52, %dma_wait3A_63] : memref<10240x128xf32, #tpu.memory_space<vmem_shared>> -> memref<640x128xf32, #tpu.memory_space<vmem_shared>>
      tpu.wait_dma2 semaphore(%run_scoped3A : memref<!tpu.dma_semaphore, #tpu.memory_space<semaphore_mem>>) src(%dma_wait3A_64 : memref<640x128xf32, #tpu.memory_space<vmem_shared>>) dst(%dma_wait3A_62 : memref<640x128xf32, #tpu.memory_space<hbm>>)
      tpu.yield
    }) : () -> ()
    return
  }
}

#map = affine_map<(d0, d1) -> (0)>
#map1 = affine_map<(d0, d1) -> (0, 0)>
module attributes {stable_mosaic.version = 14 : i64} {
  func.func @_deg_body(%arg0: i32, %arg1: i32, %arg2: memref<320000xi32, #tpu.memory_space<hbm>>, %arg3: memref<80xf32, #tpu.memory_space<hbm>>, %arg4: memref<640xf32, #tpu.memory_space<hbm>>, %arg5: memref<2x10240xf32, #tpu.memory_space<hbm>>, %arg6: memref<125x80xi32, #tpu.memory_space<vmem>>, %arg7: memref<80xf32, #tpu.memory_space<vmem>>, %arg8: memref<10240xf32, #tpu.memory_space<vmem_shared>>, %arg9: memref<!tpu.dma_semaphore, #tpu.memory_space<semaphore_mem>>, %arg10: memref<!tpu.dma_semaphore, #tpu.memory_space<semaphore_mem>>) attributes {dimension_semantics = [#tpu.dimension_semantics<core_parallel>, #tpu.dimension_semantics<subcore_parallel>], iteration_bounds = array<i64: 2, 16>, scalar_prefetch = 0 : i64, scratch_operands = 5 : i64, tpu.core_type = #tpu.core_type<sc_vector_subcore>, window_params = [{transform_indices = #map}, {transform_indices = #map}, {transform_indices = #map}, {transform_indices = #map1}]} {
    %mul3A = arith.constant 16 : i32
    %mul3A_0 = arith.muli %arg0, %mul3A : i32
    %add3A = arith.addi %mul3A_0, %arg1 : i32
    %mul3A_1 = arith.constant 640 : i32
    %mul3A_2 = arith.muli %arg1, %mul3A_1 : i32
    "tpu.region"() ({
      %run_scoped3A = tpu.sem_alloc : memref<!tpu.dma_semaphore, #tpu.memory_space<semaphore_mem>>
      %dma_start3A = tpu.memref_slice %arg8[%mul3A_2] : memref<10240xf32, #tpu.memory_space<vmem_shared>> -> memref<640xf32, #tpu.memory_space<vmem_shared>>
      tpu.enqueue_dma source(%arg4 : memref<640xf32, #tpu.memory_space<hbm>>) target(%dma_start3A : memref<640xf32, #tpu.memory_space<vmem_shared>>) target_semaphore(%run_scoped3A : memref<!tpu.dma_semaphore, #tpu.memory_space<semaphore_mem>>)
      %dma_wait3A = tpu.memref_slice %arg8[%mul3A_2] : memref<10240xf32, #tpu.memory_space<vmem_shared>> -> memref<640xf32, #tpu.memory_space<vmem_shared>>
      tpu.wait_dma2 semaphore(%run_scoped3A : memref<!tpu.dma_semaphore, #tpu.memory_space<semaphore_mem>>) src(%arg4 : memref<640xf32, #tpu.memory_space<hbm>>) dst(%dma_wait3A : memref<640xf32, #tpu.memory_space<vmem_shared>>)
      tpu.yield
    }) : () -> ()
    "tpu.region"() ({
      %run_scoped3A = tpu.sem_alloc : memref<!tpu.dma_semaphore, #tpu.memory_space<semaphore_mem>>
      tpu.enqueue_dma source(%arg3 : memref<80xf32, #tpu.memory_space<hbm>>) target(%arg7 : memref<80xf32, #tpu.memory_space<vmem>>) target_semaphore(%run_scoped3A : memref<!tpu.dma_semaphore, #tpu.memory_space<semaphore_mem>>)
      tpu.wait_dma2 semaphore(%run_scoped3A : memref<!tpu.dma_semaphore, #tpu.memory_space<semaphore_mem>>) src(%arg3 : memref<80xf32, #tpu.memory_space<hbm>>) dst(%arg7 : memref<80xf32, #tpu.memory_space<vmem>>)
      tpu.yield
    }) : () -> ()
    %scan3A = arith.constant 0 : i32
    %scan3A_3 = arith.constant 0 : i32
    %scan3A_4 = arith.constant 5 : i32
    %scan3A_5 = arith.addi %scan3A_3, %scan3A_4 : i32
    %scan3A_6 = arith.constant 1 : i32
    scf.for %scan3A_19 = %scan3A_3 to %scan3A_5 step %scan3A_6  : i32 {
      %scan3A_20 = arith.constant 0 : i32
      %scan3A_21 = arith.constant 0 : i32
      %scan3A_22 = arith.constant 25 : i32
      %scan3A_23 = arith.addi %scan3A_21, %scan3A_22 : i32
      %scan3A_24 = arith.constant 1 : i32
      scf.for %scan3A_32 = %scan3A_21 to %scan3A_23 step %scan3A_24  : i32 {
        %mul3A_33 = arith.constant 10000 : i32
        %mul3A_34 = arith.muli %add3A, %mul3A_33 : i32
        %mul3A_35 = arith.constant 25 : i32
        %mul3A_36 = arith.muli %scan3A_19, %mul3A_35 : i32
        %add3A_37 = arith.addi %mul3A_36, %scan3A_32 : i32
        %mul3A_38 = arith.constant 80 : i32
        %mul3A_39 = arith.muli %add3A_37, %mul3A_38 : i32
        %add3A_40 = arith.addi %mul3A_34, %mul3A_39 : i32
        %multiple_of3A = tpu.assume_multiple %add3A_40, 8 : i32
        %mul3A_41 = arith.constant 25 : i32
        %mul3A_42 = arith.muli %scan3A_19, %mul3A_41 : i32
        %add3A_43 = arith.addi %mul3A_42, %scan3A_32 : i32
        %dma_start3A = arith.constant 0 : i32
        %dma_start3A_44 = tpu.memref_slice %arg6[%add3A_43, %dma_start3A] : memref<125x80xi32, #tpu.memory_space<vmem>> -> memref<1x80xi32, #tpu.memory_space<vmem>>
        %dma_start3A_45 = tpu.memref_squeeze %dma_start3A_44 : memref<1x80xi32, #tpu.memory_space<vmem>> -> memref<80xi32, #tpu.memory_space<vmem>>
        %dma_start3A_46 = tpu.memref_slice %arg2[%multiple_of3A] : memref<320000xi32, #tpu.memory_space<hbm>> -> memref<80xi32, #tpu.memory_space<hbm>>
        %dma_start3A_47 = arith.constant 0 : i32
        %dma_start3A_48 = tpu.memref_slice %arg6[%add3A_43, %dma_start3A_47] : memref<125x80xi32, #tpu.memory_space<vmem>> -> memref<1x80xi32, #tpu.memory_space<vmem>>
        %dma_start3A_49 = tpu.memref_squeeze %dma_start3A_48 : memref<1x80xi32, #tpu.memory_space<vmem>> -> memref<80xi32, #tpu.memory_space<vmem>>
        %dma_start3A_50 = tpu.memref_slice %arg2[%multiple_of3A] : memref<320000xi32, #tpu.memory_space<hbm>> -> memref<80xi32, #tpu.memory_space<hbm>>
        tpu.enqueue_dma source(%dma_start3A_50 : memref<80xi32, #tpu.memory_space<hbm>>) target(%dma_start3A_49 : memref<80xi32, #tpu.memory_space<vmem>>) target_semaphore(%arg10 : memref<!tpu.dma_semaphore, #tpu.memory_space<semaphore_mem>>)
      }
      %scan3A_25 = arith.constant 25 : i32
      %scan3A_26 = arith.constant 0 : i32
      %scan3A_27 = arith.constant 0 : i32
      %scan3A_28 = arith.constant 25 : i32
      %scan3A_29 = arith.addi %scan3A_27, %scan3A_28 : i32
      %scan3A_30 = arith.constant 1 : i32
      scf.for %scan3A_32 = %scan3A_27 to %scan3A_29 step %scan3A_30  : i32 {
        %mul3A_33 = arith.constant 10000 : i32
        %mul3A_34 = arith.muli %add3A, %mul3A_33 : i32
        %dma_wait3A = arith.constant 0 : i32
        %dma_wait3A_35 = arith.constant 0 : i32
        %dma_wait3A_36 = tpu.memref_slice %arg6[%dma_wait3A, %dma_wait3A_35] : memref<125x80xi32, #tpu.memory_space<vmem>> -> memref<1x80xi32, #tpu.memory_space<vmem>>
        %dma_wait3A_37 = tpu.memref_squeeze %dma_wait3A_36 : memref<1x80xi32, #tpu.memory_space<vmem>> -> memref<80xi32, #tpu.memory_space<vmem>>
        %dma_wait3A_38 = tpu.memref_slice %arg2[%mul3A_34] : memref<320000xi32, #tpu.memory_space<hbm>> -> memref<80xi32, #tpu.memory_space<hbm>>
        %dma_wait3A_39 = arith.constant 0 : i32
        %dma_wait3A_40 = tpu.memref_slice %arg6[%dma_wait3A, %dma_wait3A_39] : memref<125x80xi32, #tpu.memory_space<vmem>> -> memref<1x80xi32, #tpu.memory_space<vmem>>
        %dma_wait3A_41 = tpu.memref_squeeze %dma_wait3A_40 : memref<1x80xi32, #tpu.memory_space<vmem>> -> memref<80xi32, #tpu.memory_space<vmem>>
        %dma_wait3A_42 = tpu.memref_slice %arg2[%mul3A_34] : memref<320000xi32, #tpu.memory_space<hbm>> -> memref<80xi32, #tpu.memory_space<hbm>>
        tpu.wait_dma2 semaphore(%arg10 : memref<!tpu.dma_semaphore, #tpu.memory_space<semaphore_mem>>) src(%dma_wait3A_42 : memref<80xi32, #tpu.memory_space<hbm>>) dst(%dma_wait3A_41 : memref<80xi32, #tpu.memory_space<vmem>>)
      }
      %scan3A_31 = arith.constant 25 : i32
    }
    %scan3A_7 = arith.constant 5 : i32
    %barrier3A = arith.constant 0 : index
    tpu.barrier barrier_id(%barrier3A)
    %scan3A_8 = arith.constant 0 : i32
    %scan3A_9 = arith.constant 0 : i32
    %scan3A_10 = arith.constant 5 : i32
    %scan3A_11 = arith.addi %scan3A_9, %scan3A_10 : i32
    %scan3A_12 = arith.constant 1 : i32
    scf.for %scan3A_19 = %scan3A_9 to %scan3A_11 step %scan3A_12  : i32 {
      %scan3A_20 = arith.constant 0 : i32
      %scan3A_21 = arith.constant 0 : i32
      %scan3A_22 = arith.constant 25 : i32
      %scan3A_23 = arith.addi %scan3A_21, %scan3A_22 : i32
      %scan3A_24 = arith.constant 1 : i32
      scf.for %scan3A_32 = %scan3A_21 to %scan3A_23 step %scan3A_24  : i32 {
        %mul3A_33 = arith.constant 25 : i32
        %mul3A_34 = arith.muli %scan3A_19, %mul3A_33 : i32
        %add3A_35 = arith.addi %mul3A_34, %scan3A_32 : i32
        %dma_start3A = arith.constant 0 : i32
        %dma_start3A_36 = tpu.memref_slice %arg6[%add3A_35, %dma_start3A] : memref<125x80xi32, #tpu.memory_space<vmem>> -> memref<1x80xi32, #tpu.memory_space<vmem>>
        %dma_start3A_37 = tpu.memref_squeeze %dma_start3A_36 : memref<1x80xi32, #tpu.memory_space<vmem>> -> memref<80xi32, #tpu.memory_space<vmem>>
        %dma_start3A_38 = arith.constant 0 : i32
        %dma_start3A_39 = tpu.memref_slice %arg8[%dma_start3A_38] : memref<10240xf32, #tpu.memory_space<vmem_shared>> -> memref<10240xf32, #tpu.memory_space<vmem_shared>>
        tpu.enqueue_indirect_dma source(%arg7 : memref<80xf32, #tpu.memory_space<vmem>>) target(%dma_start3A_39 : memref<10240xf32, #tpu.memory_space<vmem_shared>>) offsets(%dma_start3A_37 : memref<80xi32, #tpu.memory_space<vmem>>) semaphore(%arg9 : memref<!tpu.dma_semaphore, #tpu.memory_space<semaphore_mem>>) {add = true}
      }
      %scan3A_25 = arith.constant 25 : i32
      %scan3A_26 = arith.constant 0 : i32
      %scan3A_27 = arith.constant 0 : i32
      %scan3A_28 = arith.constant 25 : i32
      %scan3A_29 = arith.addi %scan3A_27, %scan3A_28 : i32
      %scan3A_30 = arith.constant 1 : i32
      scf.for %scan3A_32 = %scan3A_27 to %scan3A_29 step %scan3A_30  : i32 {
        %mul3A_33 = arith.constant 25 : i32
        %mul3A_34 = arith.muli %scan3A_19, %mul3A_33 : i32
        %dma_wait3A = arith.constant 0 : i32
        %dma_wait3A_35 = tpu.memref_slice %arg6[%mul3A_34, %dma_wait3A] : memref<125x80xi32, #tpu.memory_space<vmem>> -> memref<1x80xi32, #tpu.memory_space<vmem>>
        %dma_wait3A_36 = tpu.memref_squeeze %dma_wait3A_35 : memref<1x80xi32, #tpu.memory_space<vmem>> -> memref<80xi32, #tpu.memory_space<vmem>>
        %dma_wait3A_37 = arith.constant 0 : i32
        %dma_wait3A_38 = tpu.memref_slice %arg8[%dma_wait3A_37] : memref<10240xf32, #tpu.memory_space<vmem_shared>> -> memref<10240xf32, #tpu.memory_space<vmem_shared>>
        tpu.wait_indirect_dma semaphore(%arg9 : memref<!tpu.dma_semaphore, #tpu.memory_space<semaphore_mem>>) src(%arg7 : memref<80xf32, #tpu.memory_space<vmem>>) dst(%dma_wait3A_38 : memref<10240xf32, #tpu.memory_space<vmem_shared>>)
      }
      %scan3A_31 = arith.constant 25 : i32
    }
    %scan3A_13 = arith.constant 5 : i32
    %barrier3A_14 = arith.constant 0 : index
    tpu.barrier barrier_id(%barrier3A_14)
    %mul3A_15 = arith.constant 640 : i32
    %mul3A_16 = arith.muli %arg1, %mul3A_15 : i32
    %mul3A_17 = arith.constant 640 : i32
    %mul3A_18 = arith.muli %arg1, %mul3A_17 : i32
    "tpu.region"() ({
      %run_scoped3A = tpu.sem_alloc : memref<!tpu.dma_semaphore, #tpu.memory_space<semaphore_mem>>
      %dma_start3A = tpu.memref_slice %arg5[%arg0, %mul3A_18] : memref<2x10240xf32, #tpu.memory_space<hbm>> -> memref<1x640xf32, #tpu.memory_space<hbm>>
      %dma_start3A_19 = tpu.memref_squeeze %dma_start3A : memref<1x640xf32, #tpu.memory_space<hbm>> -> memref<640xf32, #tpu.memory_space<hbm>>
      %dma_start3A_20 = tpu.memref_slice %arg8[%mul3A_16] : memref<10240xf32, #tpu.memory_space<vmem_shared>> -> memref<640xf32, #tpu.memory_space<vmem_shared>>
      tpu.enqueue_dma source(%dma_start3A_20 : memref<640xf32, #tpu.memory_space<vmem_shared>>) target(%dma_start3A_19 : memref<640xf32, #tpu.memory_space<hbm>>) target_semaphore(%run_scoped3A : memref<!tpu.dma_semaphore, #tpu.memory_space<semaphore_mem>>)
      %dma_wait3A = tpu.memref_slice %arg5[%arg0, %mul3A_18] : memref<2x10240xf32, #tpu.memory_space<hbm>> -> memref<1x640xf32, #tpu.memory_space<hbm>>
      %dma_wait3A_21 = tpu.memref_squeeze %dma_wait3A : memref<1x640xf32, #tpu.memory_space<hbm>> -> memref<640xf32, #tpu.memory_space<hbm>>
      %dma_wait3A_22 = tpu.memref_slice %arg8[%mul3A_16] : memref<10240xf32, #tpu.memory_space<vmem_shared>> -> memref<640xf32, #tpu.memory_space<vmem_shared>>
      tpu.wait_dma2 semaphore(%run_scoped3A : memref<!tpu.dma_semaphore, #tpu.memory_space<semaphore_mem>>) src(%dma_wait3A_22 : memref<640xf32, #tpu.memory_space<vmem_shared>>) dst(%dma_wait3A_21 : memref<640xf32, #tpu.memory_space<hbm>>)
      tpu.yield
    }) : () -> ()
    return
  }
}

#map = affine_map<(d0, d1) -> (0, 0)>
#map1 = affine_map<(d0, d1) -> (0, 0, 0)>
#map2 = affine_map<(d0, d1) -> (0)>
module attributes {stable_mosaic.version = 14 : i64} {
  func.func @_prop_body(%arg0: i32, %arg1: i32, %arg2: memref<10000x128xf32, #tpu.memory_space<hbm>>, %arg3: memref<32x125x80xi32, #tpu.memory_space<hbm>>, %arg4: memref<320000xi32, #tpu.memory_space<hbm>>, %arg5: memref<128x128xf32, #tpu.memory_space<hbm>>, %arg6: memref<2x10240x128xf32, #tpu.memory_space<hbm>>, %arg7: memref<1x125x80xi32, #tpu.memory_space<vmem>>, %arg8: memref<80xi32, #tpu.memory_space<vmem>>, %arg9: memref<80xi32, #tpu.memory_space<vmem>>, %arg10: memref<80x128xf32, #tpu.memory_space<vmem>>, %arg11: memref<80x128xf32, #tpu.memory_space<vmem>>, %arg12: memref<10240x128xf32, #tpu.memory_space<vmem_shared>>, %arg13: memref<!tpu.dma_semaphore, #tpu.memory_space<semaphore_mem>>, %arg14: memref<!tpu.dma_semaphore, #tpu.memory_space<semaphore_mem>>, %arg15: memref<!tpu.dma_semaphore, #tpu.memory_space<semaphore_mem>>, %arg16: memref<!tpu.dma_semaphore, #tpu.memory_space<semaphore_mem>>, %arg17: memref<!tpu.dma_semaphore, #tpu.memory_space<semaphore_mem>>, %arg18: memref<!tpu.dma_semaphore, #tpu.memory_space<semaphore_mem>>) attributes {dimension_semantics = [#tpu.dimension_semantics<core_parallel>, #tpu.dimension_semantics<subcore_parallel>], iteration_bounds = array<i64: 2, 16>, scalar_prefetch = 0 : i64, scratch_operands = 12 : i64, tpu.core_type = #tpu.core_type<sc_vector_subcore>, window_params = [{transform_indices = #map}, {transform_indices = #map1}, {transform_indices = #map2}, {transform_indices = #map}, {transform_indices = #map1}]} {
    %mul3A = arith.constant 16 : i32
    %mul3A_0 = arith.muli %arg0, %mul3A : i32
    %add3A = arith.addi %mul3A_0, %arg1 : i32
    %mul3A_1 = arith.constant 640 : i32
    %mul3A_2 = arith.muli %arg1, %mul3A_1 : i32
    %add3A_3 = arith.constant 0 : i32
    %add3A_4 = arith.addi %mul3A_2, %add3A_3 : i32
    "tpu.region"() ({
      %run_scoped3A = tpu.sem_alloc : memref<!tpu.dma_semaphore, #tpu.memory_space<semaphore_mem>>
      %dma_start3A_55 = arith.constant 0 : i32
      %dma_start3A_56 = tpu.memref_slice %arg12[%add3A_4, %dma_start3A_55] : memref<10240x128xf32, #tpu.memory_space<vmem_shared>> -> memref<128x128xf32, #tpu.memory_space<vmem_shared>>
      tpu.enqueue_dma source(%arg5 : memref<128x128xf32, #tpu.memory_space<hbm>>) target(%dma_start3A_56 : memref<128x128xf32, #tpu.memory_space<vmem_shared>>) target_semaphore(%run_scoped3A : memref<!tpu.dma_semaphore, #tpu.memory_space<semaphore_mem>>)
      %dma_wait3A_57 = arith.constant 0 : i32
      %dma_wait3A_58 = tpu.memref_slice %arg12[%add3A_4, %dma_wait3A_57] : memref<10240x128xf32, #tpu.memory_space<vmem_shared>> -> memref<128x128xf32, #tpu.memory_space<vmem_shared>>
      tpu.wait_dma2 semaphore(%run_scoped3A : memref<!tpu.dma_semaphore, #tpu.memory_space<semaphore_mem>>) src(%arg5 : memref<128x128xf32, #tpu.memory_space<hbm>>) dst(%dma_wait3A_58 : memref<128x128xf32, #tpu.memory_space<vmem_shared>>)
      tpu.yield
    }) : () -> ()
    %mul3A_5 = arith.constant 640 : i32
    %mul3A_6 = arith.muli %arg1, %mul3A_5 : i32
    %add3A_7 = arith.constant 128 : i32
    %add3A_8 = arith.addi %mul3A_6, %add3A_7 : i32
    "tpu.region"() ({
      %run_scoped3A = tpu.sem_alloc : memref<!tpu.dma_semaphore, #tpu.memory_space<semaphore_mem>>
      %dma_start3A_55 = arith.constant 0 : i32
      %dma_start3A_56 = tpu.memref_slice %arg12[%add3A_8, %dma_start3A_55] : memref<10240x128xf32, #tpu.memory_space<vmem_shared>> -> memref<128x128xf32, #tpu.memory_space<vmem_shared>>
      tpu.enqueue_dma source(%arg5 : memref<128x128xf32, #tpu.memory_space<hbm>>) target(%dma_start3A_56 : memref<128x128xf32, #tpu.memory_space<vmem_shared>>) target_semaphore(%run_scoped3A : memref<!tpu.dma_semaphore, #tpu.memory_space<semaphore_mem>>)
      %dma_wait3A_57 = arith.constant 0 : i32
      %dma_wait3A_58 = tpu.memref_slice %arg12[%add3A_8, %dma_wait3A_57] : memref<10240x128xf32, #tpu.memory_space<vmem_shared>> -> memref<128x128xf32, #tpu.memory_space<vmem_shared>>
      tpu.wait_dma2 semaphore(%run_scoped3A : memref<!tpu.dma_semaphore, #tpu.memory_space<semaphore_mem>>) src(%arg5 : memref<128x128xf32, #tpu.memory_space<hbm>>) dst(%dma_wait3A_58 : memref<128x128xf32, #tpu.memory_space<vmem_shared>>)
      tpu.yield
    }) : () -> ()
    %mul3A_9 = arith.constant 640 : i32
    %mul3A_10 = arith.muli %arg1, %mul3A_9 : i32
    %add3A_11 = arith.constant 256 : i32
    %add3A_12 = arith.addi %mul3A_10, %add3A_11 : i32
    "tpu.region"() ({
      %run_scoped3A = tpu.sem_alloc : memref<!tpu.dma_semaphore, #tpu.memory_space<semaphore_mem>>
      %dma_start3A_55 = arith.constant 0 : i32
      %dma_start3A_56 = tpu.memref_slice %arg12[%add3A_12, %dma_start3A_55] : memref<10240x128xf32, #tpu.memory_space<vmem_shared>> -> memref<128x128xf32, #tpu.memory_space<vmem_shared>>
      tpu.enqueue_dma source(%arg5 : memref<128x128xf32, #tpu.memory_space<hbm>>) target(%dma_start3A_56 : memref<128x128xf32, #tpu.memory_space<vmem_shared>>) target_semaphore(%run_scoped3A : memref<!tpu.dma_semaphore, #tpu.memory_space<semaphore_mem>>)
      %dma_wait3A_57 = arith.constant 0 : i32
      %dma_wait3A_58 = tpu.memref_slice %arg12[%add3A_12, %dma_wait3A_57] : memref<10240x128xf32, #tpu.memory_space<vmem_shared>> -> memref<128x128xf32, #tpu.memory_space<vmem_shared>>
      tpu.wait_dma2 semaphore(%run_scoped3A : memref<!tpu.dma_semaphore, #tpu.memory_space<semaphore_mem>>) src(%arg5 : memref<128x128xf32, #tpu.memory_space<hbm>>) dst(%dma_wait3A_58 : memref<128x128xf32, #tpu.memory_space<vmem_shared>>)
      tpu.yield
    }) : () -> ()
    %mul3A_13 = arith.constant 640 : i32
    %mul3A_14 = arith.muli %arg1, %mul3A_13 : i32
    %add3A_15 = arith.constant 384 : i32
    %add3A_16 = arith.addi %mul3A_14, %add3A_15 : i32
    "tpu.region"() ({
      %run_scoped3A = tpu.sem_alloc : memref<!tpu.dma_semaphore, #tpu.memory_space<semaphore_mem>>
      %dma_start3A_55 = arith.constant 0 : i32
      %dma_start3A_56 = tpu.memref_slice %arg12[%add3A_16, %dma_start3A_55] : memref<10240x128xf32, #tpu.memory_space<vmem_shared>> -> memref<128x128xf32, #tpu.memory_space<vmem_shared>>
      tpu.enqueue_dma source(%arg5 : memref<128x128xf32, #tpu.memory_space<hbm>>) target(%dma_start3A_56 : memref<128x128xf32, #tpu.memory_space<vmem_shared>>) target_semaphore(%run_scoped3A : memref<!tpu.dma_semaphore, #tpu.memory_space<semaphore_mem>>)
      %dma_wait3A_57 = arith.constant 0 : i32
      %dma_wait3A_58 = tpu.memref_slice %arg12[%add3A_16, %dma_wait3A_57] : memref<10240x128xf32, #tpu.memory_space<vmem_shared>> -> memref<128x128xf32, #tpu.memory_space<vmem_shared>>
      tpu.wait_dma2 semaphore(%run_scoped3A : memref<!tpu.dma_semaphore, #tpu.memory_space<semaphore_mem>>) src(%arg5 : memref<128x128xf32, #tpu.memory_space<hbm>>) dst(%dma_wait3A_58 : memref<128x128xf32, #tpu.memory_space<vmem_shared>>)
      tpu.yield
    }) : () -> ()
    %mul3A_17 = arith.constant 640 : i32
    %mul3A_18 = arith.muli %arg1, %mul3A_17 : i32
    %add3A_19 = arith.constant 512 : i32
    %add3A_20 = arith.addi %mul3A_18, %add3A_19 : i32
    "tpu.region"() ({
      %run_scoped3A = tpu.sem_alloc : memref<!tpu.dma_semaphore, #tpu.memory_space<semaphore_mem>>
      %dma_start3A_55 = arith.constant 0 : i32
      %dma_start3A_56 = tpu.memref_slice %arg12[%add3A_20, %dma_start3A_55] : memref<10240x128xf32, #tpu.memory_space<vmem_shared>> -> memref<128x128xf32, #tpu.memory_space<vmem_shared>>
      tpu.enqueue_dma source(%arg5 : memref<128x128xf32, #tpu.memory_space<hbm>>) target(%dma_start3A_56 : memref<128x128xf32, #tpu.memory_space<vmem_shared>>) target_semaphore(%run_scoped3A : memref<!tpu.dma_semaphore, #tpu.memory_space<semaphore_mem>>)
      %dma_wait3A_57 = arith.constant 0 : i32
      %dma_wait3A_58 = tpu.memref_slice %arg12[%add3A_20, %dma_wait3A_57] : memref<10240x128xf32, #tpu.memory_space<vmem_shared>> -> memref<128x128xf32, #tpu.memory_space<vmem_shared>>
      tpu.wait_dma2 semaphore(%run_scoped3A : memref<!tpu.dma_semaphore, #tpu.memory_space<semaphore_mem>>) src(%arg5 : memref<128x128xf32, #tpu.memory_space<hbm>>) dst(%dma_wait3A_58 : memref<128x128xf32, #tpu.memory_space<vmem_shared>>)
      tpu.yield
    }) : () -> ()
    "tpu.region"() ({
      %run_scoped3A = tpu.sem_alloc : memref<!tpu.dma_semaphore, #tpu.memory_space<semaphore_mem>>
      %dma_start3A_55 = arith.constant 0 : i32
      %dma_start3A_56 = arith.constant 0 : i32
      %dma_start3A_57 = tpu.memref_slice %arg3[%add3A, %dma_start3A_55, %dma_start3A_56] : memref<32x125x80xi32, #tpu.memory_space<hbm>> -> memref<1x125x80xi32, #tpu.memory_space<hbm>>
      %dma_start3A_58 = arith.constant 0 : i32
      %dma_start3A_59 = arith.constant 0 : i32
      %dma_start3A_60 = tpu.memref_slice %arg3[%add3A, %dma_start3A_58, %dma_start3A_59] : memref<32x125x80xi32, #tpu.memory_space<hbm>> -> memref<1x125x80xi32, #tpu.memory_space<hbm>>
      tpu.enqueue_dma source(%dma_start3A_60 : memref<1x125x80xi32, #tpu.memory_space<hbm>>) target(%arg7 : memref<1x125x80xi32, #tpu.memory_space<vmem>>) target_semaphore(%run_scoped3A : memref<!tpu.dma_semaphore, #tpu.memory_space<semaphore_mem>>)
      %dma_wait3A_61 = arith.constant 0 : i32
      %dma_wait3A_62 = arith.constant 0 : i32
      %dma_wait3A_63 = tpu.memref_slice %arg3[%add3A, %dma_wait3A_61, %dma_wait3A_62] : memref<32x125x80xi32, #tpu.memory_space<hbm>> -> memref<1x125x80xi32, #tpu.memory_space<hbm>>
      %dma_wait3A_64 = arith.constant 0 : i32
      %dma_wait3A_65 = arith.constant 0 : i32
      %dma_wait3A_66 = tpu.memref_slice %arg3[%add3A, %dma_wait3A_64, %dma_wait3A_65] : memref<32x125x80xi32, #tpu.memory_space<hbm>> -> memref<1x125x80xi32, #tpu.memory_space<hbm>>
      tpu.wait_dma2 semaphore(%run_scoped3A : memref<!tpu.dma_semaphore, #tpu.memory_space<semaphore_mem>>) src(%dma_wait3A_66 : memref<1x125x80xi32, #tpu.memory_space<hbm>>) dst(%arg7 : memref<1x125x80xi32, #tpu.memory_space<vmem>>)
      tpu.yield
    }) : () -> ()
    %barrier3A = arith.constant 0 : index
    tpu.barrier barrier_id(%barrier3A)
    %mul3A_21 = arith.constant 10000 : i32
    %mul3A_22 = arith.muli %add3A, %mul3A_21 : i32
    %dma_start3A = tpu.memref_slice %arg4[%mul3A_22] : memref<320000xi32, #tpu.memory_space<hbm>> -> memref<80xi32, #tpu.memory_space<hbm>>
    %dma_start3A_23 = tpu.memref_slice %arg4[%mul3A_22] : memref<320000xi32, #tpu.memory_space<hbm>> -> memref<80xi32, #tpu.memory_space<hbm>>
    tpu.enqueue_dma source(%dma_start3A_23 : memref<80xi32, #tpu.memory_space<hbm>>) target(%arg8 : memref<80xi32, #tpu.memory_space<vmem>>) target_semaphore(%arg15 : memref<!tpu.dma_semaphore, #tpu.memory_space<semaphore_mem>>)
    %dma_start3A_24 = arith.constant 0 : i32
    %dma_start3A_25 = arith.constant 0 : i32
    %dma_start3A_26 = arith.constant 0 : i32
    %dma_start3A_27 = tpu.memref_slice %arg7[%dma_start3A_24, %dma_start3A_25, %dma_start3A_26] : memref<1x125x80xi32, #tpu.memory_space<vmem>> -> memref<1x1x80xi32, #tpu.memory_space<vmem>>
    %dma_start3A_28 = tpu.memref_squeeze %dma_start3A_27 : memref<1x1x80xi32, #tpu.memory_space<vmem>> -> memref<80xi32, #tpu.memory_space<vmem>>
    %dma_start3A_29 = arith.constant 0 : i32
    %dma_start3A_30 = arith.constant 0 : i32
    %dma_start3A_31 = tpu.memref_slice %arg2[%dma_start3A_29, %dma_start3A_30] : memref<10000x128xf32, #tpu.memory_space<hbm>> -> memref<10000x128xf32, #tpu.memory_space<hbm>>
    tpu.enqueue_indirect_dma source(%dma_start3A_31 : memref<10000x128xf32, #tpu.memory_space<hbm>>) target(%arg10 : memref<80x128xf32, #tpu.memory_space<vmem>>) offsets(%dma_start3A_28 : memref<80xi32, #tpu.memory_space<vmem>>) semaphore(%arg13 : memref<!tpu.dma_semaphore, #tpu.memory_space<semaphore_mem>>)
    %scan3A = arith.constant 0 : i32
    %scan3A_32 = arith.constant 0 : i32
    %scan3A_33 = arith.constant 62 : i32
    %scan3A_34 = arith.addi %scan3A_32, %scan3A_33 : i32
    %scan3A_35 = arith.constant 1 : i32
    scf.for %scan3A_55 = %scan3A_32 to %scan3A_34 step %scan3A_35  : i32 {
      %mul3A_56 = arith.constant 2 : i32
      %mul3A_57 = arith.muli %mul3A_56, %scan3A_55 : i32
      %mul3A_58 = arith.constant 10000 : i32
      %mul3A_59 = arith.muli %add3A, %mul3A_58 : i32
      %mul3A_60 = arith.constant 80 : i32
      %mul3A_61 = arith.muli %mul3A_57, %mul3A_60 : i32
      %add3A_62 = arith.addi %mul3A_59, %mul3A_61 : i32
      %multiple_of3A = tpu.assume_multiple %add3A_62, 8 : i32
      %add3A_63 = arith.constant 80 : i32
      %add3A_64 = arith.addi %multiple_of3A, %add3A_63 : i32
      %dma_start3A_65 = tpu.memref_slice %arg4[%add3A_64] : memref<320000xi32, #tpu.memory_space<hbm>> -> memref<80xi32, #tpu.memory_space<hbm>>
      %dma_start3A_66 = tpu.memref_slice %arg4[%add3A_64] : memref<320000xi32, #tpu.memory_space<hbm>> -> memref<80xi32, #tpu.memory_space<hbm>>
      tpu.enqueue_dma source(%dma_start3A_66 : memref<80xi32, #tpu.memory_space<hbm>>) target(%arg9 : memref<80xi32, #tpu.memory_space<vmem>>) target_semaphore(%arg16 : memref<!tpu.dma_semaphore, #tpu.memory_space<semaphore_mem>>)
      %add3A_67 = arith.constant 1 : i32
      %add3A_68 = arith.addi %mul3A_57, %add3A_67 : i32
      %dma_start3A_69 = arith.constant 0 : i32
      %dma_start3A_70 = arith.constant 0 : i32
      %dma_start3A_71 = tpu.memref_slice %arg7[%dma_start3A_69, %add3A_68, %dma_start3A_70] : memref<1x125x80xi32, #tpu.memory_space<vmem>> -> memref<1x1x80xi32, #tpu.memory_space<vmem>>
      %dma_start3A_72 = tpu.memref_squeeze %dma_start3A_71 : memref<1x1x80xi32, #tpu.memory_space<vmem>> -> memref<80xi32, #tpu.memory_space<vmem>>
      %dma_start3A_73 = arith.constant 0 : i32
      %dma_start3A_74 = arith.constant 0 : i32
      %dma_start3A_75 = tpu.memref_slice %arg2[%dma_start3A_73, %dma_start3A_74] : memref<10000x128xf32, #tpu.memory_space<hbm>> -> memref<10000x128xf32, #tpu.memory_space<hbm>>
      tpu.enqueue_indirect_dma source(%dma_start3A_75 : memref<10000x128xf32, #tpu.memory_space<hbm>>) target(%arg11 : memref<80x128xf32, #tpu.memory_space<vmem>>) offsets(%dma_start3A_72 : memref<80xi32, #tpu.memory_space<vmem>>) semaphore(%arg14 : memref<!tpu.dma_semaphore, #tpu.memory_space<semaphore_mem>>)
      %dma_wait3A_76 = tpu.memref_slice %arg4[%multiple_of3A] : memref<320000xi32, #tpu.memory_space<hbm>> -> memref<80xi32, #tpu.memory_space<hbm>>
      %dma_wait3A_77 = tpu.memref_slice %arg4[%multiple_of3A] : memref<320000xi32, #tpu.memory_space<hbm>> -> memref<80xi32, #tpu.memory_space<hbm>>
      tpu.wait_dma2 semaphore(%arg15 : memref<!tpu.dma_semaphore, #tpu.memory_space<semaphore_mem>>) src(%dma_wait3A_77 : memref<80xi32, #tpu.memory_space<hbm>>) dst(%arg8 : memref<80xi32, #tpu.memory_space<vmem>>)
      %dma_wait3A_78 = arith.constant 0 : i32
      %dma_wait3A_79 = arith.constant 0 : i32
      %dma_wait3A_80 = tpu.memref_slice %arg7[%dma_wait3A_78, %mul3A_57, %dma_wait3A_79] : memref<1x125x80xi32, #tpu.memory_space<vmem>> -> memref<1x1x80xi32, #tpu.memory_space<vmem>>
      %dma_wait3A_81 = tpu.memref_squeeze %dma_wait3A_80 : memref<1x1x80xi32, #tpu.memory_space<vmem>> -> memref<80xi32, #tpu.memory_space<vmem>>
      %dma_wait3A_82 = arith.constant 0 : i32
      %dma_wait3A_83 = arith.constant 0 : i32
      %dma_wait3A_84 = tpu.memref_slice %arg2[%dma_wait3A_82, %dma_wait3A_83] : memref<10000x128xf32, #tpu.memory_space<hbm>> -> memref<10000x128xf32, #tpu.memory_space<hbm>>
      tpu.wait_indirect_dma semaphore(%arg13 : memref<!tpu.dma_semaphore, #tpu.memory_space<semaphore_mem>>) src(%dma_wait3A_84 : memref<10000x128xf32, #tpu.memory_space<hbm>>) dst(%arg10 : memref<80x128xf32, #tpu.memory_space<vmem>>)
      "tpu.region"() ({
        %run_scoped3A = tpu.sem_alloc : memref<!tpu.dma_semaphore, #tpu.memory_space<semaphore_mem>>
        %dma_start3A_111 = arith.constant 0 : i32
        %dma_start3A_112 = arith.constant 0 : i32
        %dma_start3A_113 = tpu.memref_slice %arg12[%dma_start3A_111, %dma_start3A_112] : memref<10240x128xf32, #tpu.memory_space<vmem_shared>> -> memref<10240x128xf32, #tpu.memory_space<vmem_shared>>
        tpu.enqueue_indirect_dma source(%arg10 : memref<80x128xf32, #tpu.memory_space<vmem>>) target(%dma_start3A_113 : memref<10240x128xf32, #tpu.memory_space<vmem_shared>>) offsets(%arg8 : memref<80xi32, #tpu.memory_space<vmem>>) semaphore(%run_scoped3A : memref<!tpu.dma_semaphore, #tpu.memory_space<semaphore_mem>>) {add = true}
        %dma_wait3A_114 = arith.constant 0 : i32
        %dma_wait3A_115 = arith.constant 0 : i32
        %dma_wait3A_116 = tpu.memref_slice %arg12[%dma_wait3A_114, %dma_wait3A_115] : memref<10240x128xf32, #tpu.memory_space<vmem_shared>> -> memref<10240x128xf32, #tpu.memory_space<vmem_shared>>
        tpu.wait_indirect_dma semaphore(%run_scoped3A : memref<!tpu.dma_semaphore, #tpu.memory_space<semaphore_mem>>) src(%arg10 : memref<80x128xf32, #tpu.memory_space<vmem>>) dst(%dma_wait3A_116 : memref<10240x128xf32, #tpu.memory_space<vmem_shared>>)
        tpu.yield
      }) : () -> ()
      %add3A_85 = arith.constant 160 : i32
      %add3A_86 = arith.addi %multiple_of3A, %add3A_85 : i32
      %dma_start3A_87 = tpu.memref_slice %arg4[%add3A_86] : memref<320000xi32, #tpu.memory_space<hbm>> -> memref<80xi32, #tpu.memory_space<hbm>>
      %dma_start3A_88 = tpu.memref_slice %arg4[%add3A_86] : memref<320000xi32, #tpu.memory_space<hbm>> -> memref<80xi32, #tpu.memory_space<hbm>>
      tpu.enqueue_dma source(%dma_start3A_88 : memref<80xi32, #tpu.memory_space<hbm>>) target(%arg8 : memref<80xi32, #tpu.memory_space<vmem>>) target_semaphore(%arg15 : memref<!tpu.dma_semaphore, #tpu.memory_space<semaphore_mem>>)
      %add3A_89 = arith.constant 2 : i32
      %add3A_90 = arith.addi %mul3A_57, %add3A_89 : i32
      %dma_start3A_91 = arith.constant 0 : i32
      %dma_start3A_92 = arith.constant 0 : i32
      %dma_start3A_93 = tpu.memref_slice %arg7[%dma_start3A_91, %add3A_90, %dma_start3A_92] : memref<1x125x80xi32, #tpu.memory_space<vmem>> -> memref<1x1x80xi32, #tpu.memory_space<vmem>>
      %dma_start3A_94 = tpu.memref_squeeze %dma_start3A_93 : memref<1x1x80xi32, #tpu.memory_space<vmem>> -> memref<80xi32, #tpu.memory_space<vmem>>
      %dma_start3A_95 = arith.constant 0 : i32
      %dma_start3A_96 = arith.constant 0 : i32
      %dma_start3A_97 = tpu.memref_slice %arg2[%dma_start3A_95, %dma_start3A_96] : memref<10000x128xf32, #tpu.memory_space<hbm>> -> memref<10000x128xf32, #tpu.memory_space<hbm>>
      tpu.enqueue_indirect_dma source(%dma_start3A_97 : memref<10000x128xf32, #tpu.memory_space<hbm>>) target(%arg10 : memref<80x128xf32, #tpu.memory_space<vmem>>) offsets(%dma_start3A_94 : memref<80xi32, #tpu.memory_space<vmem>>) semaphore(%arg13 : memref<!tpu.dma_semaphore, #tpu.memory_space<semaphore_mem>>)
      %add3A_98 = arith.constant 80 : i32
      %add3A_99 = arith.addi %multiple_of3A, %add3A_98 : i32
      %dma_wait3A_100 = tpu.memref_slice %arg4[%add3A_99] : memref<320000xi32, #tpu.memory_space<hbm>> -> memref<80xi32, #tpu.memory_space<hbm>>
      %dma_wait3A_101 = tpu.memref_slice %arg4[%add3A_99] : memref<320000xi32, #tpu.memory_space<hbm>> -> memref<80xi32, #tpu.memory_space<hbm>>
      tpu.wait_dma2 semaphore(%arg16 : memref<!tpu.dma_semaphore, #tpu.memory_space<semaphore_mem>>) src(%dma_wait3A_101 : memref<80xi32, #tpu.memory_space<hbm>>) dst(%arg9 : memref<80xi32, #tpu.memory_space<vmem>>)
      %add3A_102 = arith.constant 1 : i32
      %add3A_103 = arith.addi %mul3A_57, %add3A_102 : i32
      %dma_wait3A_104 = arith.constant 0 : i32
      %dma_wait3A_105 = arith.constant 0 : i32
      %dma_wait3A_106 = tpu.memref_slice %arg7[%dma_wait3A_104, %add3A_103, %dma_wait3A_105] : memref<1x125x80xi32, #tpu.memory_space<vmem>> -> memref<1x1x80xi32, #tpu.memory_space<vmem>>
      %dma_wait3A_107 = tpu.memref_squeeze %dma_wait3A_106 : memref<1x1x80xi32, #tpu.memory_space<vmem>> -> memref<80xi32, #tpu.memory_space<vmem>>
      %dma_wait3A_108 = arith.constant 0 : i32
      %dma_wait3A_109 = arith.constant 0 : i32
      %dma_wait3A_110 = tpu.memref_slice %arg2[%dma_wait3A_108, %dma_wait3A_109] : memref<10000x128xf32, #tpu.memory_space<hbm>> -> memref<10000x128xf32, #tpu.memory_space<hbm>>
      tpu.wait_indirect_dma semaphore(%arg14 : memref<!tpu.dma_semaphore, #tpu.memory_space<semaphore_mem>>) src(%dma_wait3A_110 : memref<10000x128xf32, #tpu.memory_space<hbm>>) dst(%arg11 : memref<80x128xf32, #tpu.memory_space<vmem>>)
      "tpu.region"() ({
        %run_scoped3A = tpu.sem_alloc : memref<!tpu.dma_semaphore, #tpu.memory_space<semaphore_mem>>
        %dma_start3A_111 = arith.constant 0 : i32
        %dma_start3A_112 = arith.constant 0 : i32
        %dma_start3A_113 = tpu.memref_slice %arg12[%dma_start3A_111, %dma_start3A_112] : memref<10240x128xf32, #tpu.memory_space<vmem_shared>> -> memref<10240x128xf32, #tpu.memory_space<vmem_shared>>
        tpu.enqueue_indirect_dma source(%arg11 : memref<80x128xf32, #tpu.memory_space<vmem>>) target(%dma_start3A_113 : memref<10240x128xf32, #tpu.memory_space<vmem_shared>>) offsets(%arg9 : memref<80xi32, #tpu.memory_space<vmem>>) semaphore(%run_scoped3A : memref<!tpu.dma_semaphore, #tpu.memory_space<semaphore_mem>>) {add = true}
        %dma_wait3A_114 = arith.constant 0 : i32
        %dma_wait3A_115 = arith.constant 0 : i32
        %dma_wait3A_116 = tpu.memref_slice %arg12[%dma_wait3A_114, %dma_wait3A_115] : memref<10240x128xf32, #tpu.memory_space<vmem_shared>> -> memref<10240x128xf32, #tpu.memory_space<vmem_shared>>
        tpu.wait_indirect_dma semaphore(%run_scoped3A : memref<!tpu.dma_semaphore, #tpu.memory_space<semaphore_mem>>) src(%arg11 : memref<80x128xf32, #tpu.memory_space<vmem>>) dst(%dma_wait3A_116 : memref<10240x128xf32, #tpu.memory_space<vmem_shared>>)
        tpu.yield
      }) : () -> ()
    }
    %scan3A_36 = arith.constant 62 : i32
    %mul3A_37 = arith.constant 10000 : i32
    %mul3A_38 = arith.muli %add3A, %mul3A_37 : i32
    %add3A_39 = arith.constant 9920 : i32
    %add3A_40 = arith.addi %mul3A_38, %add3A_39 : i32
    %dma_wait3A = tpu.memref_slice %arg4[%add3A_40] : memref<320000xi32, #tpu.memory_space<hbm>> -> memref<80xi32, #tpu.memory_space<hbm>>
    %dma_wait3A_41 = tpu.memref_slice %arg4[%add3A_40] : memref<320000xi32, #tpu.memory_space<hbm>> -> memref<80xi32, #tpu.memory_space<hbm>>
    tpu.wait_dma2 semaphore(%arg15 : memref<!tpu.dma_semaphore, #tpu.memory_space<semaphore_mem>>) src(%dma_wait3A_41 : memref<80xi32, #tpu.memory_space<hbm>>) dst(%arg8 : memref<80xi32, #tpu.memory_space<vmem>>)
    %dma_wait3A_42 = arith.constant 0 : i32
    %dma_wait3A_43 = arith.constant 124 : i32
    %dma_wait3A_44 = arith.constant 0 : i32
    %dma_wait3A_45 = tpu.memref_slice %arg7[%dma_wait3A_42, %dma_wait3A_43, %dma_wait3A_44] : memref<1x125x80xi32, #tpu.memory_space<vmem>> -> memref<1x1x80xi32, #tpu.memory_space<vmem>>
    %dma_wait3A_46 = tpu.memref_squeeze %dma_wait3A_45 : memref<1x1x80xi32, #tpu.memory_space<vmem>> -> memref<80xi32, #tpu.memory_space<vmem>>
    %dma_wait3A_47 = arith.constant 0 : i32
    %dma_wait3A_48 = arith.constant 0 : i32
    %dma_wait3A_49 = tpu.memref_slice %arg2[%dma_wait3A_47, %dma_wait3A_48] : memref<10000x128xf32, #tpu.memory_space<hbm>> -> memref<10000x128xf32, #tpu.memory_space<hbm>>
    tpu.wait_indirect_dma semaphore(%arg13 : memref<!tpu.dma_semaphore, #tpu.memory_space<semaphore_mem>>) src(%dma_wait3A_49 : memref<10000x128xf32, #tpu.memory_space<hbm>>) dst(%arg10 : memref<80x128xf32, #tpu.memory_space<vmem>>)
    "tpu.region"() ({
      %run_scoped3A = tpu.sem_alloc : memref<!tpu.dma_semaphore, #tpu.memory_space<semaphore_mem>>
      %dma_start3A_55 = arith.constant 0 : i32
      %dma_start3A_56 = arith.constant 0 : i32
      %dma_start3A_57 = tpu.memref_slice %arg12[%dma_start3A_55, %dma_start3A_56] : memref<10240x128xf32, #tpu.memory_space<vmem_shared>> -> memref<10240x128xf32, #tpu.memory_space<vmem_shared>>
      tpu.enqueue_indirect_dma source(%arg10 : memref<80x128xf32, #tpu.memory_space<vmem>>) target(%dma_start3A_57 : memref<10240x128xf32, #tpu.memory_space<vmem_shared>>) offsets(%arg8 : memref<80xi32, #tpu.memory_space<vmem>>) semaphore(%run_scoped3A : memref<!tpu.dma_semaphore, #tpu.memory_space<semaphore_mem>>) {add = true}
      %dma_wait3A_58 = arith.constant 0 : i32
      %dma_wait3A_59 = arith.constant 0 : i32
      %dma_wait3A_60 = tpu.memref_slice %arg12[%dma_wait3A_58, %dma_wait3A_59] : memref<10240x128xf32, #tpu.memory_space<vmem_shared>> -> memref<10240x128xf32, #tpu.memory_space<vmem_shared>>
      tpu.wait_indirect_dma semaphore(%run_scoped3A : memref<!tpu.dma_semaphore, #tpu.memory_space<semaphore_mem>>) src(%arg10 : memref<80x128xf32, #tpu.memory_space<vmem>>) dst(%dma_wait3A_60 : memref<10240x128xf32, #tpu.memory_space<vmem_shared>>)
      tpu.yield
    }) : () -> ()
    %barrier3A_50 = arith.constant 0 : index
    tpu.barrier barrier_id(%barrier3A_50)
    %mul3A_51 = arith.constant 640 : i32
    %mul3A_52 = arith.muli %arg1, %mul3A_51 : i32
    %mul3A_53 = arith.constant 640 : i32
    %mul3A_54 = arith.muli %arg1, %mul3A_53 : i32
    "tpu.region"() ({
      %run_scoped3A = tpu.sem_alloc : memref<!tpu.dma_semaphore, #tpu.memory_space<semaphore_mem>>
      %dma_start3A_55 = arith.constant 0 : i32
      %dma_start3A_56 = tpu.memref_slice %arg6[%arg0, %mul3A_54, %dma_start3A_55] : memref<2x10240x128xf32, #tpu.memory_space<hbm>> -> memref<1x640x128xf32, #tpu.memory_space<hbm>>
      %dma_start3A_57 = tpu.memref_squeeze %dma_start3A_56 : memref<1x640x128xf32, #tpu.memory_space<hbm>> -> memref<640x128xf32, #tpu.memory_space<hbm>>
      %dma_start3A_58 = arith.constant 0 : i32
      %dma_start3A_59 = tpu.memref_slice %arg12[%mul3A_52, %dma_start3A_58] : memref<10240x128xf32, #tpu.memory_space<vmem_shared>> -> memref<640x128xf32, #tpu.memory_space<vmem_shared>>
      tpu.enqueue_dma source(%dma_start3A_59 : memref<640x128xf32, #tpu.memory_space<vmem_shared>>) target(%dma_start3A_57 : memref<640x128xf32, #tpu.memory_space<hbm>>) target_semaphore(%run_scoped3A : memref<!tpu.dma_semaphore, #tpu.memory_space<semaphore_mem>>)
      %dma_wait3A_60 = arith.constant 0 : i32
      %dma_wait3A_61 = tpu.memref_slice %arg6[%arg0, %mul3A_54, %dma_wait3A_60] : memref<2x10240x128xf32, #tpu.memory_space<hbm>> -> memref<1x640x128xf32, #tpu.memory_space<hbm>>
      %dma_wait3A_62 = tpu.memref_squeeze %dma_wait3A_61 : memref<1x640x128xf32, #tpu.memory_space<hbm>> -> memref<640x128xf32, #tpu.memory_space<hbm>>
      %dma_wait3A_63 = arith.constant 0 : i32
      %dma_wait3A_64 = tpu.memref_slice %arg12[%mul3A_52, %dma_wait3A_63] : memref<10240x128xf32, #tpu.memory_space<vmem_shared>> -> memref<640x128xf32, #tpu.memory_space<vmem_shared>>
      tpu.wait_dma2 semaphore(%run_scoped3A : memref<!tpu.dma_semaphore, #tpu.memory_space<semaphore_mem>>) src(%dma_wait3A_64 : memref<640x128xf32, #tpu.memory_space<vmem_shared>>) dst(%dma_wait3A_62 : memref<640x128xf32, #tpu.memory_space<hbm>>)
      tpu.yield
    }) : () -> ()
    return
  }
}

#map = affine_map<(d0, d1) -> (0, 0)>
#map1 = affine_map<(d0, d1) -> (0, 0, 0)>
#map2 = affine_map<(d0, d1) -> (0)>
module attributes {stable_mosaic.version = 14 : i64} {
  func.func @_prop_body(%arg0: i32, %arg1: i32, %arg2: memref<10000x128xf32, #tpu.memory_space<hbm>>, %arg3: memref<32x125x80xi32, #tpu.memory_space<hbm>>, %arg4: memref<320000xi32, #tpu.memory_space<hbm>>, %arg5: memref<128x128xf32, #tpu.memory_space<hbm>>, %arg6: memref<2x10240x128xf32, #tpu.memory_space<hbm>>, %arg7: memref<1x125x80xi32, #tpu.memory_space<vmem>>, %arg8: memref<80xi32, #tpu.memory_space<vmem>>, %arg9: memref<80xi32, #tpu.memory_space<vmem>>, %arg10: memref<80x128xf32, #tpu.memory_space<vmem>>, %arg11: memref<80x128xf32, #tpu.memory_space<vmem>>, %arg12: memref<10240x128xf32, #tpu.memory_space<vmem_shared>>, %arg13: memref<!tpu.dma_semaphore, #tpu.memory_space<semaphore_mem>>, %arg14: memref<!tpu.dma_semaphore, #tpu.memory_space<semaphore_mem>>, %arg15: memref<!tpu.dma_semaphore, #tpu.memory_space<semaphore_mem>>, %arg16: memref<!tpu.dma_semaphore, #tpu.memory_space<semaphore_mem>>, %arg17: memref<!tpu.dma_semaphore, #tpu.memory_space<semaphore_mem>>, %arg18: memref<!tpu.dma_semaphore, #tpu.memory_space<semaphore_mem>>) attributes {dimension_semantics = [#tpu.dimension_semantics<core_parallel>, #tpu.dimension_semantics<subcore_parallel>], iteration_bounds = array<i64: 2, 16>, scalar_prefetch = 0 : i64, scratch_operands = 12 : i64, tpu.core_type = #tpu.core_type<sc_vector_subcore>, window_params = [{transform_indices = #map}, {transform_indices = #map1}, {transform_indices = #map2}, {transform_indices = #map}, {transform_indices = #map1}]} {
    %mul3A = arith.constant 16 : i32
    %mul3A_0 = arith.muli %arg0, %mul3A : i32
    %add3A = arith.addi %mul3A_0, %arg1 : i32
    %mul3A_1 = arith.constant 640 : i32
    %mul3A_2 = arith.muli %arg1, %mul3A_1 : i32
    %add3A_3 = arith.constant 0 : i32
    %add3A_4 = arith.addi %mul3A_2, %add3A_3 : i32
    "tpu.region"() ({
      %run_scoped3A = tpu.sem_alloc : memref<!tpu.dma_semaphore, #tpu.memory_space<semaphore_mem>>
      %dma_start3A_55 = arith.constant 0 : i32
      %dma_start3A_56 = tpu.memref_slice %arg12[%add3A_4, %dma_start3A_55] : memref<10240x128xf32, #tpu.memory_space<vmem_shared>> -> memref<128x128xf32, #tpu.memory_space<vmem_shared>>
      tpu.enqueue_dma source(%arg5 : memref<128x128xf32, #tpu.memory_space<hbm>>) target(%dma_start3A_56 : memref<128x128xf32, #tpu.memory_space<vmem_shared>>) target_semaphore(%run_scoped3A : memref<!tpu.dma_semaphore, #tpu.memory_space<semaphore_mem>>)
      %dma_wait3A_57 = arith.constant 0 : i32
      %dma_wait3A_58 = tpu.memref_slice %arg12[%add3A_4, %dma_wait3A_57] : memref<10240x128xf32, #tpu.memory_space<vmem_shared>> -> memref<128x128xf32, #tpu.memory_space<vmem_shared>>
      tpu.wait_dma2 semaphore(%run_scoped3A : memref<!tpu.dma_semaphore, #tpu.memory_space<semaphore_mem>>) src(%arg5 : memref<128x128xf32, #tpu.memory_space<hbm>>) dst(%dma_wait3A_58 : memref<128x128xf32, #tpu.memory_space<vmem_shared>>)
      tpu.yield
    }) : () -> ()
    %mul3A_5 = arith.constant 640 : i32
    %mul3A_6 = arith.muli %arg1, %mul3A_5 : i32
    %add3A_7 = arith.constant 128 : i32
    %add3A_8 = arith.addi %mul3A_6, %add3A_7 : i32
    "tpu.region"() ({
      %run_scoped3A = tpu.sem_alloc : memref<!tpu.dma_semaphore, #tpu.memory_space<semaphore_mem>>
      %dma_start3A_55 = arith.constant 0 : i32
      %dma_start3A_56 = tpu.memref_slice %arg12[%add3A_8, %dma_start3A_55] : memref<10240x128xf32, #tpu.memory_space<vmem_shared>> -> memref<128x128xf32, #tpu.memory_space<vmem_shared>>
      tpu.enqueue_dma source(%arg5 : memref<128x128xf32, #tpu.memory_space<hbm>>) target(%dma_start3A_56 : memref<128x128xf32, #tpu.memory_space<vmem_shared>>) target_semaphore(%run_scoped3A : memref<!tpu.dma_semaphore, #tpu.memory_space<semaphore_mem>>)
      %dma_wait3A_57 = arith.constant 0 : i32
      %dma_wait3A_58 = tpu.memref_slice %arg12[%add3A_8, %dma_wait3A_57] : memref<10240x128xf32, #tpu.memory_space<vmem_shared>> -> memref<128x128xf32, #tpu.memory_space<vmem_shared>>
      tpu.wait_dma2 semaphore(%run_scoped3A : memref<!tpu.dma_semaphore, #tpu.memory_space<semaphore_mem>>) src(%arg5 : memref<128x128xf32, #tpu.memory_space<hbm>>) dst(%dma_wait3A_58 : memref<128x128xf32, #tpu.memory_space<vmem_shared>>)
      tpu.yield
    }) : () -> ()
    %mul3A_9 = arith.constant 640 : i32
    %mul3A_10 = arith.muli %arg1, %mul3A_9 : i32
    %add3A_11 = arith.constant 256 : i32
    %add3A_12 = arith.addi %mul3A_10, %add3A_11 : i32
    "tpu.region"() ({
      %run_scoped3A = tpu.sem_alloc : memref<!tpu.dma_semaphore, #tpu.memory_space<semaphore_mem>>
      %dma_start3A_55 = arith.constant 0 : i32
      %dma_start3A_56 = tpu.memref_slice %arg12[%add3A_12, %dma_start3A_55] : memref<10240x128xf32, #tpu.memory_space<vmem_shared>> -> memref<128x128xf32, #tpu.memory_space<vmem_shared>>
      tpu.enqueue_dma source(%arg5 : memref<128x128xf32, #tpu.memory_space<hbm>>) target(%dma_start3A_56 : memref<128x128xf32, #tpu.memory_space<vmem_shared>>) target_semaphore(%run_scoped3A : memref<!tpu.dma_semaphore, #tpu.memory_space<semaphore_mem>>)
      %dma_wait3A_57 = arith.constant 0 : i32
      %dma_wait3A_58 = tpu.memref_slice %arg12[%add3A_12, %dma_wait3A_57] : memref<10240x128xf32, #tpu.memory_space<vmem_shared>> -> memref<128x128xf32, #tpu.memory_space<vmem_shared>>
      tpu.wait_dma2 semaphore(%run_scoped3A : memref<!tpu.dma_semaphore, #tpu.memory_space<semaphore_mem>>) src(%arg5 : memref<128x128xf32, #tpu.memory_space<hbm>>) dst(%dma_wait3A_58 : memref<128x128xf32, #tpu.memory_space<vmem_shared>>)
      tpu.yield
    }) : () -> ()
    %mul3A_13 = arith.constant 640 : i32
    %mul3A_14 = arith.muli %arg1, %mul3A_13 : i32
    %add3A_15 = arith.constant 384 : i32
    %add3A_16 = arith.addi %mul3A_14, %add3A_15 : i32
    "tpu.region"() ({
      %run_scoped3A = tpu.sem_alloc : memref<!tpu.dma_semaphore, #tpu.memory_space<semaphore_mem>>
      %dma_start3A_55 = arith.constant 0 : i32
      %dma_start3A_56 = tpu.memref_slice %arg12[%add3A_16, %dma_start3A_55] : memref<10240x128xf32, #tpu.memory_space<vmem_shared>> -> memref<128x128xf32, #tpu.memory_space<vmem_shared>>
      tpu.enqueue_dma source(%arg5 : memref<128x128xf32, #tpu.memory_space<hbm>>) target(%dma_start3A_56 : memref<128x128xf32, #tpu.memory_space<vmem_shared>>) target_semaphore(%run_scoped3A : memref<!tpu.dma_semaphore, #tpu.memory_space<semaphore_mem>>)
      %dma_wait3A_57 = arith.constant 0 : i32
      %dma_wait3A_58 = tpu.memref_slice %arg12[%add3A_16, %dma_wait3A_57] : memref<10240x128xf32, #tpu.memory_space<vmem_shared>> -> memref<128x128xf32, #tpu.memory_space<vmem_shared>>
      tpu.wait_dma2 semaphore(%run_scoped3A : memref<!tpu.dma_semaphore, #tpu.memory_space<semaphore_mem>>) src(%arg5 : memref<128x128xf32, #tpu.memory_space<hbm>>) dst(%dma_wait3A_58 : memref<128x128xf32, #tpu.memory_space<vmem_shared>>)
      tpu.yield
    }) : () -> ()
    %mul3A_17 = arith.constant 640 : i32
    %mul3A_18 = arith.muli %arg1, %mul3A_17 : i32
    %add3A_19 = arith.constant 512 : i32
    %add3A_20 = arith.addi %mul3A_18, %add3A_19 : i32
    "tpu.region"() ({
      %run_scoped3A = tpu.sem_alloc : memref<!tpu.dma_semaphore, #tpu.memory_space<semaphore_mem>>
      %dma_start3A_55 = arith.constant 0 : i32
      %dma_start3A_56 = tpu.memref_slice %arg12[%add3A_20, %dma_start3A_55] : memref<10240x128xf32, #tpu.memory_space<vmem_shared>> -> memref<128x128xf32, #tpu.memory_space<vmem_shared>>
      tpu.enqueue_dma source(%arg5 : memref<128x128xf32, #tpu.memory_space<hbm>>) target(%dma_start3A_56 : memref<128x128xf32, #tpu.memory_space<vmem_shared>>) target_semaphore(%run_scoped3A : memref<!tpu.dma_semaphore, #tpu.memory_space<semaphore_mem>>)
      %dma_wait3A_57 = arith.constant 0 : i32
      %dma_wait3A_58 = tpu.memref_slice %arg12[%add3A_20, %dma_wait3A_57] : memref<10240x128xf32, #tpu.memory_space<vmem_shared>> -> memref<128x128xf32, #tpu.memory_space<vmem_shared>>
      tpu.wait_dma2 semaphore(%run_scoped3A : memref<!tpu.dma_semaphore, #tpu.memory_space<semaphore_mem>>) src(%arg5 : memref<128x128xf32, #tpu.memory_space<hbm>>) dst(%dma_wait3A_58 : memref<128x128xf32, #tpu.memory_space<vmem_shared>>)
      tpu.yield
    }) : () -> ()
    "tpu.region"() ({
      %run_scoped3A = tpu.sem_alloc : memref<!tpu.dma_semaphore, #tpu.memory_space<semaphore_mem>>
      %dma_start3A_55 = arith.constant 0 : i32
      %dma_start3A_56 = arith.constant 0 : i32
      %dma_start3A_57 = tpu.memref_slice %arg3[%add3A, %dma_start3A_55, %dma_start3A_56] : memref<32x125x80xi32, #tpu.memory_space<hbm>> -> memref<1x125x80xi32, #tpu.memory_space<hbm>>
      %dma_start3A_58 = arith.constant 0 : i32
      %dma_start3A_59 = arith.constant 0 : i32
      %dma_start3A_60 = tpu.memref_slice %arg3[%add3A, %dma_start3A_58, %dma_start3A_59] : memref<32x125x80xi32, #tpu.memory_space<hbm>> -> memref<1x125x80xi32, #tpu.memory_space<hbm>>
      tpu.enqueue_dma source(%dma_start3A_60 : memref<1x125x80xi32, #tpu.memory_space<hbm>>) target(%arg7 : memref<1x125x80xi32, #tpu.memory_space<vmem>>) target_semaphore(%run_scoped3A : memref<!tpu.dma_semaphore, #tpu.memory_space<semaphore_mem>>)
      %dma_wait3A_61 = arith.constant 0 : i32
      %dma_wait3A_62 = arith.constant 0 : i32
      %dma_wait3A_63 = tpu.memref_slice %arg3[%add3A, %dma_wait3A_61, %dma_wait3A_62] : memref<32x125x80xi32, #tpu.memory_space<hbm>> -> memref<1x125x80xi32, #tpu.memory_space<hbm>>
      %dma_wait3A_64 = arith.constant 0 : i32
      %dma_wait3A_65 = arith.constant 0 : i32
      %dma_wait3A_66 = tpu.memref_slice %arg3[%add3A, %dma_wait3A_64, %dma_wait3A_65] : memref<32x125x80xi32, #tpu.memory_space<hbm>> -> memref<1x125x80xi32, #tpu.memory_space<hbm>>
      tpu.wait_dma2 semaphore(%run_scoped3A : memref<!tpu.dma_semaphore, #tpu.memory_space<semaphore_mem>>) src(%dma_wait3A_66 : memref<1x125x80xi32, #tpu.memory_space<hbm>>) dst(%arg7 : memref<1x125x80xi32, #tpu.memory_space<vmem>>)
      tpu.yield
    }) : () -> ()
    %barrier3A = arith.constant 0 : index
    tpu.barrier barrier_id(%barrier3A)
    %mul3A_21 = arith.constant 10000 : i32
    %mul3A_22 = arith.muli %add3A, %mul3A_21 : i32
    %dma_start3A = tpu.memref_slice %arg4[%mul3A_22] : memref<320000xi32, #tpu.memory_space<hbm>> -> memref<80xi32, #tpu.memory_space<hbm>>
    %dma_start3A_23 = tpu.memref_slice %arg4[%mul3A_22] : memref<320000xi32, #tpu.memory_space<hbm>> -> memref<80xi32, #tpu.memory_space<hbm>>
    tpu.enqueue_dma source(%dma_start3A_23 : memref<80xi32, #tpu.memory_space<hbm>>) target(%arg8 : memref<80xi32, #tpu.memory_space<vmem>>) target_semaphore(%arg15 : memref<!tpu.dma_semaphore, #tpu.memory_space<semaphore_mem>>)
    %dma_start3A_24 = arith.constant 0 : i32
    %dma_start3A_25 = arith.constant 0 : i32
    %dma_start3A_26 = arith.constant 0 : i32
    %dma_start3A_27 = tpu.memref_slice %arg7[%dma_start3A_24, %dma_start3A_25, %dma_start3A_26] : memref<1x125x80xi32, #tpu.memory_space<vmem>> -> memref<1x1x80xi32, #tpu.memory_space<vmem>>
    %dma_start3A_28 = tpu.memref_squeeze %dma_start3A_27 : memref<1x1x80xi32, #tpu.memory_space<vmem>> -> memref<80xi32, #tpu.memory_space<vmem>>
    %dma_start3A_29 = arith.constant 0 : i32
    %dma_start3A_30 = arith.constant 0 : i32
    %dma_start3A_31 = tpu.memref_slice %arg2[%dma_start3A_29, %dma_start3A_30] : memref<10000x128xf32, #tpu.memory_space<hbm>> -> memref<10000x128xf32, #tpu.memory_space<hbm>>
    tpu.enqueue_indirect_dma source(%dma_start3A_31 : memref<10000x128xf32, #tpu.memory_space<hbm>>) target(%arg10 : memref<80x128xf32, #tpu.memory_space<vmem>>) offsets(%dma_start3A_28 : memref<80xi32, #tpu.memory_space<vmem>>) semaphore(%arg13 : memref<!tpu.dma_semaphore, #tpu.memory_space<semaphore_mem>>)
    %scan3A = arith.constant 0 : i32
    %scan3A_32 = arith.constant 0 : i32
    %scan3A_33 = arith.constant 62 : i32
    %scan3A_34 = arith.addi %scan3A_32, %scan3A_33 : i32
    %scan3A_35 = arith.constant 1 : i32
    scf.for %scan3A_55 = %scan3A_32 to %scan3A_34 step %scan3A_35  : i32 {
      %mul3A_56 = arith.constant 2 : i32
      %mul3A_57 = arith.muli %mul3A_56, %scan3A_55 : i32
      %mul3A_58 = arith.constant 10000 : i32
      %mul3A_59 = arith.muli %add3A, %mul3A_58 : i32
      %mul3A_60 = arith.constant 80 : i32
      %mul3A_61 = arith.muli %mul3A_57, %mul3A_60 : i32
      %add3A_62 = arith.addi %mul3A_59, %mul3A_61 : i32
      %multiple_of3A = tpu.assume_multiple %add3A_62, 8 : i32
      %add3A_63 = arith.constant 80 : i32
      %add3A_64 = arith.addi %multiple_of3A, %add3A_63 : i32
      %dma_start3A_65 = tpu.memref_slice %arg4[%add3A_64] : memref<320000xi32, #tpu.memory_space<hbm>> -> memref<80xi32, #tpu.memory_space<hbm>>
      %dma_start3A_66 = tpu.memref_slice %arg4[%add3A_64] : memref<320000xi32, #tpu.memory_space<hbm>> -> memref<80xi32, #tpu.memory_space<hbm>>
      tpu.enqueue_dma source(%dma_start3A_66 : memref<80xi32, #tpu.memory_space<hbm>>) target(%arg9 : memref<80xi32, #tpu.memory_space<vmem>>) target_semaphore(%arg16 : memref<!tpu.dma_semaphore, #tpu.memory_space<semaphore_mem>>)
      %add3A_67 = arith.constant 1 : i32
      %add3A_68 = arith.addi %mul3A_57, %add3A_67 : i32
      %dma_start3A_69 = arith.constant 0 : i32
      %dma_start3A_70 = arith.constant 0 : i32
      %dma_start3A_71 = tpu.memref_slice %arg7[%dma_start3A_69, %add3A_68, %dma_start3A_70] : memref<1x125x80xi32, #tpu.memory_space<vmem>> -> memref<1x1x80xi32, #tpu.memory_space<vmem>>
      %dma_start3A_72 = tpu.memref_squeeze %dma_start3A_71 : memref<1x1x80xi32, #tpu.memory_space<vmem>> -> memref<80xi32, #tpu.memory_space<vmem>>
      %dma_start3A_73 = arith.constant 0 : i32
      %dma_start3A_74 = arith.constant 0 : i32
      %dma_start3A_75 = tpu.memref_slice %arg2[%dma_start3A_73, %dma_start3A_74] : memref<10000x128xf32, #tpu.memory_space<hbm>> -> memref<10000x128xf32, #tpu.memory_space<hbm>>
      tpu.enqueue_indirect_dma source(%dma_start3A_75 : memref<10000x128xf32, #tpu.memory_space<hbm>>) target(%arg11 : memref<80x128xf32, #tpu.memory_space<vmem>>) offsets(%dma_start3A_72 : memref<80xi32, #tpu.memory_space<vmem>>) semaphore(%arg14 : memref<!tpu.dma_semaphore, #tpu.memory_space<semaphore_mem>>)
      %dma_wait3A_76 = tpu.memref_slice %arg4[%multiple_of3A] : memref<320000xi32, #tpu.memory_space<hbm>> -> memref<80xi32, #tpu.memory_space<hbm>>
      %dma_wait3A_77 = tpu.memref_slice %arg4[%multiple_of3A] : memref<320000xi32, #tpu.memory_space<hbm>> -> memref<80xi32, #tpu.memory_space<hbm>>
      tpu.wait_dma2 semaphore(%arg15 : memref<!tpu.dma_semaphore, #tpu.memory_space<semaphore_mem>>) src(%dma_wait3A_77 : memref<80xi32, #tpu.memory_space<hbm>>) dst(%arg8 : memref<80xi32, #tpu.memory_space<vmem>>)
      %dma_wait3A_78 = arith.constant 0 : i32
      %dma_wait3A_79 = arith.constant 0 : i32
      %dma_wait3A_80 = tpu.memref_slice %arg7[%dma_wait3A_78, %mul3A_57, %dma_wait3A_79] : memref<1x125x80xi32, #tpu.memory_space<vmem>> -> memref<1x1x80xi32, #tpu.memory_space<vmem>>
      %dma_wait3A_81 = tpu.memref_squeeze %dma_wait3A_80 : memref<1x1x80xi32, #tpu.memory_space<vmem>> -> memref<80xi32, #tpu.memory_space<vmem>>
      %dma_wait3A_82 = arith.constant 0 : i32
      %dma_wait3A_83 = arith.constant 0 : i32
      %dma_wait3A_84 = tpu.memref_slice %arg2[%dma_wait3A_82, %dma_wait3A_83] : memref<10000x128xf32, #tpu.memory_space<hbm>> -> memref<10000x128xf32, #tpu.memory_space<hbm>>
      tpu.wait_indirect_dma semaphore(%arg13 : memref<!tpu.dma_semaphore, #tpu.memory_space<semaphore_mem>>) src(%dma_wait3A_84 : memref<10000x128xf32, #tpu.memory_space<hbm>>) dst(%arg10 : memref<80x128xf32, #tpu.memory_space<vmem>>)
      "tpu.region"() ({
        %run_scoped3A = tpu.sem_alloc : memref<!tpu.dma_semaphore, #tpu.memory_space<semaphore_mem>>
        %dma_start3A_111 = arith.constant 0 : i32
        %dma_start3A_112 = arith.constant 0 : i32
        %dma_start3A_113 = tpu.memref_slice %arg12[%dma_start3A_111, %dma_start3A_112] : memref<10240x128xf32, #tpu.memory_space<vmem_shared>> -> memref<10240x128xf32, #tpu.memory_space<vmem_shared>>
        tpu.enqueue_indirect_dma source(%arg10 : memref<80x128xf32, #tpu.memory_space<vmem>>) target(%dma_start3A_113 : memref<10240x128xf32, #tpu.memory_space<vmem_shared>>) offsets(%arg8 : memref<80xi32, #tpu.memory_space<vmem>>) semaphore(%run_scoped3A : memref<!tpu.dma_semaphore, #tpu.memory_space<semaphore_mem>>) {add = true}
        %dma_wait3A_114 = arith.constant 0 : i32
        %dma_wait3A_115 = arith.constant 0 : i32
        %dma_wait3A_116 = tpu.memref_slice %arg12[%dma_wait3A_114, %dma_wait3A_115] : memref<10240x128xf32, #tpu.memory_space<vmem_shared>> -> memref<10240x128xf32, #tpu.memory_space<vmem_shared>>
        tpu.wait_indirect_dma semaphore(%run_scoped3A : memref<!tpu.dma_semaphore, #tpu.memory_space<semaphore_mem>>) src(%arg10 : memref<80x128xf32, #tpu.memory_space<vmem>>) dst(%dma_wait3A_116 : memref<10240x128xf32, #tpu.memory_space<vmem_shared>>)
        tpu.yield
      }) : () -> ()
      %add3A_85 = arith.constant 160 : i32
      %add3A_86 = arith.addi %multiple_of3A, %add3A_85 : i32
      %dma_start3A_87 = tpu.memref_slice %arg4[%add3A_86] : memref<320000xi32, #tpu.memory_space<hbm>> -> memref<80xi32, #tpu.memory_space<hbm>>
      %dma_start3A_88 = tpu.memref_slice %arg4[%add3A_86] : memref<320000xi32, #tpu.memory_space<hbm>> -> memref<80xi32, #tpu.memory_space<hbm>>
      tpu.enqueue_dma source(%dma_start3A_88 : memref<80xi32, #tpu.memory_space<hbm>>) target(%arg8 : memref<80xi32, #tpu.memory_space<vmem>>) target_semaphore(%arg15 : memref<!tpu.dma_semaphore, #tpu.memory_space<semaphore_mem>>)
      %add3A_89 = arith.constant 2 : i32
      %add3A_90 = arith.addi %mul3A_57, %add3A_89 : i32
      %dma_start3A_91 = arith.constant 0 : i32
      %dma_start3A_92 = arith.constant 0 : i32
      %dma_start3A_93 = tpu.memref_slice %arg7[%dma_start3A_91, %add3A_90, %dma_start3A_92] : memref<1x125x80xi32, #tpu.memory_space<vmem>> -> memref<1x1x80xi32, #tpu.memory_space<vmem>>
      %dma_start3A_94 = tpu.memref_squeeze %dma_start3A_93 : memref<1x1x80xi32, #tpu.memory_space<vmem>> -> memref<80xi32, #tpu.memory_space<vmem>>
      %dma_start3A_95 = arith.constant 0 : i32
      %dma_start3A_96 = arith.constant 0 : i32
      %dma_start3A_97 = tpu.memref_slice %arg2[%dma_start3A_95, %dma_start3A_96] : memref<10000x128xf32, #tpu.memory_space<hbm>> -> memref<10000x128xf32, #tpu.memory_space<hbm>>
      tpu.enqueue_indirect_dma source(%dma_start3A_97 : memref<10000x128xf32, #tpu.memory_space<hbm>>) target(%arg10 : memref<80x128xf32, #tpu.memory_space<vmem>>) offsets(%dma_start3A_94 : memref<80xi32, #tpu.memory_space<vmem>>) semaphore(%arg13 : memref<!tpu.dma_semaphore, #tpu.memory_space<semaphore_mem>>)
      %add3A_98 = arith.constant 80 : i32
      %add3A_99 = arith.addi %multiple_of3A, %add3A_98 : i32
      %dma_wait3A_100 = tpu.memref_slice %arg4[%add3A_99] : memref<320000xi32, #tpu.memory_space<hbm>> -> memref<80xi32, #tpu.memory_space<hbm>>
      %dma_wait3A_101 = tpu.memref_slice %arg4[%add3A_99] : memref<320000xi32, #tpu.memory_space<hbm>> -> memref<80xi32, #tpu.memory_space<hbm>>
      tpu.wait_dma2 semaphore(%arg16 : memref<!tpu.dma_semaphore, #tpu.memory_space<semaphore_mem>>) src(%dma_wait3A_101 : memref<80xi32, #tpu.memory_space<hbm>>) dst(%arg9 : memref<80xi32, #tpu.memory_space<vmem>>)
      %add3A_102 = arith.constant 1 : i32
      %add3A_103 = arith.addi %mul3A_57, %add3A_102 : i32
      %dma_wait3A_104 = arith.constant 0 : i32
      %dma_wait3A_105 = arith.constant 0 : i32
      %dma_wait3A_106 = tpu.memref_slice %arg7[%dma_wait3A_104, %add3A_103, %dma_wait3A_105] : memref<1x125x80xi32, #tpu.memory_space<vmem>> -> memref<1x1x80xi32, #tpu.memory_space<vmem>>
      %dma_wait3A_107 = tpu.memref_squeeze %dma_wait3A_106 : memref<1x1x80xi32, #tpu.memory_space<vmem>> -> memref<80xi32, #tpu.memory_space<vmem>>
      %dma_wait3A_108 = arith.constant 0 : i32
      %dma_wait3A_109 = arith.constant 0 : i32
      %dma_wait3A_110 = tpu.memref_slice %arg2[%dma_wait3A_108, %dma_wait3A_109] : memref<10000x128xf32, #tpu.memory_space<hbm>> -> memref<10000x128xf32, #tpu.memory_space<hbm>>
      tpu.wait_indirect_dma semaphore(%arg14 : memref<!tpu.dma_semaphore, #tpu.memory_space<semaphore_mem>>) src(%dma_wait3A_110 : memref<10000x128xf32, #tpu.memory_space<hbm>>) dst(%arg11 : memref<80x128xf32, #tpu.memory_space<vmem>>)
      "tpu.region"() ({
        %run_scoped3A = tpu.sem_alloc : memref<!tpu.dma_semaphore, #tpu.memory_space<semaphore_mem>>
        %dma_start3A_111 = arith.constant 0 : i32
        %dma_start3A_112 = arith.constant 0 : i32
        %dma_start3A_113 = tpu.memref_slice %arg12[%dma_start3A_111, %dma_start3A_112] : memref<10240x128xf32, #tpu.memory_space<vmem_shared>> -> memref<10240x128xf32, #tpu.memory_space<vmem_shared>>
        tpu.enqueue_indirect_dma source(%arg11 : memref<80x128xf32, #tpu.memory_space<vmem>>) target(%dma_start3A_113 : memref<10240x128xf32, #tpu.memory_space<vmem_shared>>) offsets(%arg9 : memref<80xi32, #tpu.memory_space<vmem>>) semaphore(%run_scoped3A : memref<!tpu.dma_semaphore, #tpu.memory_space<semaphore_mem>>) {add = true}
        %dma_wait3A_114 = arith.constant 0 : i32
        %dma_wait3A_115 = arith.constant 0 : i32
        %dma_wait3A_116 = tpu.memref_slice %arg12[%dma_wait3A_114, %dma_wait3A_115] : memref<10240x128xf32, #tpu.memory_space<vmem_shared>> -> memref<10240x128xf32, #tpu.memory_space<vmem_shared>>
        tpu.wait_indirect_dma semaphore(%run_scoped3A : memref<!tpu.dma_semaphore, #tpu.memory_space<semaphore_mem>>) src(%arg11 : memref<80x128xf32, #tpu.memory_space<vmem>>) dst(%dma_wait3A_116 : memref<10240x128xf32, #tpu.memory_space<vmem_shared>>)
        tpu.yield
      }) : () -> ()
    }
    %scan3A_36 = arith.constant 62 : i32
    %mul3A_37 = arith.constant 10000 : i32
    %mul3A_38 = arith.muli %add3A, %mul3A_37 : i32
    %add3A_39 = arith.constant 9920 : i32
    %add3A_40 = arith.addi %mul3A_38, %add3A_39 : i32
    %dma_wait3A = tpu.memref_slice %arg4[%add3A_40] : memref<320000xi32, #tpu.memory_space<hbm>> -> memref<80xi32, #tpu.memory_space<hbm>>
    %dma_wait3A_41 = tpu.memref_slice %arg4[%add3A_40] : memref<320000xi32, #tpu.memory_space<hbm>> -> memref<80xi32, #tpu.memory_space<hbm>>
    tpu.wait_dma2 semaphore(%arg15 : memref<!tpu.dma_semaphore, #tpu.memory_space<semaphore_mem>>) src(%dma_wait3A_41 : memref<80xi32, #tpu.memory_space<hbm>>) dst(%arg8 : memref<80xi32, #tpu.memory_space<vmem>>)
    %dma_wait3A_42 = arith.constant 0 : i32
    %dma_wait3A_43 = arith.constant 124 : i32
    %dma_wait3A_44 = arith.constant 0 : i32
    %dma_wait3A_45 = tpu.memref_slice %arg7[%dma_wait3A_42, %dma_wait3A_43, %dma_wait3A_44] : memref<1x125x80xi32, #tpu.memory_space<vmem>> -> memref<1x1x80xi32, #tpu.memory_space<vmem>>
    %dma_wait3A_46 = tpu.memref_squeeze %dma_wait3A_45 : memref<1x1x80xi32, #tpu.memory_space<vmem>> -> memref<80xi32, #tpu.memory_space<vmem>>
    %dma_wait3A_47 = arith.constant 0 : i32
    %dma_wait3A_48 = arith.constant 0 : i32
    %dma_wait3A_49 = tpu.memref_slice %arg2[%dma_wait3A_47, %dma_wait3A_48] : memref<10000x128xf32, #tpu.memory_space<hbm>> -> memref<10000x128xf32, #tpu.memory_space<hbm>>
    tpu.wait_indirect_dma semaphore(%arg13 : memref<!tpu.dma_semaphore, #tpu.memory_space<semaphore_mem>>) src(%dma_wait3A_49 : memref<10000x128xf32, #tpu.memory_space<hbm>>) dst(%arg10 : memref<80x128xf32, #tpu.memory_space<vmem>>)
    "tpu.region"() ({
      %run_scoped3A = tpu.sem_alloc : memref<!tpu.dma_semaphore, #tpu.memory_space<semaphore_mem>>
      %dma_start3A_55 = arith.constant 0 : i32
      %dma_start3A_56 = arith.constant 0 : i32
      %dma_start3A_57 = tpu.memref_slice %arg12[%dma_start3A_55, %dma_start3A_56] : memref<10240x128xf32, #tpu.memory_space<vmem_shared>> -> memref<10240x128xf32, #tpu.memory_space<vmem_shared>>
      tpu.enqueue_indirect_dma source(%arg10 : memref<80x128xf32, #tpu.memory_space<vmem>>) target(%dma_start3A_57 : memref<10240x128xf32, #tpu.memory_space<vmem_shared>>) offsets(%arg8 : memref<80xi32, #tpu.memory_space<vmem>>) semaphore(%run_scoped3A : memref<!tpu.dma_semaphore, #tpu.memory_space<semaphore_mem>>) {add = true}
      %dma_wait3A_58 = arith.constant 0 : i32
      %dma_wait3A_59 = arith.constant 0 : i32
      %dma_wait3A_60 = tpu.memref_slice %arg12[%dma_wait3A_58, %dma_wait3A_59] : memref<10240x128xf32, #tpu.memory_space<vmem_shared>> -> memref<10240x128xf32, #tpu.memory_space<vmem_shared>>
      tpu.wait_indirect_dma semaphore(%run_scoped3A : memref<!tpu.dma_semaphore, #tpu.memory_space<semaphore_mem>>) src(%arg10 : memref<80x128xf32, #tpu.memory_space<vmem>>) dst(%dma_wait3A_60 : memref<10240x128xf32, #tpu.memory_space<vmem_shared>>)
      tpu.yield
    }) : () -> ()
    %barrier3A_50 = arith.constant 0 : index
    tpu.barrier barrier_id(%barrier3A_50)
    %mul3A_51 = arith.constant 640 : i32
    %mul3A_52 = arith.muli %arg1, %mul3A_51 : i32
    %mul3A_53 = arith.constant 640 : i32
    %mul3A_54 = arith.muli %arg1, %mul3A_53 : i32
    "tpu.region"() ({
      %run_scoped3A = tpu.sem_alloc : memref<!tpu.dma_semaphore, #tpu.memory_space<semaphore_mem>>
      %dma_start3A_55 = arith.constant 0 : i32
      %dma_start3A_56 = tpu.memref_slice %arg6[%arg0, %mul3A_54, %dma_start3A_55] : memref<2x10240x128xf32, #tpu.memory_space<hbm>> -> memref<1x640x128xf32, #tpu.memory_space<hbm>>
      %dma_start3A_57 = tpu.memref_squeeze %dma_start3A_56 : memref<1x640x128xf32, #tpu.memory_space<hbm>> -> memref<640x128xf32, #tpu.memory_space<hbm>>
      %dma_start3A_58 = arith.constant 0 : i32
      %dma_start3A_59 = tpu.memref_slice %arg12[%mul3A_52, %dma_start3A_58] : memref<10240x128xf32, #tpu.memory_space<vmem_shared>> -> memref<640x128xf32, #tpu.memory_space<vmem_shared>>
      tpu.enqueue_dma source(%dma_start3A_59 : memref<640x128xf32, #tpu.memory_space<vmem_shared>>) target(%dma_start3A_57 : memref<640x128xf32, #tpu.memory_space<hbm>>) target_semaphore(%run_scoped3A : memref<!tpu.dma_semaphore, #tpu.memory_space<semaphore_mem>>)
      %dma_wait3A_60 = arith.constant 0 : i32
      %dma_wait3A_61 = tpu.memref_slice %arg6[%arg0, %mul3A_54, %dma_wait3A_60] : memref<2x10240x128xf32, #tpu.memory_space<hbm>> -> memref<1x640x128xf32, #tpu.memory_space<hbm>>
      %dma_wait3A_62 = tpu.memref_squeeze %dma_wait3A_61 : memref<1x640x128xf32, #tpu.memory_space<hbm>> -> memref<640x128xf32, #tpu.memory_space<hbm>>
      %dma_wait3A_63 = arith.constant 0 : i32
      %dma_wait3A_64 = tpu.memref_slice %arg12[%mul3A_52, %dma_wait3A_63] : memref<10240x128xf32, #tpu.memory_space<vmem_shared>> -> memref<640x128xf32, #tpu.memory_space<vmem_shared>>
      tpu.wait_dma2 semaphore(%run_scoped3A : memref<!tpu.dma_semaphore, #tpu.memory_space<semaphore_mem>>) src(%dma_wait3A_64 : memref<640x128xf32, #tpu.memory_space<vmem_shared>>) dst(%dma_wait3A_62 : memref<640x128xf32, #tpu.memory_space<hbm>>)
      tpu.yield
    }) : () -> ()
    return
  }
}

#map = affine_map<(d0, d1) -> (0, 0)>
#map1 = affine_map<(d0, d1) -> (0, 0, 0)>
#map2 = affine_map<(d0, d1) -> (0)>
module attributes {stable_mosaic.version = 14 : i64} {
  func.func @_prop_body(%arg0: i32, %arg1: i32, %arg2: memref<10000x128xf32, #tpu.memory_space<hbm>>, %arg3: memref<32x125x80xi32, #tpu.memory_space<hbm>>, %arg4: memref<320000xi32, #tpu.memory_space<hbm>>, %arg5: memref<128x128xf32, #tpu.memory_space<hbm>>, %arg6: memref<2x10240x128xf32, #tpu.memory_space<hbm>>, %arg7: memref<1x125x80xi32, #tpu.memory_space<vmem>>, %arg8: memref<80xi32, #tpu.memory_space<vmem>>, %arg9: memref<80xi32, #tpu.memory_space<vmem>>, %arg10: memref<80x128xf32, #tpu.memory_space<vmem>>, %arg11: memref<80x128xf32, #tpu.memory_space<vmem>>, %arg12: memref<10240x128xf32, #tpu.memory_space<vmem_shared>>, %arg13: memref<!tpu.dma_semaphore, #tpu.memory_space<semaphore_mem>>, %arg14: memref<!tpu.dma_semaphore, #tpu.memory_space<semaphore_mem>>, %arg15: memref<!tpu.dma_semaphore, #tpu.memory_space<semaphore_mem>>, %arg16: memref<!tpu.dma_semaphore, #tpu.memory_space<semaphore_mem>>, %arg17: memref<!tpu.dma_semaphore, #tpu.memory_space<semaphore_mem>>, %arg18: memref<!tpu.dma_semaphore, #tpu.memory_space<semaphore_mem>>) attributes {dimension_semantics = [#tpu.dimension_semantics<core_parallel>, #tpu.dimension_semantics<subcore_parallel>], iteration_bounds = array<i64: 2, 16>, scalar_prefetch = 0 : i64, scratch_operands = 12 : i64, tpu.core_type = #tpu.core_type<sc_vector_subcore>, window_params = [{transform_indices = #map}, {transform_indices = #map1}, {transform_indices = #map2}, {transform_indices = #map}, {transform_indices = #map1}]} {
    %mul3A = arith.constant 16 : i32
    %mul3A_0 = arith.muli %arg0, %mul3A : i32
    %add3A = arith.addi %mul3A_0, %arg1 : i32
    %mul3A_1 = arith.constant 640 : i32
    %mul3A_2 = arith.muli %arg1, %mul3A_1 : i32
    %add3A_3 = arith.constant 0 : i32
    %add3A_4 = arith.addi %mul3A_2, %add3A_3 : i32
    "tpu.region"() ({
      %run_scoped3A = tpu.sem_alloc : memref<!tpu.dma_semaphore, #tpu.memory_space<semaphore_mem>>
      %dma_start3A_55 = arith.constant 0 : i32
      %dma_start3A_56 = tpu.memref_slice %arg12[%add3A_4, %dma_start3A_55] : memref<10240x128xf32, #tpu.memory_space<vmem_shared>> -> memref<128x128xf32, #tpu.memory_space<vmem_shared>>
      tpu.enqueue_dma source(%arg5 : memref<128x128xf32, #tpu.memory_space<hbm>>) target(%dma_start3A_56 : memref<128x128xf32, #tpu.memory_space<vmem_shared>>) target_semaphore(%run_scoped3A : memref<!tpu.dma_semaphore, #tpu.memory_space<semaphore_mem>>)
      %dma_wait3A_57 = arith.constant 0 : i32
      %dma_wait3A_58 = tpu.memref_slice %arg12[%add3A_4, %dma_wait3A_57] : memref<10240x128xf32, #tpu.memory_space<vmem_shared>> -> memref<128x128xf32, #tpu.memory_space<vmem_shared>>
      tpu.wait_dma2 semaphore(%run_scoped3A : memref<!tpu.dma_semaphore, #tpu.memory_space<semaphore_mem>>) src(%arg5 : memref<128x128xf32, #tpu.memory_space<hbm>>) dst(%dma_wait3A_58 : memref<128x128xf32, #tpu.memory_space<vmem_shared>>)
      tpu.yield
    }) : () -> ()
    %mul3A_5 = arith.constant 640 : i32
    %mul3A_6 = arith.muli %arg1, %mul3A_5 : i32
    %add3A_7 = arith.constant 128 : i32
    %add3A_8 = arith.addi %mul3A_6, %add3A_7 : i32
    "tpu.region"() ({
      %run_scoped3A = tpu.sem_alloc : memref<!tpu.dma_semaphore, #tpu.memory_space<semaphore_mem>>
      %dma_start3A_55 = arith.constant 0 : i32
      %dma_start3A_56 = tpu.memref_slice %arg12[%add3A_8, %dma_start3A_55] : memref<10240x128xf32, #tpu.memory_space<vmem_shared>> -> memref<128x128xf32, #tpu.memory_space<vmem_shared>>
      tpu.enqueue_dma source(%arg5 : memref<128x128xf32, #tpu.memory_space<hbm>>) target(%dma_start3A_56 : memref<128x128xf32, #tpu.memory_space<vmem_shared>>) target_semaphore(%run_scoped3A : memref<!tpu.dma_semaphore, #tpu.memory_space<semaphore_mem>>)
      %dma_wait3A_57 = arith.constant 0 : i32
      %dma_wait3A_58 = tpu.memref_slice %arg12[%add3A_8, %dma_wait3A_57] : memref<10240x128xf32, #tpu.memory_space<vmem_shared>> -> memref<128x128xf32, #tpu.memory_space<vmem_shared>>
      tpu.wait_dma2 semaphore(%run_scoped3A : memref<!tpu.dma_semaphore, #tpu.memory_space<semaphore_mem>>) src(%arg5 : memref<128x128xf32, #tpu.memory_space<hbm>>) dst(%dma_wait3A_58 : memref<128x128xf32, #tpu.memory_space<vmem_shared>>)
      tpu.yield
    }) : () -> ()
    %mul3A_9 = arith.constant 640 : i32
    %mul3A_10 = arith.muli %arg1, %mul3A_9 : i32
    %add3A_11 = arith.constant 256 : i32
    %add3A_12 = arith.addi %mul3A_10, %add3A_11 : i32
    "tpu.region"() ({
      %run_scoped3A = tpu.sem_alloc : memref<!tpu.dma_semaphore, #tpu.memory_space<semaphore_mem>>
      %dma_start3A_55 = arith.constant 0 : i32
      %dma_start3A_56 = tpu.memref_slice %arg12[%add3A_12, %dma_start3A_55] : memref<10240x128xf32, #tpu.memory_space<vmem_shared>> -> memref<128x128xf32, #tpu.memory_space<vmem_shared>>
      tpu.enqueue_dma source(%arg5 : memref<128x128xf32, #tpu.memory_space<hbm>>) target(%dma_start3A_56 : memref<128x128xf32, #tpu.memory_space<vmem_shared>>) target_semaphore(%run_scoped3A : memref<!tpu.dma_semaphore, #tpu.memory_space<semaphore_mem>>)
      %dma_wait3A_57 = arith.constant 0 : i32
      %dma_wait3A_58 = tpu.memref_slice %arg12[%add3A_12, %dma_wait3A_57] : memref<10240x128xf32, #tpu.memory_space<vmem_shared>> -> memref<128x128xf32, #tpu.memory_space<vmem_shared>>
      tpu.wait_dma2 semaphore(%run_scoped3A : memref<!tpu.dma_semaphore, #tpu.memory_space<semaphore_mem>>) src(%arg5 : memref<128x128xf32, #tpu.memory_space<hbm>>) dst(%dma_wait3A_58 : memref<128x128xf32, #tpu.memory_space<vmem_shared>>)
      tpu.yield
    }) : () -> ()
    %mul3A_13 = arith.constant 640 : i32
    %mul3A_14 = arith.muli %arg1, %mul3A_13 : i32
    %add3A_15 = arith.constant 384 : i32
    %add3A_16 = arith.addi %mul3A_14, %add3A_15 : i32
    "tpu.region"() ({
      %run_scoped3A = tpu.sem_alloc : memref<!tpu.dma_semaphore, #tpu.memory_space<semaphore_mem>>
      %dma_start3A_55 = arith.constant 0 : i32
      %dma_start3A_56 = tpu.memref_slice %arg12[%add3A_16, %dma_start3A_55] : memref<10240x128xf32, #tpu.memory_space<vmem_shared>> -> memref<128x128xf32, #tpu.memory_space<vmem_shared>>
      tpu.enqueue_dma source(%arg5 : memref<128x128xf32, #tpu.memory_space<hbm>>) target(%dma_start3A_56 : memref<128x128xf32, #tpu.memory_space<vmem_shared>>) target_semaphore(%run_scoped3A : memref<!tpu.dma_semaphore, #tpu.memory_space<semaphore_mem>>)
      %dma_wait3A_57 = arith.constant 0 : i32
      %dma_wait3A_58 = tpu.memref_slice %arg12[%add3A_16, %dma_wait3A_57] : memref<10240x128xf32, #tpu.memory_space<vmem_shared>> -> memref<128x128xf32, #tpu.memory_space<vmem_shared>>
      tpu.wait_dma2 semaphore(%run_scoped3A : memref<!tpu.dma_semaphore, #tpu.memory_space<semaphore_mem>>) src(%arg5 : memref<128x128xf32, #tpu.memory_space<hbm>>) dst(%dma_wait3A_58 : memref<128x128xf32, #tpu.memory_space<vmem_shared>>)
      tpu.yield
    }) : () -> ()
    %mul3A_17 = arith.constant 640 : i32
    %mul3A_18 = arith.muli %arg1, %mul3A_17 : i32
    %add3A_19 = arith.constant 512 : i32
    %add3A_20 = arith.addi %mul3A_18, %add3A_19 : i32
    "tpu.region"() ({
      %run_scoped3A = tpu.sem_alloc : memref<!tpu.dma_semaphore, #tpu.memory_space<semaphore_mem>>
      %dma_start3A_55 = arith.constant 0 : i32
      %dma_start3A_56 = tpu.memref_slice %arg12[%add3A_20, %dma_start3A_55] : memref<10240x128xf32, #tpu.memory_space<vmem_shared>> -> memref<128x128xf32, #tpu.memory_space<vmem_shared>>
      tpu.enqueue_dma source(%arg5 : memref<128x128xf32, #tpu.memory_space<hbm>>) target(%dma_start3A_56 : memref<128x128xf32, #tpu.memory_space<vmem_shared>>) target_semaphore(%run_scoped3A : memref<!tpu.dma_semaphore, #tpu.memory_space<semaphore_mem>>)
      %dma_wait3A_57 = arith.constant 0 : i32
      %dma_wait3A_58 = tpu.memref_slice %arg12[%add3A_20, %dma_wait3A_57] : memref<10240x128xf32, #tpu.memory_space<vmem_shared>> -> memref<128x128xf32, #tpu.memory_space<vmem_shared>>
      tpu.wait_dma2 semaphore(%run_scoped3A : memref<!tpu.dma_semaphore, #tpu.memory_space<semaphore_mem>>) src(%arg5 : memref<128x128xf32, #tpu.memory_space<hbm>>) dst(%dma_wait3A_58 : memref<128x128xf32, #tpu.memory_space<vmem_shared>>)
      tpu.yield
    }) : () -> ()
    "tpu.region"() ({
      %run_scoped3A = tpu.sem_alloc : memref<!tpu.dma_semaphore, #tpu.memory_space<semaphore_mem>>
      %dma_start3A_55 = arith.constant 0 : i32
      %dma_start3A_56 = arith.constant 0 : i32
      %dma_start3A_57 = tpu.memref_slice %arg3[%add3A, %dma_start3A_55, %dma_start3A_56] : memref<32x125x80xi32, #tpu.memory_space<hbm>> -> memref<1x125x80xi32, #tpu.memory_space<hbm>>
      %dma_start3A_58 = arith.constant 0 : i32
      %dma_start3A_59 = arith.constant 0 : i32
      %dma_start3A_60 = tpu.memref_slice %arg3[%add3A, %dma_start3A_58, %dma_start3A_59] : memref<32x125x80xi32, #tpu.memory_space<hbm>> -> memref<1x125x80xi32, #tpu.memory_space<hbm>>
      tpu.enqueue_dma source(%dma_start3A_60 : memref<1x125x80xi32, #tpu.memory_space<hbm>>) target(%arg7 : memref<1x125x80xi32, #tpu.memory_space<vmem>>) target_semaphore(%run_scoped3A : memref<!tpu.dma_semaphore, #tpu.memory_space<semaphore_mem>>)
      %dma_wait3A_61 = arith.constant 0 : i32
      %dma_wait3A_62 = arith.constant 0 : i32
      %dma_wait3A_63 = tpu.memref_slice %arg3[%add3A, %dma_wait3A_61, %dma_wait3A_62] : memref<32x125x80xi32, #tpu.memory_space<hbm>> -> memref<1x125x80xi32, #tpu.memory_space<hbm>>
      %dma_wait3A_64 = arith.constant 0 : i32
      %dma_wait3A_65 = arith.constant 0 : i32
      %dma_wait3A_66 = tpu.memref_slice %arg3[%add3A, %dma_wait3A_64, %dma_wait3A_65] : memref<32x125x80xi32, #tpu.memory_space<hbm>> -> memref<1x125x80xi32, #tpu.memory_space<hbm>>
      tpu.wait_dma2 semaphore(%run_scoped3A : memref<!tpu.dma_semaphore, #tpu.memory_space<semaphore_mem>>) src(%dma_wait3A_66 : memref<1x125x80xi32, #tpu.memory_space<hbm>>) dst(%arg7 : memref<1x125x80xi32, #tpu.memory_space<vmem>>)
      tpu.yield
    }) : () -> ()
    %barrier3A = arith.constant 0 : index
    tpu.barrier barrier_id(%barrier3A)
    %mul3A_21 = arith.constant 10000 : i32
    %mul3A_22 = arith.muli %add3A, %mul3A_21 : i32
    %dma_start3A = tpu.memref_slice %arg4[%mul3A_22] : memref<320000xi32, #tpu.memory_space<hbm>> -> memref<80xi32, #tpu.memory_space<hbm>>
    %dma_start3A_23 = tpu.memref_slice %arg4[%mul3A_22] : memref<320000xi32, #tpu.memory_space<hbm>> -> memref<80xi32, #tpu.memory_space<hbm>>
    tpu.enqueue_dma source(%dma_start3A_23 : memref<80xi32, #tpu.memory_space<hbm>>) target(%arg8 : memref<80xi32, #tpu.memory_space<vmem>>) target_semaphore(%arg15 : memref<!tpu.dma_semaphore, #tpu.memory_space<semaphore_mem>>)
    %dma_start3A_24 = arith.constant 0 : i32
    %dma_start3A_25 = arith.constant 0 : i32
    %dma_start3A_26 = arith.constant 0 : i32
    %dma_start3A_27 = tpu.memref_slice %arg7[%dma_start3A_24, %dma_start3A_25, %dma_start3A_26] : memref<1x125x80xi32, #tpu.memory_space<vmem>> -> memref<1x1x80xi32, #tpu.memory_space<vmem>>
    %dma_start3A_28 = tpu.memref_squeeze %dma_start3A_27 : memref<1x1x80xi32, #tpu.memory_space<vmem>> -> memref<80xi32, #tpu.memory_space<vmem>>
    %dma_start3A_29 = arith.constant 0 : i32
    %dma_start3A_30 = arith.constant 0 : i32
    %dma_start3A_31 = tpu.memref_slice %arg2[%dma_start3A_29, %dma_start3A_30] : memref<10000x128xf32, #tpu.memory_space<hbm>> -> memref<10000x128xf32, #tpu.memory_space<hbm>>
    tpu.enqueue_indirect_dma source(%dma_start3A_31 : memref<10000x128xf32, #tpu.memory_space<hbm>>) target(%arg10 : memref<80x128xf32, #tpu.memory_space<vmem>>) offsets(%dma_start3A_28 : memref<80xi32, #tpu.memory_space<vmem>>) semaphore(%arg13 : memref<!tpu.dma_semaphore, #tpu.memory_space<semaphore_mem>>)
    %scan3A = arith.constant 0 : i32
    %scan3A_32 = arith.constant 0 : i32
    %scan3A_33 = arith.constant 62 : i32
    %scan3A_34 = arith.addi %scan3A_32, %scan3A_33 : i32
    %scan3A_35 = arith.constant 1 : i32
    scf.for %scan3A_55 = %scan3A_32 to %scan3A_34 step %scan3A_35  : i32 {
      %mul3A_56 = arith.constant 2 : i32
      %mul3A_57 = arith.muli %mul3A_56, %scan3A_55 : i32
      %mul3A_58 = arith.constant 10000 : i32
      %mul3A_59 = arith.muli %add3A, %mul3A_58 : i32
      %mul3A_60 = arith.constant 80 : i32
      %mul3A_61 = arith.muli %mul3A_57, %mul3A_60 : i32
      %add3A_62 = arith.addi %mul3A_59, %mul3A_61 : i32
      %multiple_of3A = tpu.assume_multiple %add3A_62, 8 : i32
      %add3A_63 = arith.constant 80 : i32
      %add3A_64 = arith.addi %multiple_of3A, %add3A_63 : i32
      %dma_start3A_65 = tpu.memref_slice %arg4[%add3A_64] : memref<320000xi32, #tpu.memory_space<hbm>> -> memref<80xi32, #tpu.memory_space<hbm>>
      %dma_start3A_66 = tpu.memref_slice %arg4[%add3A_64] : memref<320000xi32, #tpu.memory_space<hbm>> -> memref<80xi32, #tpu.memory_space<hbm>>
      tpu.enqueue_dma source(%dma_start3A_66 : memref<80xi32, #tpu.memory_space<hbm>>) target(%arg9 : memref<80xi32, #tpu.memory_space<vmem>>) target_semaphore(%arg16 : memref<!tpu.dma_semaphore, #tpu.memory_space<semaphore_mem>>)
      %add3A_67 = arith.constant 1 : i32
      %add3A_68 = arith.addi %mul3A_57, %add3A_67 : i32
      %dma_start3A_69 = arith.constant 0 : i32
      %dma_start3A_70 = arith.constant 0 : i32
      %dma_start3A_71 = tpu.memref_slice %arg7[%dma_start3A_69, %add3A_68, %dma_start3A_70] : memref<1x125x80xi32, #tpu.memory_space<vmem>> -> memref<1x1x80xi32, #tpu.memory_space<vmem>>
      %dma_start3A_72 = tpu.memref_squeeze %dma_start3A_71 : memref<1x1x80xi32, #tpu.memory_space<vmem>> -> memref<80xi32, #tpu.memory_space<vmem>>
      %dma_start3A_73 = arith.constant 0 : i32
      %dma_start3A_74 = arith.constant 0 : i32
      %dma_start3A_75 = tpu.memref_slice %arg2[%dma_start3A_73, %dma_start3A_74] : memref<10000x128xf32, #tpu.memory_space<hbm>> -> memref<10000x128xf32, #tpu.memory_space<hbm>>
      tpu.enqueue_indirect_dma source(%dma_start3A_75 : memref<10000x128xf32, #tpu.memory_space<hbm>>) target(%arg11 : memref<80x128xf32, #tpu.memory_space<vmem>>) offsets(%dma_start3A_72 : memref<80xi32, #tpu.memory_space<vmem>>) semaphore(%arg14 : memref<!tpu.dma_semaphore, #tpu.memory_space<semaphore_mem>>)
      %dma_wait3A_76 = tpu.memref_slice %arg4[%multiple_of3A] : memref<320000xi32, #tpu.memory_space<hbm>> -> memref<80xi32, #tpu.memory_space<hbm>>
      %dma_wait3A_77 = tpu.memref_slice %arg4[%multiple_of3A] : memref<320000xi32, #tpu.memory_space<hbm>> -> memref<80xi32, #tpu.memory_space<hbm>>
      tpu.wait_dma2 semaphore(%arg15 : memref<!tpu.dma_semaphore, #tpu.memory_space<semaphore_mem>>) src(%dma_wait3A_77 : memref<80xi32, #tpu.memory_space<hbm>>) dst(%arg8 : memref<80xi32, #tpu.memory_space<vmem>>)
      %dma_wait3A_78 = arith.constant 0 : i32
      %dma_wait3A_79 = arith.constant 0 : i32
      %dma_wait3A_80 = tpu.memref_slice %arg7[%dma_wait3A_78, %mul3A_57, %dma_wait3A_79] : memref<1x125x80xi32, #tpu.memory_space<vmem>> -> memref<1x1x80xi32, #tpu.memory_space<vmem>>
      %dma_wait3A_81 = tpu.memref_squeeze %dma_wait3A_80 : memref<1x1x80xi32, #tpu.memory_space<vmem>> -> memref<80xi32, #tpu.memory_space<vmem>>
      %dma_wait3A_82 = arith.constant 0 : i32
      %dma_wait3A_83 = arith.constant 0 : i32
      %dma_wait3A_84 = tpu.memref_slice %arg2[%dma_wait3A_82, %dma_wait3A_83] : memref<10000x128xf32, #tpu.memory_space<hbm>> -> memref<10000x128xf32, #tpu.memory_space<hbm>>
      tpu.wait_indirect_dma semaphore(%arg13 : memref<!tpu.dma_semaphore, #tpu.memory_space<semaphore_mem>>) src(%dma_wait3A_84 : memref<10000x128xf32, #tpu.memory_space<hbm>>) dst(%arg10 : memref<80x128xf32, #tpu.memory_space<vmem>>)
      "tpu.region"() ({
        %run_scoped3A = tpu.sem_alloc : memref<!tpu.dma_semaphore, #tpu.memory_space<semaphore_mem>>
        %dma_start3A_111 = arith.constant 0 : i32
        %dma_start3A_112 = arith.constant 0 : i32
        %dma_start3A_113 = tpu.memref_slice %arg12[%dma_start3A_111, %dma_start3A_112] : memref<10240x128xf32, #tpu.memory_space<vmem_shared>> -> memref<10240x128xf32, #tpu.memory_space<vmem_shared>>
        tpu.enqueue_indirect_dma source(%arg10 : memref<80x128xf32, #tpu.memory_space<vmem>>) target(%dma_start3A_113 : memref<10240x128xf32, #tpu.memory_space<vmem_shared>>) offsets(%arg8 : memref<80xi32, #tpu.memory_space<vmem>>) semaphore(%run_scoped3A : memref<!tpu.dma_semaphore, #tpu.memory_space<semaphore_mem>>) {add = true}
        %dma_wait3A_114 = arith.constant 0 : i32
        %dma_wait3A_115 = arith.constant 0 : i32
        %dma_wait3A_116 = tpu.memref_slice %arg12[%dma_wait3A_114, %dma_wait3A_115] : memref<10240x128xf32, #tpu.memory_space<vmem_shared>> -> memref<10240x128xf32, #tpu.memory_space<vmem_shared>>
        tpu.wait_indirect_dma semaphore(%run_scoped3A : memref<!tpu.dma_semaphore, #tpu.memory_space<semaphore_mem>>) src(%arg10 : memref<80x128xf32, #tpu.memory_space<vmem>>) dst(%dma_wait3A_116 : memref<10240x128xf32, #tpu.memory_space<vmem_shared>>)
        tpu.yield
      }) : () -> ()
      %add3A_85 = arith.constant 160 : i32
      %add3A_86 = arith.addi %multiple_of3A, %add3A_85 : i32
      %dma_start3A_87 = tpu.memref_slice %arg4[%add3A_86] : memref<320000xi32, #tpu.memory_space<hbm>> -> memref<80xi32, #tpu.memory_space<hbm>>
      %dma_start3A_88 = tpu.memref_slice %arg4[%add3A_86] : memref<320000xi32, #tpu.memory_space<hbm>> -> memref<80xi32, #tpu.memory_space<hbm>>
      tpu.enqueue_dma source(%dma_start3A_88 : memref<80xi32, #tpu.memory_space<hbm>>) target(%arg8 : memref<80xi32, #tpu.memory_space<vmem>>) target_semaphore(%arg15 : memref<!tpu.dma_semaphore, #tpu.memory_space<semaphore_mem>>)
      %add3A_89 = arith.constant 2 : i32
      %add3A_90 = arith.addi %mul3A_57, %add3A_89 : i32
      %dma_start3A_91 = arith.constant 0 : i32
      %dma_start3A_92 = arith.constant 0 : i32
      %dma_start3A_93 = tpu.memref_slice %arg7[%dma_start3A_91, %add3A_90, %dma_start3A_92] : memref<1x125x80xi32, #tpu.memory_space<vmem>> -> memref<1x1x80xi32, #tpu.memory_space<vmem>>
      %dma_start3A_94 = tpu.memref_squeeze %dma_start3A_93 : memref<1x1x80xi32, #tpu.memory_space<vmem>> -> memref<80xi32, #tpu.memory_space<vmem>>
      %dma_start3A_95 = arith.constant 0 : i32
      %dma_start3A_96 = arith.constant 0 : i32
      %dma_start3A_97 = tpu.memref_slice %arg2[%dma_start3A_95, %dma_start3A_96] : memref<10000x128xf32, #tpu.memory_space<hbm>> -> memref<10000x128xf32, #tpu.memory_space<hbm>>
      tpu.enqueue_indirect_dma source(%dma_start3A_97 : memref<10000x128xf32, #tpu.memory_space<hbm>>) target(%arg10 : memref<80x128xf32, #tpu.memory_space<vmem>>) offsets(%dma_start3A_94 : memref<80xi32, #tpu.memory_space<vmem>>) semaphore(%arg13 : memref<!tpu.dma_semaphore, #tpu.memory_space<semaphore_mem>>)
      %add3A_98 = arith.constant 80 : i32
      %add3A_99 = arith.addi %multiple_of3A, %add3A_98 : i32
      %dma_wait3A_100 = tpu.memref_slice %arg4[%add3A_99] : memref<320000xi32, #tpu.memory_space<hbm>> -> memref<80xi32, #tpu.memory_space<hbm>>
      %dma_wait3A_101 = tpu.memref_slice %arg4[%add3A_99] : memref<320000xi32, #tpu.memory_space<hbm>> -> memref<80xi32, #tpu.memory_space<hbm>>
      tpu.wait_dma2 semaphore(%arg16 : memref<!tpu.dma_semaphore, #tpu.memory_space<semaphore_mem>>) src(%dma_wait3A_101 : memref<80xi32, #tpu.memory_space<hbm>>) dst(%arg9 : memref<80xi32, #tpu.memory_space<vmem>>)
      %add3A_102 = arith.constant 1 : i32
      %add3A_103 = arith.addi %mul3A_57, %add3A_102 : i32
      %dma_wait3A_104 = arith.constant 0 : i32
      %dma_wait3A_105 = arith.constant 0 : i32
      %dma_wait3A_106 = tpu.memref_slice %arg7[%dma_wait3A_104, %add3A_103, %dma_wait3A_105] : memref<1x125x80xi32, #tpu.memory_space<vmem>> -> memref<1x1x80xi32, #tpu.memory_space<vmem>>
      %dma_wait3A_107 = tpu.memref_squeeze %dma_wait3A_106 : memref<1x1x80xi32, #tpu.memory_space<vmem>> -> memref<80xi32, #tpu.memory_space<vmem>>
      %dma_wait3A_108 = arith.constant 0 : i32
      %dma_wait3A_109 = arith.constant 0 : i32
      %dma_wait3A_110 = tpu.memref_slice %arg2[%dma_wait3A_108, %dma_wait3A_109] : memref<10000x128xf32, #tpu.memory_space<hbm>> -> memref<10000x128xf32, #tpu.memory_space<hbm>>
      tpu.wait_indirect_dma semaphore(%arg14 : memref<!tpu.dma_semaphore, #tpu.memory_space<semaphore_mem>>) src(%dma_wait3A_110 : memref<10000x128xf32, #tpu.memory_space<hbm>>) dst(%arg11 : memref<80x128xf32, #tpu.memory_space<vmem>>)
      "tpu.region"() ({
        %run_scoped3A = tpu.sem_alloc : memref<!tpu.dma_semaphore, #tpu.memory_space<semaphore_mem>>
        %dma_start3A_111 = arith.constant 0 : i32
        %dma_start3A_112 = arith.constant 0 : i32
        %dma_start3A_113 = tpu.memref_slice %arg12[%dma_start3A_111, %dma_start3A_112] : memref<10240x128xf32, #tpu.memory_space<vmem_shared>> -> memref<10240x128xf32, #tpu.memory_space<vmem_shared>>
        tpu.enqueue_indirect_dma source(%arg11 : memref<80x128xf32, #tpu.memory_space<vmem>>) target(%dma_start3A_113 : memref<10240x128xf32, #tpu.memory_space<vmem_shared>>) offsets(%arg9 : memref<80xi32, #tpu.memory_space<vmem>>) semaphore(%run_scoped3A : memref<!tpu.dma_semaphore, #tpu.memory_space<semaphore_mem>>) {add = true}
        %dma_wait3A_114 = arith.constant 0 : i32
        %dma_wait3A_115 = arith.constant 0 : i32
        %dma_wait3A_116 = tpu.memref_slice %arg12[%dma_wait3A_114, %dma_wait3A_115] : memref<10240x128xf32, #tpu.memory_space<vmem_shared>> -> memref<10240x128xf32, #tpu.memory_space<vmem_shared>>
        tpu.wait_indirect_dma semaphore(%run_scoped3A : memref<!tpu.dma_semaphore, #tpu.memory_space<semaphore_mem>>) src(%arg11 : memref<80x128xf32, #tpu.memory_space<vmem>>) dst(%dma_wait3A_116 : memref<10240x128xf32, #tpu.memory_space<vmem_shared>>)
        tpu.yield
      }) : () -> ()
    }
    %scan3A_36 = arith.constant 62 : i32
    %mul3A_37 = arith.constant 10000 : i32
    %mul3A_38 = arith.muli %add3A, %mul3A_37 : i32
    %add3A_39 = arith.constant 9920 : i32
    %add3A_40 = arith.addi %mul3A_38, %add3A_39 : i32
    %dma_wait3A = tpu.memref_slice %arg4[%add3A_40] : memref<320000xi32, #tpu.memory_space<hbm>> -> memref<80xi32, #tpu.memory_space<hbm>>
    %dma_wait3A_41 = tpu.memref_slice %arg4[%add3A_40] : memref<320000xi32, #tpu.memory_space<hbm>> -> memref<80xi32, #tpu.memory_space<hbm>>
    tpu.wait_dma2 semaphore(%arg15 : memref<!tpu.dma_semaphore, #tpu.memory_space<semaphore_mem>>) src(%dma_wait3A_41 : memref<80xi32, #tpu.memory_space<hbm>>) dst(%arg8 : memref<80xi32, #tpu.memory_space<vmem>>)
    %dma_wait3A_42 = arith.constant 0 : i32
    %dma_wait3A_43 = arith.constant 124 : i32
    %dma_wait3A_44 = arith.constant 0 : i32
    %dma_wait3A_45 = tpu.memref_slice %arg7[%dma_wait3A_42, %dma_wait3A_43, %dma_wait3A_44] : memref<1x125x80xi32, #tpu.memory_space<vmem>> -> memref<1x1x80xi32, #tpu.memory_space<vmem>>
    %dma_wait3A_46 = tpu.memref_squeeze %dma_wait3A_45 : memref<1x1x80xi32, #tpu.memory_space<vmem>> -> memref<80xi32, #tpu.memory_space<vmem>>
    %dma_wait3A_47 = arith.constant 0 : i32
    %dma_wait3A_48 = arith.constant 0 : i32
    %dma_wait3A_49 = tpu.memref_slice %arg2[%dma_wait3A_47, %dma_wait3A_48] : memref<10000x128xf32, #tpu.memory_space<hbm>> -> memref<10000x128xf32, #tpu.memory_space<hbm>>
    tpu.wait_indirect_dma semaphore(%arg13 : memref<!tpu.dma_semaphore, #tpu.memory_space<semaphore_mem>>) src(%dma_wait3A_49 : memref<10000x128xf32, #tpu.memory_space<hbm>>) dst(%arg10 : memref<80x128xf32, #tpu.memory_space<vmem>>)
    "tpu.region"() ({
      %run_scoped3A = tpu.sem_alloc : memref<!tpu.dma_semaphore, #tpu.memory_space<semaphore_mem>>
      %dma_start3A_55 = arith.constant 0 : i32
      %dma_start3A_56 = arith.constant 0 : i32
      %dma_start3A_57 = tpu.memref_slice %arg12[%dma_start3A_55, %dma_start3A_56] : memref<10240x128xf32, #tpu.memory_space<vmem_shared>> -> memref<10240x128xf32, #tpu.memory_space<vmem_shared>>
      tpu.enqueue_indirect_dma source(%arg10 : memref<80x128xf32, #tpu.memory_space<vmem>>) target(%dma_start3A_57 : memref<10240x128xf32, #tpu.memory_space<vmem_shared>>) offsets(%arg8 : memref<80xi32, #tpu.memory_space<vmem>>) semaphore(%run_scoped3A : memref<!tpu.dma_semaphore, #tpu.memory_space<semaphore_mem>>) {add = true}
      %dma_wait3A_58 = arith.constant 0 : i32
      %dma_wait3A_59 = arith.constant 0 : i32
      %dma_wait3A_60 = tpu.memref_slice %arg12[%dma_wait3A_58, %dma_wait3A_59] : memref<10240x128xf32, #tpu.memory_space<vmem_shared>> -> memref<10240x128xf32, #tpu.memory_space<vmem_shared>>
      tpu.wait_indirect_dma semaphore(%run_scoped3A : memref<!tpu.dma_semaphore, #tpu.memory_space<semaphore_mem>>) src(%arg10 : memref<80x128xf32, #tpu.memory_space<vmem>>) dst(%dma_wait3A_60 : memref<10240x128xf32, #tpu.memory_space<vmem_shared>>)
      tpu.yield
    }) : () -> ()
    %barrier3A_50 = arith.constant 0 : index
    tpu.barrier barrier_id(%barrier3A_50)
    %mul3A_51 = arith.constant 640 : i32
    %mul3A_52 = arith.muli %arg1, %mul3A_51 : i32
    %mul3A_53 = arith.constant 640 : i32
    %mul3A_54 = arith.muli %arg1, %mul3A_53 : i32
    "tpu.region"() ({
      %run_scoped3A = tpu.sem_alloc : memref<!tpu.dma_semaphore, #tpu.memory_space<semaphore_mem>>
      %dma_start3A_55 = arith.constant 0 : i32
      %dma_start3A_56 = tpu.memref_slice %arg6[%arg0, %mul3A_54, %dma_start3A_55] : memref<2x10240x128xf32, #tpu.memory_space<hbm>> -> memref<1x640x128xf32, #tpu.memory_space<hbm>>
      %dma_start3A_57 = tpu.memref_squeeze %dma_start3A_56 : memref<1x640x128xf32, #tpu.memory_space<hbm>> -> memref<640x128xf32, #tpu.memory_space<hbm>>
      %dma_start3A_58 = arith.constant 0 : i32
      %dma_start3A_59 = tpu.memref_slice %arg12[%mul3A_52, %dma_start3A_58] : memref<10240x128xf32, #tpu.memory_space<vmem_shared>> -> memref<640x128xf32, #tpu.memory_space<vmem_shared>>
      tpu.enqueue_dma source(%dma_start3A_59 : memref<640x128xf32, #tpu.memory_space<vmem_shared>>) target(%dma_start3A_57 : memref<640x128xf32, #tpu.memory_space<hbm>>) target_semaphore(%run_scoped3A : memref<!tpu.dma_semaphore, #tpu.memory_space<semaphore_mem>>)
      %dma_wait3A_60 = arith.constant 0 : i32
      %dma_wait3A_61 = tpu.memref_slice %arg6[%arg0, %mul3A_54, %dma_wait3A_60] : memref<2x10240x128xf32, #tpu.memory_space<hbm>> -> memref<1x640x128xf32, #tpu.memory_space<hbm>>
      %dma_wait3A_62 = tpu.memref_squeeze %dma_wait3A_61 : memref<1x640x128xf32, #tpu.memory_space<hbm>> -> memref<640x128xf32, #tpu.memory_space<hbm>>
      %dma_wait3A_63 = arith.constant 0 : i32
      %dma_wait3A_64 = tpu.memref_slice %arg12[%mul3A_52, %dma_wait3A_63] : memref<10240x128xf32, #tpu.memory_space<vmem_shared>> -> memref<640x128xf32, #tpu.memory_space<vmem_shared>>
      tpu.wait_dma2 semaphore(%run_scoped3A : memref<!tpu.dma_semaphore, #tpu.memory_space<semaphore_mem>>) src(%dma_wait3A_64 : memref<640x128xf32, #tpu.memory_space<vmem_shared>>) dst(%dma_wait3A_62 : memref<640x128xf32, #tpu.memory_space<hbm>>)
      tpu.yield
    }) : () -> ()
    return
  }
}

module attributes {stable_mosaic.version = 14 : i64} {
  func.func @_b1_body(%arg0: i32, %arg1: memref<2x10240xf32, #tpu.memory_space<vmem>>, %arg2: memref<10000x128xf32, #tpu.memory_space<vmem>>, %arg3: memref<10000x1xf32, #tpu.memory_space<vmem>>, %arg4: memref<10000x128xf32, #tpu.memory_space<vmem>>) attributes {dimension_semantics = [#tpu.dimension_semantics<arbitrary>], iteration_bounds = array<i64: 1>, scalar_prefetch = 0 : i64, scratch_operands = 0 : i64, tpu.core_type = #tpu.core_type<tc>, window_params = [{pipeline_mode = #tpu.pipeline_mode<synchronous>, transform_indices = @transform_0, window_bounds = array<i64: 2, 10240>}, {pipeline_mode = #tpu.pipeline_mode<synchronous>, transform_indices = @transform_1, window_bounds = array<i64: 10000, 128>}, {pipeline_mode = #tpu.pipeline_mode<synchronous>, transform_indices = @transform_2, window_bounds = array<i64: 10000, 1>}, {pipeline_mode = #tpu.pipeline_mode<synchronous>, transform_indices = @transform_3, window_bounds = array<i64: 10000, 128>}]} {
    %get3A = arith.constant 0 : index
    %get3A_0 = arith.constant 0 : index
    %get3A_1 = vector.load %arg1[%get3A, %get3A_0] : memref<2x10240xf32, #tpu.memory_space<vmem>>, vector<1x10240xf32>
    %get3A_2 = arith.constant 1 : index
    %get3A_3 = arith.constant 0 : index
    %get3A_4 = vector.load %arg1[%get3A_2, %get3A_3] : memref<2x10240xf32, #tpu.memory_space<vmem>>, vector<1x10240xf32>
    %add3A = arith.addf %get3A_1, %get3A_4 : vector<1x10240xf32>
    %add3A_5 = arith.constant 1.000000e+00 : f32
    %add3A_6 = vector.broadcast %add3A_5 : f32 to vector<1x10240xf32>
    %add3A_7 = arith.addf %add3A, %add3A_6 : vector<1x10240xf32>
    %rsqrt3A = math.rsqrt %add3A_7 : vector<1x10240xf32>
    %transpose3A = tpu.transpose %rsqrt3A, [1, 0] : vector<1x10240xf32> -> vector<10240x1xf32>
    %slice3A = vector.extract_strided_slice %transpose3A {offsets = [0, 0], sizes = [10000, 1], strides = [1, 1]} : vector<10240x1xf32> to vector<10000x1xf32>
    %swap3A = arith.constant 0 : index
    %swap3A_8 = arith.constant 0 : index
    %swap3A_9 = vector.load %arg3[%swap3A, %swap3A_8] : memref<10000x1xf32, #tpu.memory_space<vmem>>, vector<10000x1xf32>
    tpu.vector_store %arg3[%swap3A, %swap3A_8], %slice3A {strides = array<i32>} : memref<10000x1xf32, #tpu.memory_space<vmem>>, vector<10000x1xf32>,
    %get3A_10 = arith.constant 0 : index
    %get3A_11 = arith.constant 0 : index
    %get3A_12 = vector.load %arg2[%get3A_10, %get3A_11] : memref<10000x128xf32, #tpu.memory_space<vmem>>, vector<10000x128xf32>
    %mul3A = vector.broadcast %slice3A : vector<10000x1xf32> to vector<10000x128xf32>
    %mul3A_13 = arith.mulf %get3A_12, %mul3A : vector<10000x128xf32>
    %swap3A_14 = arith.constant 0 : index
    %swap3A_15 = arith.constant 0 : index
    %swap3A_16 = vector.load %arg4[%swap3A_14, %swap3A_15] : memref<10000x128xf32, #tpu.memory_space<vmem>>, vector<10000x128xf32>
    tpu.vector_store %arg4[%swap3A_14, %swap3A_15], %mul3A_13 {strides = array<i32>} : memref<10000x128xf32, #tpu.memory_space<vmem>>, vector<10000x128xf32>,
    return
  }
  func.func @transform_0(%arg0: i32) -> (i32, i32) {
    %c0_i32 = arith.constant 0 : i32
    %c0_i32_0 = arith.constant 0 : i32
    %c0_i32_1 = arith.constant 0 : i32
    return %c0_i32, %c0_i32_0 : i32, i32
  }
  func.func @transform_1(%arg0: i32) -> (i32, i32) {
    %c0_i32 = arith.constant 0 : i32
    %c0_i32_0 = arith.constant 0 : i32
    %c0_i32_1 = arith.constant 0 : i32
    return %c0_i32, %c0_i32_0 : i32, i32
  }
  func.func @transform_2(%arg0: i32) -> (i32, i32) {
    %c0_i32 = arith.constant 0 : i32
    %c0_i32_0 = arith.constant 0 : i32
    %c0_i32_1 = arith.constant 0 : i32
    return %c0_i32, %c0_i32_0 : i32, i32
  }
  func.func @transform_3(%arg0: i32) -> (i32, i32) {
    %c0_i32 = arith.constant 0 : i32
    %c0_i32_0 = arith.constant 0 : i32
    %c0_i32_1 = arith.constant 0 : i32
    return %c0_i32, %c0_i32_0 : i32, i32
  }
}

module attributes {stable_mosaic.version = 14 : i64} {
  func.func @_b2_body(%arg0: i32, %arg1: memref<2000x1xf32, #tpu.memory_space<vmem>>, %arg2: memref<2000x128xf32, #tpu.memory_space<vmem>>, %arg3: memref<2x2000x128xf32, #tpu.memory_space<vmem>>, %arg4: memref<128x128xf32, #tpu.memory_space<vmem>>, %arg5: memref<1x128xf32, #tpu.memory_space<vmem>>, %arg6: memref<128x128xf32, #tpu.memory_space<vmem>>, %arg7: memref<1x128xf32, #tpu.memory_space<vmem>>, %arg8: memref<128x128xf32, #tpu.memory_space<vmem>>, %arg9: memref<1x128xf32, #tpu.memory_space<vmem>>, %arg10: memref<2000x128xf32, #tpu.memory_space<vmem>>, %arg11: memref<2000x128xf32, #tpu.memory_space<vmem>>, %arg12: memref<2000x128xf32, #tpu.memory_space<vmem>>) attributes {dimension_semantics = [#tpu.dimension_semantics<arbitrary>], iteration_bounds = array<i64: 5>, scalar_prefetch = 0 : i64, scratch_operands = 0 : i64, tpu.core_type = #tpu.core_type<tc>, window_params = [{transform_indices = @transform_0, window_bounds = array<i64: 2000, 1>}, {transform_indices = @transform_1, window_bounds = array<i64: 2000, 128>}, {transform_indices = @transform_2, window_bounds = array<i64: 2, 2000, 128>}, {pipeline_mode = #tpu.pipeline_mode<synchronous>, transform_indices = @transform_3, window_bounds = array<i64: 128, 128>}, {pipeline_mode = #tpu.pipeline_mode<synchronous>, transform_indices = @transform_4, window_bounds = array<i64: 1, 128>}, {pipeline_mode = #tpu.pipeline_mode<synchronous>, transform_indices = @transform_5, window_bounds = array<i64: 128, 128>}, {pipeline_mode = #tpu.pipeline_mode<synchronous>, transform_indices = @transform_6, window_bounds = array<i64: 1, 128>}, {pipeline_mode = #tpu.pipeline_mode<synchronous>, transform_indices = @transform_7, window_bounds = array<i64: 128, 128>}, {pipeline_mode = #tpu.pipeline_mode<synchronous>, transform_indices = @transform_8, window_bounds = array<i64: 1, 128>}, {transform_indices = @transform_9, window_bounds = array<i64: 2000, 128>}, {transform_indices = @transform_10, window_bounds = array<i64: 2000, 128>}, {transform_indices = @transform_11, window_bounds = array<i64: 2000, 128>}]} {
    %get3A = arith.constant 0 : index
    %get3A_0 = arith.constant 0 : index
    %get3A_1 = vector.load %arg1[%get3A, %get3A_0] : memref<2000x1xf32, #tpu.memory_space<vmem>>, vector<2000x1xf32>
    %get3A_2 = arith.constant 0 : index
    %get3A_3 = arith.constant 0 : index
    %get3A_4 = arith.constant 0 : index
    %get3A_5 = vector.load %arg3[%get3A_2, %get3A_3, %get3A_4] : memref<2x2000x128xf32, #tpu.memory_space<vmem>>, vector<1x2000x128xf32>
    %get3A_6 = vector.shape_cast %get3A_5 : vector<1x2000x128xf32> to vector<2000x128xf32>
    %get3A_7 = arith.constant 1 : index
    %get3A_8 = arith.constant 0 : index
    %get3A_9 = arith.constant 0 : index
    %get3A_10 = vector.load %arg3[%get3A_7, %get3A_8, %get3A_9] : memref<2x2000x128xf32, #tpu.memory_space<vmem>>, vector<1x2000x128xf32>
    %get3A_11 = vector.shape_cast %get3A_10 : vector<1x2000x128xf32> to vector<2000x128xf32>
    %add3A = arith.addf %get3A_6, %get3A_11 : vector<2000x128xf32>
    %get3A_12 = arith.constant 0 : index
    %get3A_13 = arith.constant 0 : index
    %get3A_14 = vector.load %arg2[%get3A_12, %get3A_13] : memref<2000x128xf32, #tpu.memory_space<vmem>>, vector<2000x128xf32>
    %add3A_15 = arith.addf %add3A, %get3A_14 : vector<2000x128xf32>
    %mul3A = vector.broadcast %get3A_1 : vector<2000x1xf32> to vector<2000x128xf32>
    %mul3A_16 = arith.mulf %mul3A, %add3A_15 : vector<2000x128xf32>
    %get3A_17 = arith.constant 0 : index
    %get3A_18 = arith.constant 0 : index
    %get3A_19 = vector.load %arg4[%get3A_17, %get3A_18] : memref<128x128xf32, #tpu.memory_space<vmem>>, vector<128x128xf32>
    %dot_general3A = arith.constant dense<0.000000e+00> : vector<2000x128xf32>
    %dot_general3A_20 = tpu.matmul %mul3A_16, %get3A_19, %dot_general3A {dimension_numbers = #tpu.dot_dimension_numbers<[1], [0], [0], [1], [0, 0, 1, 1], [], []>, transpose_lhs_hint = false} : vector<2000x128xf32>, vector<128x128xf32>, vector<2000x128xf32> -> vector<2000x128xf32>
    %get3A_21 = arith.constant 0 : index
    %get3A_22 = arith.constant 0 : index
    %get3A_23 = vector.load %arg5[%get3A_21, %get3A_22] : memref<1x128xf32, #tpu.memory_space<vmem>>, vector<1x128xf32>
    %add3A_24 = vector.broadcast %get3A_23 : vector<1x128xf32> to vector<2000x128xf32>
    %add3A_25 = arith.addf %dot_general3A_20, %add3A_24 : vector<2000x128xf32>
    %max3A = arith.constant 0.000000e+00 : f32
    %max3A_26 = vector.broadcast %max3A : f32 to vector<2000x128xf32>
    %max3A_27 = arith.maximumf %add3A_25, %max3A_26 : vector<2000x128xf32>
    %swap3A = arith.constant 0 : index
    %swap3A_28 = arith.constant 0 : index
    %swap3A_29 = vector.load %arg10[%swap3A, %swap3A_28] : memref<2000x128xf32, #tpu.memory_space<vmem>>, vector<2000x128xf32>
    tpu.vector_store %arg10[%swap3A, %swap3A_28], %max3A_27 {strides = array<i32>} : memref<2000x128xf32, #tpu.memory_space<vmem>>, vector<2000x128xf32>,
    %get3A_30 = arith.constant 0 : index
    %get3A_31 = arith.constant 0 : index
    %get3A_32 = vector.load %arg6[%get3A_30, %get3A_31] : memref<128x128xf32, #tpu.memory_space<vmem>>, vector<128x128xf32>
    %dot_general3A_33 = arith.constant dense<0.000000e+00> : vector<2000x128xf32>
    %dot_general3A_34 = tpu.matmul %mul3A_16, %get3A_32, %dot_general3A_33 {dimension_numbers = #tpu.dot_dimension_numbers<[1], [0], [0], [1], [0, 0, 1, 1], [], []>, transpose_lhs_hint = false} : vector<2000x128xf32>, vector<128x128xf32>, vector<2000x128xf32> -> vector<2000x128xf32>
    %get3A_35 = arith.constant 0 : index
    %get3A_36 = arith.constant 0 : index
    %get3A_37 = vector.load %arg7[%get3A_35, %get3A_36] : memref<1x128xf32, #tpu.memory_space<vmem>>, vector<1x128xf32>
    %add3A_38 = vector.broadcast %get3A_37 : vector<1x128xf32> to vector<2000x128xf32>
    %add3A_39 = arith.addf %dot_general3A_34, %add3A_38 : vector<2000x128xf32>
    %max3A_40 = arith.constant 0.000000e+00 : f32
    %max3A_41 = vector.broadcast %max3A_40 : f32 to vector<2000x128xf32>
    %max3A_42 = arith.maximumf %add3A_39, %max3A_41 : vector<2000x128xf32>
    %mul3A_43 = vector.broadcast %get3A_1 : vector<2000x1xf32> to vector<2000x128xf32>
    %mul3A_44 = arith.mulf %mul3A_43, %max3A_42 : vector<2000x128xf32>
    %swap3A_45 = arith.constant 0 : index
    %swap3A_46 = arith.constant 0 : index
    %swap3A_47 = vector.load %arg11[%swap3A_45, %swap3A_46] : memref<2000x128xf32, #tpu.memory_space<vmem>>, vector<2000x128xf32>
    tpu.vector_store %arg11[%swap3A_45, %swap3A_46], %mul3A_44 {strides = array<i32>} : memref<2000x128xf32, #tpu.memory_space<vmem>>, vector<2000x128xf32>,
    %get3A_48 = arith.constant 0 : index
    %get3A_49 = arith.constant 0 : index
    %get3A_50 = vector.load %arg8[%get3A_48, %get3A_49] : memref<128x128xf32, #tpu.memory_space<vmem>>, vector<128x128xf32>
    %dot_general3A_51 = arith.constant dense<0.000000e+00> : vector<2000x128xf32>
    %dot_general3A_52 = tpu.matmul %mul3A_16, %get3A_50, %dot_general3A_51 {dimension_numbers = #tpu.dot_dimension_numbers<[1], [0], [0], [1], [0, 0, 1, 1], [], []>, transpose_lhs_hint = false} : vector<2000x128xf32>, vector<128x128xf32>, vector<2000x128xf32> -> vector<2000x128xf32>
    %get3A_53 = arith.constant 0 : index
    %get3A_54 = arith.constant 0 : index
    %get3A_55 = vector.load %arg9[%get3A_53, %get3A_54] : memref<1x128xf32, #tpu.memory_space<vmem>>, vector<1x128xf32>
    %add3A_56 = vector.broadcast %get3A_55 : vector<1x128xf32> to vector<2000x128xf32>
    %add3A_57 = arith.addf %dot_general3A_52, %add3A_56 : vector<2000x128xf32>
    %max3A_58 = arith.constant 0.000000e+00 : f32
    %max3A_59 = vector.broadcast %max3A_58 : f32 to vector<2000x128xf32>
    %max3A_60 = arith.maximumf %add3A_57, %max3A_59 : vector<2000x128xf32>
    %mul3A_61 = vector.broadcast %get3A_1 : vector<2000x1xf32> to vector<2000x128xf32>
    %mul3A_62 = arith.mulf %mul3A_61, %max3A_60 : vector<2000x128xf32>
    %swap3A_63 = arith.constant 0 : index
    %swap3A_64 = arith.constant 0 : index
    %swap3A_65 = vector.load %arg12[%swap3A_63, %swap3A_64] : memref<2000x128xf32, #tpu.memory_space<vmem>>, vector<2000x128xf32>
    tpu.vector_store %arg12[%swap3A_63, %swap3A_64], %mul3A_62 {strides = array<i32>} : memref<2000x128xf32, #tpu.memory_space<vmem>>, vector<2000x128xf32>,
    return
  }
  func.func @transform_0(%arg0: i32) -> (i32, i32) {
    %c0_i32 = arith.constant 0 : i32
    %c0_i32_0 = arith.constant 0 : i32
    return %arg0, %c0_i32 : i32, i32
  }
  func.func @transform_1(%arg0: i32) -> (i32, i32) {
    %c0_i32 = arith.constant 0 : i32
    %c0_i32_0 = arith.constant 0 : i32
    return %arg0, %c0_i32 : i32, i32
  }
  func.func @transform_2(%arg0: i32) -> (i32, i32, i32) {
    %c0_i32 = arith.constant 0 : i32
    %c0_i32_0 = arith.constant 0 : i32
    %c0_i32_1 = arith.constant 0 : i32
    return %c0_i32, %arg0, %c0_i32_0 : i32, i32, i32
  }
  func.func @transform_3(%arg0: i32) -> (i32, i32) {
    %c0_i32 = arith.constant 0 : i32
    %c0_i32_0 = arith.constant 0 : i32
    %c0_i32_1 = arith.constant 0 : i32
    return %c0_i32, %c0_i32_0 : i32, i32
  }
  func.func @transform_4(%arg0: i32) -> (i32, i32) {
    %c0_i32 = arith.constant 0 : i32
    %c0_i32_0 = arith.constant 0 : i32
    %c0_i32_1 = arith.constant 0 : i32
    return %c0_i32, %c0_i32_0 : i32, i32
  }
  func.func @transform_5(%arg0: i32) -> (i32, i32) {
    %c0_i32 = arith.constant 0 : i32
    %c0_i32_0 = arith.constant 0 : i32
    %c0_i32_1 = arith.constant 0 : i32
    return %c0_i32, %c0_i32_0 : i32, i32
  }
  func.func @transform_6(%arg0: i32) -> (i32, i32) {
    %c0_i32 = arith.constant 0 : i32
    %c0_i32_0 = arith.constant 0 : i32
    %c0_i32_1 = arith.constant 0 : i32
    return %c0_i32, %c0_i32_0 : i32, i32
  }
  func.func @transform_7(%arg0: i32) -> (i32, i32) {
    %c0_i32 = arith.constant 0 : i32
    %c0_i32_0 = arith.constant 0 : i32
    %c0_i32_1 = arith.constant 0 : i32
    return %c0_i32, %c0_i32_0 : i32, i32
  }
  func.func @transform_8(%arg0: i32) -> (i32, i32) {
    %c0_i32 = arith.constant 0 : i32
    %c0_i32_0 = arith.constant 0 : i32
    %c0_i32_1 = arith.constant 0 : i32
    return %c0_i32, %c0_i32_0 : i32, i32
  }
  func.func @transform_9(%arg0: i32) -> (i32, i32) {
    %c0_i32 = arith.constant 0 : i32
    %c0_i32_0 = arith.constant 0 : i32
    return %arg0, %c0_i32 : i32, i32
  }
  func.func @transform_10(%arg0: i32) -> (i32, i32) {
    %c0_i32 = arith.constant 0 : i32
    %c0_i32_0 = arith.constant 0 : i32
    return %arg0, %c0_i32 : i32, i32
  }
  func.func @transform_11(%arg0: i32) -> (i32, i32) {
    %c0_i32 = arith.constant 0 : i32
    %c0_i32_0 = arith.constant 0 : i32
    return %arg0, %c0_i32 : i32, i32
  }
}

module attributes {stable_mosaic.version = 14 : i64} {
  func.func @_b3_body(%arg0: i32, %arg1: memref<2000x1xf32, #tpu.memory_space<vmem>>, %arg2: memref<2000x128xf32, #tpu.memory_space<vmem>>, %arg3: memref<2x2000x128xf32, #tpu.memory_space<vmem>>, %arg4: memref<2000x128xf32, #tpu.memory_space<vmem>>, %arg5: memref<2x2000x128xf32, #tpu.memory_space<vmem>>, %arg6: memref<128x128xf32, #tpu.memory_space<vmem>>, %arg7: memref<1x128xf32, #tpu.memory_space<vmem>>, %arg8: memref<128x128xf32, #tpu.memory_space<vmem>>, %arg9: memref<1x128xf32, #tpu.memory_space<vmem>>, %arg10: memref<2000x128xf32, #tpu.memory_space<vmem>>, %arg11: memref<2000x128xf32, #tpu.memory_space<vmem>>) attributes {dimension_semantics = [#tpu.dimension_semantics<arbitrary>], iteration_bounds = array<i64: 5>, scalar_prefetch = 0 : i64, scratch_operands = 0 : i64, tpu.core_type = #tpu.core_type<tc>, window_params = [{transform_indices = @transform_0, window_bounds = array<i64: 2000, 1>}, {transform_indices = @transform_1, window_bounds = array<i64: 2000, 128>}, {transform_indices = @transform_2, window_bounds = array<i64: 2, 2000, 128>}, {transform_indices = @transform_3, window_bounds = array<i64: 2000, 128>}, {transform_indices = @transform_4, window_bounds = array<i64: 2, 2000, 128>}, {pipeline_mode = #tpu.pipeline_mode<synchronous>, transform_indices = @transform_5, window_bounds = array<i64: 128, 128>}, {pipeline_mode = #tpu.pipeline_mode<synchronous>, transform_indices = @transform_6, window_bounds = array<i64: 1, 128>}, {pipeline_mode = #tpu.pipeline_mode<synchronous>, transform_indices = @transform_7, window_bounds = array<i64: 128, 128>}, {pipeline_mode = #tpu.pipeline_mode<synchronous>, transform_indices = @transform_8, window_bounds = array<i64: 1, 128>}, {transform_indices = @transform_9, window_bounds = array<i64: 2000, 128>}, {transform_indices = @transform_10, window_bounds = array<i64: 2000, 128>}]} {
    %get3A = arith.constant 0 : index
    %get3A_0 = arith.constant 0 : index
    %get3A_1 = vector.load %arg1[%get3A, %get3A_0] : memref<2000x1xf32, #tpu.memory_space<vmem>>, vector<2000x1xf32>
    %get3A_2 = arith.constant 0 : index
    %get3A_3 = arith.constant 0 : index
    %get3A_4 = arith.constant 0 : index
    %get3A_5 = vector.load %arg3[%get3A_2, %get3A_3, %get3A_4] : memref<2x2000x128xf32, #tpu.memory_space<vmem>>, vector<1x2000x128xf32>
    %get3A_6 = vector.shape_cast %get3A_5 : vector<1x2000x128xf32> to vector<2000x128xf32>
    %get3A_7 = arith.constant 1 : index
    %get3A_8 = arith.constant 0 : index
    %get3A_9 = arith.constant 0 : index
    %get3A_10 = vector.load %arg3[%get3A_7, %get3A_8, %get3A_9] : memref<2x2000x128xf32, #tpu.memory_space<vmem>>, vector<1x2000x128xf32>
    %get3A_11 = vector.shape_cast %get3A_10 : vector<1x2000x128xf32> to vector<2000x128xf32>
    %add3A = arith.addf %get3A_6, %get3A_11 : vector<2000x128xf32>
    %get3A_12 = arith.constant 0 : index
    %get3A_13 = arith.constant 0 : index
    %get3A_14 = vector.load %arg2[%get3A_12, %get3A_13] : memref<2000x128xf32, #tpu.memory_space<vmem>>, vector<2000x128xf32>
    %add3A_15 = arith.addf %add3A, %get3A_14 : vector<2000x128xf32>
    %mul3A = vector.broadcast %get3A_1 : vector<2000x1xf32> to vector<2000x128xf32>
    %mul3A_16 = arith.mulf %mul3A, %add3A_15 : vector<2000x128xf32>
    %get3A_17 = arith.constant 0 : index
    %get3A_18 = arith.constant 0 : index
    %get3A_19 = vector.load %arg6[%get3A_17, %get3A_18] : memref<128x128xf32, #tpu.memory_space<vmem>>, vector<128x128xf32>
    %dot_general3A = arith.constant dense<0.000000e+00> : vector<2000x128xf32>
    %dot_general3A_20 = tpu.matmul %mul3A_16, %get3A_19, %dot_general3A {dimension_numbers = #tpu.dot_dimension_numbers<[1], [0], [0], [1], [0, 0, 1, 1], [], []>, transpose_lhs_hint = false} : vector<2000x128xf32>, vector<128x128xf32>, vector<2000x128xf32> -> vector<2000x128xf32>
    %get3A_21 = arith.constant 0 : index
    %get3A_22 = arith.constant 0 : index
    %get3A_23 = vector.load %arg7[%get3A_21, %get3A_22] : memref<1x128xf32, #tpu.memory_space<vmem>>, vector<1x128xf32>
    %add3A_24 = vector.broadcast %get3A_23 : vector<1x128xf32> to vector<2000x128xf32>
    %add3A_25 = arith.addf %dot_general3A_20, %add3A_24 : vector<2000x128xf32>
    %max3A = arith.constant 0.000000e+00 : f32
    %max3A_26 = vector.broadcast %max3A : f32 to vector<2000x128xf32>
    %max3A_27 = arith.maximumf %add3A_25, %max3A_26 : vector<2000x128xf32>
    %swap3A = arith.constant 0 : index
    %swap3A_28 = arith.constant 0 : index
    %swap3A_29 = vector.load %arg10[%swap3A, %swap3A_28] : memref<2000x128xf32, #tpu.memory_space<vmem>>, vector<2000x128xf32>
    tpu.vector_store %arg10[%swap3A, %swap3A_28], %max3A_27 {strides = array<i32>} : memref<2000x128xf32, #tpu.memory_space<vmem>>, vector<2000x128xf32>,
    %get3A_30 = arith.constant 0 : index
    %get3A_31 = arith.constant 0 : index
    %get3A_32 = arith.constant 0 : index
    %get3A_33 = vector.load %arg5[%get3A_30, %get3A_31, %get3A_32] : memref<2x2000x128xf32, #tpu.memory_space<vmem>>, vector<1x2000x128xf32>
    %get3A_34 = vector.shape_cast %get3A_33 : vector<1x2000x128xf32> to vector<2000x128xf32>
    %get3A_35 = arith.constant 1 : index
    %get3A_36 = arith.constant 0 : index
    %get3A_37 = arith.constant 0 : index
    %get3A_38 = vector.load %arg5[%get3A_35, %get3A_36, %get3A_37] : memref<2x2000x128xf32, #tpu.memory_space<vmem>>, vector<1x2000x128xf32>
    %get3A_39 = vector.shape_cast %get3A_38 : vector<1x2000x128xf32> to vector<2000x128xf32>
    %add3A_40 = arith.addf %get3A_34, %get3A_39 : vector<2000x128xf32>
    %get3A_41 = arith.constant 0 : index
    %get3A_42 = arith.constant 0 : index
    %get3A_43 = vector.load %arg4[%get3A_41, %get3A_42] : memref<2000x128xf32, #tpu.memory_space<vmem>>, vector<2000x128xf32>
    %add3A_44 = arith.addf %add3A_40, %get3A_43 : vector<2000x128xf32>
    %mul3A_45 = vector.broadcast %get3A_1 : vector<2000x1xf32> to vector<2000x128xf32>
    %mul3A_46 = arith.mulf %mul3A_45, %add3A_44 : vector<2000x128xf32>
    %get3A_47 = arith.constant 0 : index
    %get3A_48 = arith.constant 0 : index
    %get3A_49 = vector.load %arg8[%get3A_47, %get3A_48] : memref<128x128xf32, #tpu.memory_space<vmem>>, vector<128x128xf32>
    %dot_general3A_50 = arith.constant dense<0.000000e+00> : vector<2000x128xf32>
    %dot_general3A_51 = tpu.matmul %mul3A_46, %get3A_49, %dot_general3A_50 {dimension_numbers = #tpu.dot_dimension_numbers<[1], [0], [0], [1], [0, 0, 1, 1], [], []>, transpose_lhs_hint = false} : vector<2000x128xf32>, vector<128x128xf32>, vector<2000x128xf32> -> vector<2000x128xf32>
    %get3A_52 = arith.constant 0 : index
    %get3A_53 = arith.constant 0 : index
    %get3A_54 = vector.load %arg9[%get3A_52, %get3A_53] : memref<1x128xf32, #tpu.memory_space<vmem>>, vector<1x128xf32>
    %add3A_55 = vector.broadcast %get3A_54 : vector<1x128xf32> to vector<2000x128xf32>
    %add3A_56 = arith.addf %dot_general3A_51, %add3A_55 : vector<2000x128xf32>
    %max3A_57 = arith.constant 0.000000e+00 : f32
    %max3A_58 = vector.broadcast %max3A_57 : f32 to vector<2000x128xf32>
    %max3A_59 = arith.maximumf %add3A_56, %max3A_58 : vector<2000x128xf32>
    %mul3A_60 = vector.broadcast %get3A_1 : vector<2000x1xf32> to vector<2000x128xf32>
    %mul3A_61 = arith.mulf %mul3A_60, %max3A_59 : vector<2000x128xf32>
    %swap3A_62 = arith.constant 0 : index
    %swap3A_63 = arith.constant 0 : index
    %swap3A_64 = vector.load %arg11[%swap3A_62, %swap3A_63] : memref<2000x128xf32, #tpu.memory_space<vmem>>, vector<2000x128xf32>
    tpu.vector_store %arg11[%swap3A_62, %swap3A_63], %mul3A_61 {strides = array<i32>} : memref<2000x128xf32, #tpu.memory_space<vmem>>, vector<2000x128xf32>,
    return
  }
  func.func @transform_0(%arg0: i32) -> (i32, i32) {
    %c0_i32 = arith.constant 0 : i32
    %c0_i32_0 = arith.constant 0 : i32
    return %arg0, %c0_i32 : i32, i32
  }
  func.func @transform_1(%arg0: i32) -> (i32, i32) {
    %c0_i32 = arith.constant 0 : i32
    %c0_i32_0 = arith.constant 0 : i32
    return %arg0, %c0_i32 : i32, i32
  }
  func.func @transform_2(%arg0: i32) -> (i32, i32, i32) {
    %c0_i32 = arith.constant 0 : i32
    %c0_i32_0 = arith.constant 0 : i32
    %c0_i32_1 = arith.constant 0 : i32
    return %c0_i32, %arg0, %c0_i32_0 : i32, i32, i32
  }
  func.func @transform_3(%arg0: i32) -> (i32, i32) {
    %c0_i32 = arith.constant 0 : i32
    %c0_i32_0 = arith.constant 0 : i32
    return %arg0, %c0_i32 : i32, i32
  }
  func.func @transform_4(%arg0: i32) -> (i32, i32, i32) {
    %c0_i32 = arith.constant 0 : i32
    %c0_i32_0 = arith.constant 0 : i32
    %c0_i32_1 = arith.constant 0 : i32
    return %c0_i32, %arg0, %c0_i32_0 : i32, i32, i32
  }
  func.func @transform_5(%arg0: i32) -> (i32, i32) {
    %c0_i32 = arith.constant 0 : i32
    %c0_i32_0 = arith.constant 0 : i32
    %c0_i32_1 = arith.constant 0 : i32
    return %c0_i32, %c0_i32_0 : i32, i32
  }
  func.func @transform_6(%arg0: i32) -> (i32, i32) {
    %c0_i32 = arith.constant 0 : i32
    %c0_i32_0 = arith.constant 0 : i32
    %c0_i32_1 = arith.constant 0 : i32
    return %c0_i32, %c0_i32_0 : i32, i32
  }
  func.func @transform_7(%arg0: i32) -> (i32, i32) {
    %c0_i32 = arith.constant 0 : i32
    %c0_i32_0 = arith.constant 0 : i32
    %c0_i32_1 = arith.constant 0 : i32
    return %c0_i32, %c0_i32_0 : i32, i32
  }
  func.func @transform_8(%arg0: i32) -> (i32, i32) {
    %c0_i32 = arith.constant 0 : i32
    %c0_i32_0 = arith.constant 0 : i32
    %c0_i32_1 = arith.constant 0 : i32
    return %c0_i32, %c0_i32_0 : i32, i32
  }
  func.func @transform_9(%arg0: i32) -> (i32, i32) {
    %c0_i32 = arith.constant 0 : i32
    %c0_i32_0 = arith.constant 0 : i32
    return %arg0, %c0_i32 : i32, i32
  }
  func.func @transform_10(%arg0: i32) -> (i32, i32) {
    %c0_i32 = arith.constant 0 : i32
    %c0_i32_0 = arith.constant 0 : i32
    return %arg0, %c0_i32 : i32, i32
  }
}

module attributes {stable_mosaic.version = 14 : i64} {
  func.func @_b4_body(%arg0: i32, %arg1: memref<2000x1xf32, #tpu.memory_space<vmem>>, %arg2: memref<2000x128xf32, #tpu.memory_space<vmem>>, %arg3: memref<2x2000x128xf32, #tpu.memory_space<vmem>>, %arg4: memref<2000x128xf32, #tpu.memory_space<vmem>>, %arg5: memref<2000x128xf32, #tpu.memory_space<vmem>>, %arg6: memref<128x128xf32, #tpu.memory_space<vmem>>, %arg7: memref<1x128xf32, #tpu.memory_space<vmem>>, %arg8: memref<128x1xf32, #tpu.memory_space<vmem>>, %arg9: memref<1x1xf32, #tpu.memory_space<vmem>>, %arg10: memref<128x128xf32, #tpu.memory_space<vmem>>, %arg11: memref<1x128xf32, #tpu.memory_space<vmem>>, %arg12: memref<2000x128xf32, #tpu.memory_space<vmem>>) attributes {dimension_semantics = [#tpu.dimension_semantics<arbitrary>], iteration_bounds = array<i64: 5>, scalar_prefetch = 0 : i64, scratch_operands = 0 : i64, tpu.core_type = #tpu.core_type<tc>, window_params = [{transform_indices = @transform_0, window_bounds = array<i64: 2000, 1>}, {transform_indices = @transform_1, window_bounds = array<i64: 2000, 128>}, {transform_indices = @transform_2, window_bounds = array<i64: 2, 2000, 128>}, {transform_indices = @transform_3, window_bounds = array<i64: 2000, 128>}, {transform_indices = @transform_4, window_bounds = array<i64: 2000, 128>}, {pipeline_mode = #tpu.pipeline_mode<synchronous>, transform_indices = @transform_5, window_bounds = array<i64: 128, 128>}, {pipeline_mode = #tpu.pipeline_mode<synchronous>, transform_indices = @transform_6, window_bounds = array<i64: 1, 128>}, {pipeline_mode = #tpu.pipeline_mode<synchronous>, transform_indices = @transform_7, window_bounds = array<i64: 128, 1>}, {pipeline_mode = #tpu.pipeline_mode<synchronous>, transform_indices = @transform_8, window_bounds = array<i64: 1, 1>}, {pipeline_mode = #tpu.pipeline_mode<synchronous>, transform_indices = @transform_9, window_bounds = array<i64: 128, 128>}, {pipeline_mode = #tpu.pipeline_mode<synchronous>, transform_indices = @transform_10, window_bounds = array<i64: 1, 128>}, {transform_indices = @transform_11, window_bounds = array<i64: 2000, 128>}]} {
    %get3A = arith.constant 0 : index
    %get3A_0 = arith.constant 0 : index
    %get3A_1 = vector.load %arg1[%get3A, %get3A_0] : memref<2000x1xf32, #tpu.memory_space<vmem>>, vector<2000x1xf32>
    %get3A_2 = arith.constant 0 : index
    %get3A_3 = arith.constant 0 : index
    %get3A_4 = arith.constant 0 : index
    %get3A_5 = vector.load %arg3[%get3A_2, %get3A_3, %get3A_4] : memref<2x2000x128xf32, #tpu.memory_space<vmem>>, vector<1x2000x128xf32>
    %get3A_6 = vector.shape_cast %get3A_5 : vector<1x2000x128xf32> to vector<2000x128xf32>
    %get3A_7 = arith.constant 1 : index
    %get3A_8 = arith.constant 0 : index
    %get3A_9 = arith.constant 0 : index
    %get3A_10 = vector.load %arg3[%get3A_7, %get3A_8, %get3A_9] : memref<2x2000x128xf32, #tpu.memory_space<vmem>>, vector<1x2000x128xf32>
    %get3A_11 = vector.shape_cast %get3A_10 : vector<1x2000x128xf32> to vector<2000x128xf32>
    %add3A = arith.addf %get3A_6, %get3A_11 : vector<2000x128xf32>
    %get3A_12 = arith.constant 0 : index
    %get3A_13 = arith.constant 0 : index
    %get3A_14 = vector.load %arg2[%get3A_12, %get3A_13] : memref<2000x128xf32, #tpu.memory_space<vmem>>, vector<2000x128xf32>
    %add3A_15 = arith.addf %add3A, %get3A_14 : vector<2000x128xf32>
    %mul3A = vector.broadcast %get3A_1 : vector<2000x1xf32> to vector<2000x128xf32>
    %mul3A_16 = arith.mulf %mul3A, %add3A_15 : vector<2000x128xf32>
    %get3A_17 = arith.constant 0 : index
    %get3A_18 = arith.constant 0 : index
    %get3A_19 = vector.load %arg6[%get3A_17, %get3A_18] : memref<128x128xf32, #tpu.memory_space<vmem>>, vector<128x128xf32>
    %dot_general3A = arith.constant dense<0.000000e+00> : vector<2000x128xf32>
    %dot_general3A_20 = tpu.matmul %mul3A_16, %get3A_19, %dot_general3A {dimension_numbers = #tpu.dot_dimension_numbers<[1], [0], [0], [1], [0, 0, 1, 1], [], []>, transpose_lhs_hint = false} : vector<2000x128xf32>, vector<128x128xf32>, vector<2000x128xf32> -> vector<2000x128xf32>
    %get3A_21 = arith.constant 0 : index
    %get3A_22 = arith.constant 0 : index
    %get3A_23 = vector.load %arg7[%get3A_21, %get3A_22] : memref<1x128xf32, #tpu.memory_space<vmem>>, vector<1x128xf32>
    %add3A_24 = vector.broadcast %get3A_23 : vector<1x128xf32> to vector<2000x128xf32>
    %add3A_25 = arith.addf %dot_general3A_20, %add3A_24 : vector<2000x128xf32>
    %max3A = arith.constant 0.000000e+00 : f32
    %max3A_26 = vector.broadcast %max3A : f32 to vector<2000x128xf32>
    %max3A_27 = arith.maximumf %add3A_25, %max3A_26 : vector<2000x128xf32>
    %get3A_28 = arith.constant 0 : index
    %get3A_29 = arith.constant 0 : index
    %get3A_30 = vector.load %arg4[%get3A_28, %get3A_29] : memref<2000x128xf32, #tpu.memory_space<vmem>>, vector<2000x128xf32>
    %get3A_31 = arith.constant 0 : index
    %get3A_32 = arith.constant 0 : index
    %get3A_33 = vector.load %arg5[%get3A_31, %get3A_32] : memref<2000x128xf32, #tpu.memory_space<vmem>>, vector<2000x128xf32>
    %get3A_34 = arith.constant 0 : index
    %get3A_35 = arith.constant 0 : index
    %get3A_36 = vector.load %arg8[%get3A_34, %get3A_35] : memref<128x1xf32, #tpu.memory_space<vmem>>, vector<128x1xf32>
    %get3A_37 = arith.constant 0 : index
    %get3A_38 = arith.constant 0 : index
    %get3A_39 = vector.load %arg9[%get3A_37, %get3A_38] : memref<1x1xf32, #tpu.memory_space<vmem>>, vector<1x1xf32>
    %dot_general3A_40 = arith.constant dense<0.000000e+00> : vector<2000x1xf32>
    %dot_general3A_41 = tpu.matmul %get3A_30, %get3A_36, %dot_general3A_40 {dimension_numbers = #tpu.dot_dimension_numbers<[1], [0], [0], [1], [0, 0, 1, 1], [], []>, transpose_lhs_hint = false} : vector<2000x128xf32>, vector<128x1xf32>, vector<2000x1xf32> -> vector<2000x1xf32>
    %add3A_42 = vector.broadcast %get3A_39 : vector<1x1xf32> to vector<2000x1xf32>
    %add3A_43 = arith.addf %dot_general3A_41, %add3A_42 : vector<2000x1xf32>
    %dot_general3A_44 = arith.constant dense<0.000000e+00> : vector<2000x1xf32>
    %dot_general3A_45 = tpu.matmul %get3A_33, %get3A_36, %dot_general3A_44 {dimension_numbers = #tpu.dot_dimension_numbers<[1], [0], [0], [1], [0, 0, 1, 1], [], []>, transpose_lhs_hint = false} : vector<2000x128xf32>, vector<128x1xf32>, vector<2000x1xf32> -> vector<2000x1xf32>
    %add3A_46 = vector.broadcast %get3A_39 : vector<1x1xf32> to vector<2000x1xf32>
    %add3A_47 = arith.addf %dot_general3A_45, %add3A_46 : vector<2000x1xf32>
    %dot_general3A_48 = arith.constant dense<0.000000e+00> : vector<2000x1xf32>
    %dot_general3A_49 = tpu.matmul %max3A_27, %get3A_36, %dot_general3A_48 {dimension_numbers = #tpu.dot_dimension_numbers<[1], [0], [0], [1], [0, 0, 1, 1], [], []>, transpose_lhs_hint = false} : vector<2000x128xf32>, vector<128x1xf32>, vector<2000x1xf32> -> vector<2000x1xf32>
    %add3A_50 = vector.broadcast %get3A_39 : vector<1x1xf32> to vector<2000x1xf32>
    %add3A_51 = arith.addf %dot_general3A_49, %add3A_50 : vector<2000x1xf32>
    %max3A_52 = arith.maximumf %add3A_43, %add3A_47 : vector<2000x1xf32>
    %max3A_53 = arith.maximumf %max3A_52, %add3A_51 : vector<2000x1xf32>
    %sub3A = arith.subf %add3A_43, %max3A_53 : vector<2000x1xf32>
    %exp3A = math.exp %sub3A : vector<2000x1xf32>
    %sub3A_54 = arith.subf %add3A_47, %max3A_53 : vector<2000x1xf32>
    %exp3A_55 = math.exp %sub3A_54 : vector<2000x1xf32>
    %sub3A_56 = arith.subf %add3A_51, %max3A_53 : vector<2000x1xf32>
    %exp3A_57 = math.exp %sub3A_56 : vector<2000x1xf32>
    %add3A_58 = arith.addf %exp3A, %exp3A_55 : vector<2000x1xf32>
    %add3A_59 = arith.addf %add3A_58, %exp3A_57 : vector<2000x1xf32>
    %mul3A_60 = vector.broadcast %exp3A : vector<2000x1xf32> to vector<2000x128xf32>
    %mul3A_61 = arith.mulf %mul3A_60, %get3A_30 : vector<2000x128xf32>
    %mul3A_62 = vector.broadcast %exp3A_55 : vector<2000x1xf32> to vector<2000x128xf32>
    %mul3A_63 = arith.mulf %mul3A_62, %get3A_33 : vector<2000x128xf32>
    %add3A_64 = arith.addf %mul3A_61, %mul3A_63 : vector<2000x128xf32>
    %mul3A_65 = vector.broadcast %exp3A_57 : vector<2000x1xf32> to vector<2000x128xf32>
    %mul3A_66 = arith.mulf %mul3A_65, %max3A_27 : vector<2000x128xf32>
    %add3A_67 = arith.addf %add3A_64, %mul3A_66 : vector<2000x128xf32>
    %div3A = vector.broadcast %add3A_59 : vector<2000x1xf32> to vector<2000x128xf32>
    %div3A_68 = arith.divf %add3A_67, %div3A : vector<2000x128xf32>
    %add3A_69 = arith.addf %div3A_68, %get3A_30 : vector<2000x128xf32>
    %get3A_70 = arith.constant 0 : index
    %get3A_71 = arith.constant 0 : index
    %get3A_72 = vector.load %arg10[%get3A_70, %get3A_71] : memref<128x128xf32, #tpu.memory_space<vmem>>, vector<128x128xf32>
    %dot_general3A_73 = arith.constant dense<0.000000e+00> : vector<2000x128xf32>
    %dot_general3A_74 = tpu.matmul %add3A_69, %get3A_72, %dot_general3A_73 {dimension_numbers = #tpu.dot_dimension_numbers<[1], [0], [0], [1], [0, 0, 1, 1], [], []>, transpose_lhs_hint = false} : vector<2000x128xf32>, vector<128x128xf32>, vector<2000x128xf32> -> vector<2000x128xf32>
    %get3A_75 = arith.constant 0 : index
    %get3A_76 = arith.constant 0 : index
    %get3A_77 = vector.load %arg11[%get3A_75, %get3A_76] : memref<1x128xf32, #tpu.memory_space<vmem>>, vector<1x128xf32>
    %add3A_78 = vector.broadcast %get3A_77 : vector<1x128xf32> to vector<2000x128xf32>
    %add3A_79 = arith.addf %dot_general3A_74, %add3A_78 : vector<2000x128xf32>
    %swap3A = arith.constant 0 : index
    %swap3A_80 = arith.constant 0 : index
    %swap3A_81 = vector.load %arg12[%swap3A, %swap3A_80] : memref<2000x128xf32, #tpu.memory_space<vmem>>, vector<2000x128xf32>
    tpu.vector_store %arg12[%swap3A, %swap3A_80], %add3A_79 {strides = array<i32>} : memref<2000x128xf32, #tpu.memory_space<vmem>>, vector<2000x128xf32>,
    return
  }
  func.func @transform_0(%arg0: i32) -> (i32, i32) {
    %c0_i32 = arith.constant 0 : i32
    %c0_i32_0 = arith.constant 0 : i32
    return %arg0, %c0_i32 : i32, i32
  }
  func.func @transform_1(%arg0: i32) -> (i32, i32) {
    %c0_i32 = arith.constant 0 : i32
    %c0_i32_0 = arith.constant 0 : i32
    return %arg0, %c0_i32 : i32, i32
  }
  func.func @transform_2(%arg0: i32) -> (i32, i32, i32) {
    %c0_i32 = arith.constant 0 : i32
    %c0_i32_0 = arith.constant 0 : i32
    %c0_i32_1 = arith.constant 0 : i32
    return %c0_i32, %arg0, %c0_i32_0 : i32, i32, i32
  }
  func.func @transform_3(%arg0: i32) -> (i32, i32) {
    %c0_i32 = arith.constant 0 : i32
    %c0_i32_0 = arith.constant 0 : i32
    return %arg0, %c0_i32 : i32, i32
  }
  func.func @transform_4(%arg0: i32) -> (i32, i32) {
    %c0_i32 = arith.constant 0 : i32
    %c0_i32_0 = arith.constant 0 : i32
    return %arg0, %c0_i32 : i32, i32
  }
  func.func @transform_5(%arg0: i32) -> (i32, i32) {
    %c0_i32 = arith.constant 0 : i32
    %c0_i32_0 = arith.constant 0 : i32
    %c0_i32_1 = arith.constant 0 : i32
    return %c0_i32, %c0_i32_0 : i32, i32
  }
  func.func @transform_6(%arg0: i32) -> (i32, i32) {
    %c0_i32 = arith.constant 0 : i32
    %c0_i32_0 = arith.constant 0 : i32
    %c0_i32_1 = arith.constant 0 : i32
    return %c0_i32, %c0_i32_0 : i32, i32
  }
  func.func @transform_7(%arg0: i32) -> (i32, i32) {
    %c0_i32 = arith.constant 0 : i32
    %c0_i32_0 = arith.constant 0 : i32
    %c0_i32_1 = arith.constant 0 : i32
    return %c0_i32, %c0_i32_0 : i32, i32
  }
  func.func @transform_8(%arg0: i32) -> (i32, i32) {
    %c0_i32 = arith.constant 0 : i32
    %c0_i32_0 = arith.constant 0 : i32
    %c0_i32_1 = arith.constant 0 : i32
    return %c0_i32, %c0_i32_0 : i32, i32
  }
  func.func @transform_9(%arg0: i32) -> (i32, i32) {
    %c0_i32 = arith.constant 0 : i32
    %c0_i32_0 = arith.constant 0 : i32
    %c0_i32_1 = arith.constant 0 : i32
    return %c0_i32, %c0_i32_0 : i32, i32
  }
  func.func @transform_10(%arg0: i32) -> (i32, i32) {
    %c0_i32 = arith.constant 0 : i32
    %c0_i32_0 = arith.constant 0 : i32
    %c0_i32_1 = arith.constant 0 : i32
    return %c0_i32, %c0_i32_0 : i32, i32
  }
  func.func @transform_11(%arg0: i32) -> (i32, i32) {
    %c0_i32 = arith.constant 0 : i32
    %c0_i32_0 = arith.constant 0 : i32
    return %arg0, %c0_i32 : i32, i32
  }
}

</mosaic_0001>

<sc_bundles>
// kernel: kernel.11.cloned.1.call-start
scs
__scs_entry_jumppad:
0x0: {  	(pc) =	sbr.rel $0x88, $3  }
0x1: {  	(tag) =	ssettag $0x0;
	lr =	simm.s32 $0x1  }
0x2: {  	[smem:$0x3F8F] =	sst lr;
	_ =	strace $0xD0000000  }
0x3: {  	_ = 	snop  }
0x4: {  	_ = 	snop  }
0x5: {  	_ = 	snop  }
0x6: {  	_ = 	snop  }
0x7: {  	_ = 	snop  }
__scs_overlays_trampoline_lowered:
0x8: {  	[smem:$0x3F9E] =	sst s0  }
0x9: {  	[smem:$0x3F9F] =	sst s1  }
0xa: {  	[smem:$0x3FA0] =	sst s2  }
0xb: {  	[smem:$0x3FA1] =	sst s3  }
0xc: {  	[smem:$0x3FA2] =	sst s4  }
0xd: {  	[smem:$0x3FA3] =	sst s5  }
0xe: {  	[smem:$0x3FA4] =	sst s6  }
0xf: {  	[smem:$0x3FA5] =	sst s7  }
0x10: {  	[smem:$0x3FA6] =	sst s8  }
0x11: {  	[smem:$0x3FA7] =	sst s9;
	s0 =	simm.s32 @!p0 $0x0  }
0x12: {  	s1 =	sld [smem:$0x3F8D];
	s0 =	simm.s32 @p0 $0x1  }
0x13: {  	[smem:$0x3FA8] =	sst s0;
	s0 =	simm.s32 @!p1 $0x0  }
0x14: {  	s2 =	sld [smem:$0x3F8C];
	s0 =	simm.s32 @p1 $0x1  }
0x15: {  	[smem:$0x3FA9] =	sst s0;
	s0 =	simm.s32 @!p2 $0x0  }
0x16: {  	s3 =	sld [smem:$0x3FDB];
	s0 =	simm.s32 @p2 $0x1  }
0x17: {  	s4 =	simm.s32 $0x1BF5;
	[smem:$0x3FAB] =	sst s0  }
0x18: {  	s0 =	sld [smem:$0x3F8E];
	_ =	swait.ge [sflag:s4], $0x0  }
0x19: {  	s7 =	sld [smem:$0x3F8F]  }
0x1a: {  	s8 =	sadd.s32 $0xFFFFE003, lr  }
0x1b: {  	s9 =	sadd.s32 $0xFFFFFEF7, lr;
	s5 =	simm.s32 $0xFFFFFFFF;
	p2 =	slt.u32 s8, $0xFFFFF086  }
0x1c: {  	p1 =	slt.u32 s9, $0xF7A;
	s5 =	simm.s32 @!p2 $0x0  }
0x1d: {  	s5 =	simm.s32 @p1 $0x1;
	p0 =	seq.s32 s7, s2  }
0x1e: {  	s7 =	smul.u32 @!p0 $0xF7A, s2;
	p2 =	seq.s32 @!p0 s5, $0x0  }
0x1f: {  	s9 =	smul.u32 $0xF7A, s1;
	s8 =	simm.s32 @!p0 $0x1BF5;
	p2 =	por !p2, p0  }
0x20: {  	[sflag:s8] =	ssyncset.s32 @!p0 $0xFFFFF086;
	s6 =	sadd.s32 @!p0 s3, s7;
	s7 =	simm.s32 @!p0 $0x108  }
0x21: {  	s3 =	sadd.s32 s3, s9;
	s6 =	sadd.s32 @!p0 $0x88, s6;
	s7 =	simm.s32 @p2 $0x1082  }
0x22: {  	[simem:s7], [sflag:s8] =	dma.local @!p0 [hbm:s6], $0xF7A  }
0x23: {  	s9 =	sor.u32 $0xD0000000, s2;
	s6 =	simm.s32 $0x108;
	_ =	swait.ge @!p0 [sflag:s8], $0x0  }
0x24: {  	s3 =	sadd.s32 $0x88, s3;
	s6 =	simm.s32 @!p1 $0x1082;
	[sflag:s4] =	ssyncset.s32 $0xFFFFF086  }
0x25: {  	[simem:s6], [sflag:s4] =	dma.local [hbm:s3], $0xF7A  }
0x26: {  	[smem:$0x3F8F] =	sst s1;
	(tag) =	ssettag s2;
	_ =	strace s9  }
0x27: {  	s1 =	sld [smem:$0x3F9F]  }
0x28: {  	s2 =	sld [smem:$0x3FA0]  }
0x29: {  	s4 =	sld [smem:$0x3FA2]  }
0x2a: {  	p0 =	seq.s32 s5, $0x0;
	s5 =	sld [smem:$0x3FA3]  }
0x2b: {  	s6 =	sld [smem:$0x3FA4]  }
0x2c: {  	s7 =	sld [smem:$0x3FA5]  }
0x2d: {  	s3 =	simm.s32 $0x108;
	s8 =	sld [smem:$0x3FA6]  }
0x2e: {  	s3 =	simm.s32 @!p0 $0x1082;
	s9 =	sld [smem:$0x3FA7]  }
0x2f: {  	lr =	sadd.s32 s0, s3;
	s0 =	sld [smem:$0x3F9E]  }
0x30: {  	s3 =	sld [smem:$0x3FA1]  }
0x31: {  	[smem:$0x3FAA] =	sst s10  }
0x32: {  	s10 =	sld [smem:$0x3FA8];
	_ =	sdelay $0x3  }
0x33: {  	p0 =	seq.s32 s10, $0x1;
	s10 =	sld [smem:$0x3FAA];
	_ =	sdelay $0x3  }
0x34: {  	[smem:$0x3FAA] =	sst s10  }
0x35: {  	s10 =	sld [smem:$0x3FA9];
	_ =	sdelay $0x3  }
0x36: {  	p1 =	seq.s32 s10, $0x1;
	s10 =	sld [smem:$0x3FAA];
	_ =	sdelay $0x3  }
0x37: {  	[smem:$0x3FAA] =	sst s10  }
0x38: {  	s10 =	sld [smem:$0x3FAB]  }
0x39: {  	_ = 	snop;
	(pc) =	sbr.ind lr, $3  }
0x3a: {  	_ = 	snop  }
0x3b: {  	_ = 	snop  }
0x3c: {  	p2 =	seq.s32 s10, $0x1;
	s10 =	sld [smem:$0x3FAA]  }
0x3d: {  	_ =	shalt  }
0x3e: {  	_ =	shalt  }
0x3f: {  	_ =	shalt  }
0x40: {  	_ =	shalt  }
0x41: {  	_ =	shalt  }
0x42: {  	_ =	shalt  }
0x43: {  	_ =	shalt  }
0x44: {  	_ =	shalt  }
0x45: {  	_ =	shalt  }
0x46: {  	_ =	shalt  }
0x47: {  	_ =	shalt  }
0x48: {  	_ =	shalt  }
0x49: {  	_ =	shalt  }
0x4a: {  	_ =	shalt  }
0x4b: {  	_ =	shalt  }
0x4c: {  	_ =	shalt  }
0x4d: {  	_ =	shalt  }
0x4e: {  	_ =	shalt  }
0x4f: {  	_ =	shalt  }
0x50: {  	_ =	shalt  }
0x51: {  	_ =	shalt  }
0x52: {  	_ =	shalt  }
0x53: {  	_ =	shalt  }
0x54: {  	_ =	shalt  }
0x55: {  	_ =	shalt  }
0x56: {  	_ =	shalt  }
0x57: {  	_ =	shalt  }
0x58: {  	_ =	shalt  }
0x59: {  	_ =	shalt  }
0x5a: {  	_ =	shalt  }
0x5b: {  	_ =	shalt  }
0x5c: {  	_ =	shalt  }
0x5d: {  	_ =	shalt  }
0x5e: {  	_ =	shalt  }
0x5f: {  	_ =	shalt  }
0x60: {  	_ =	shalt  }
0x61: {  	_ =	shalt  }
0x62: {  	_ =	shalt  }
0x63: {  	_ =	shalt  }
0x64: {  	_ =	shalt  }
0x65: {  	_ =	shalt  }
0x66: {  	_ =	shalt  }
0x67: {  	_ =	shalt  }
0x68: {  	_ =	shalt  }
0x69: {  	_ =	shalt  }
0x6a: {  	_ =	shalt  }
0x6b: {  	_ =	shalt  }
0x6c: {  	_ =	shalt  }
0x6d: {  	_ =	shalt  }
0x6e: {  	_ =	shalt  }
0x6f: {  	_ =	shalt  }
0x70: {  	_ =	shalt  }
0x71: {  	_ =	shalt  }
0x72: {  	_ =	shalt  }
0x73: {  	_ =	shalt  }
0x74: {  	_ =	shalt  }
0x75: {  	_ =	shalt  }
0x76: {  	_ =	shalt  }
0x77: {  	_ =	shalt  }
0x78: {  	_ =	shalt  }
0x79: {  	_ =	shalt  }
0x7a: {  	_ =	shalt  }
0x7b: {  	_ =	shalt  }
0x7c: {  	_ =	shalt  }
0x7d: {  	_ =	shalt  }
0x7e: {  	_ =	shalt  }
0x7f: {  	_ =	shalt  }
0x80: {  	_ =	shalt  }
0x81: {  	_ =	shalt  }
0x82: {  	_ =	shalt  }
0x83: {  	_ =	shalt  }
0x84: {  	_ =	shalt  }
0x85: {  	_ =	shalt  }
0x86: {  	_ =	shalt  }
0x87: {  	_ =	shalt  }
.Lfunc_end0:
.L_simem_size_0:
called_computation_lowered:
.L_overlay_start_0:
0x88: {  	s2 =	sld [smem:$0x3FD9]  }
0x89: {  	s3 =	sld [smem:$0x3FFE];
	_ =	sdelay $0x1  }
0x8a: {  	s1 =	srdreg.scid  }
0x8b: {  	s0 =	sand.u32 $0x1, s1  }
0x8c: {  	s17 =	sshll.u32 s0, $0xA;
	s2 =	sadd.s32 s3, s2  }
0x8d: {  	s2 =	sadd.s32 s2, s17  }
0x8e: {  	[smem:$0x3FB6] =	sst s2  }
0x8f: {  	_ = 	snop  }
0x90: {  	s2 =	sld [smem:$0x3FD0];
	(tm) =	ssettm $0x1  }
0x91: {  	s18 =	sld [smem:$0x3FFB];
	_ =	sdelay $0x3  }
0x92: {  	_ =	strace s18  }
0x93: {  	s3 =	sld [smem:$0x3FFC];
	_ =	sdelay $0x3  }
0x94: {  	_ =	strace s3  }
0x95: {  	s3 =	sld [smem:$0x3FFD];
	_ =	sdelay $0x3  }
0x96: {  	_ =	strace s3  }
0x97: {  	_ =	strace $0x8FFFFFFF  }
0x98: {  	s19 =	sld [smem:$0x3FDB];
	_ =	sdelay $0x1  }
0x99: {  	s4 =	simm.s32 $_scs_section_size  }
0x9a: {  	s5 =	simm.s32 $_size__tile_overlayer_lowered;
	s6 =	simm.s32 $_tile_overlayer_lowered  }
0x9b: {  	s22 =	simm.s32 $0x1BFF;
	s21 =	sshll.u32 s6, $0x1;
	s3 =	sadd.s32 s4, s19  }
0x9c: {  	s7 =	simm.s32 $0x0;
	s20 =	sshll.u32 s5, $0x1;
	s5 =	sadd.s32 s21, s3  }
0x9d: {  	[timem:s7], [sflag:s22] =	dma.local [hbm:s5], s20  }
0x9e: {  	_ =	swait.ge [sflag:s22], s20  }
0x9f: {  	s4 =	ssub.s32 $0x0, s20;
	[sflag:s22] =	ssyncset.done $0x0  }
0xa0: {  	[sflag:s22] =	ssyncadd.s32 s4;
	_ =	sdelay $0x1  }
0xa1: {  	s23 =	simm.s32 $0x1B8B  }
0xa2: {  	_ =	swait.ge [sflag:s23], $0x1  }
0xa3: {  	[sflag:s23] =	ssyncset.done $0x0  }
0xa4: {  	s25 =	simm.s32 $0x1B8E;
	s24 =	sld [smem:$0x3FFE];
	[sflag:s23] =	ssyncadd.s32 $0xFFFFFFFF  }
0xa5: {  	s26 =	simm.s32 $execute0_lowered;
	[smem:$0x3FD2] =	sst s25  }
0xa6: {  	s5 =	sshll.u32 s26, $0x1;
	_ =	strace $0x80000046;
	[dreg:$0x1] =	wrdreg $0xFFFFFFFF  }
0xa7: {  	s28 =	simm.s32 $_size_execute0_lowered;
	s3 =	sadd.s32 s3, s5;
	[dreg:$0x0] =	wrdreg $0x0  }
0xa8: {  	s5 =	sshll.u32 s28, $0x1;
	[dreg:$0x2] =	wrdreg s3  }
0xa9: {  	[dreg:$0x3] =	wrdreg s5  }
0xaa: {  	[dreg:$0x4] =	wrdreg $0xC0  }
0xab: {  	_ =	task [dreg:s7], $0x5FFFF  }
0xac: {  	[dreg:$0x1] =	wrdreg $0xFFFFFFFF  }
0xad: {  	[dreg:$0x0] =	wrdreg $0x60  }
0xae: {  	[dreg:$0x2] =	wrdreg s24  }
0xaf: {  	[dreg:$0x3] =	wrdreg s2  }
0xb0: {  	[dreg:$0x4] =	wrdreg $0x40800  }
0xb1: {  	[dreg:$0x5] =	wrdreg $0x9  }
0xb2: {  	_ =	task.clear_ibuf [dreg:s7], $0x6FFFF;
	_ =	strace $0x90000046  }
0xb3: {  	s29 =	simm.s32 $0x9;
	_ =	strace $0x80000048  }
0xb4: {  	_ =	swait.ge [sflag:s29], $0x1  }
0xb5: {  	[sflag:s29] =	ssyncadd.s32 $0xFFFFFFFF  }
0xb6: {  	_ =	strace $0x90000048  }
0xb7: {  	_ =	sfence  }
0xb8: {  	s30 =	sld [smem:$0x0];
	_ =	sdelay $0x2  }
0xb9: {  	s31 =	sshll.u32 s1, $0xD;
	s1 =	sshrl.u32 s1, $0x2  }
0xba: {  	s3 =	sand.u32 $0x4000, s31;
	s1 =	sadd.s32 s1, s30  }
0xbb: {  	s0 =	sor.u32 s3, s0;
	s1 =	sshll.u32 s1, $0x11  }
0xbc: {  	s0 =	sor.u32 s1, s0  }
0xbd: {  	s0 =	sadd.s32 $0x8F2B, s0  }
0xbe: {  	[sflag:s0] =	ssyncadd.remote.s32 $0x1  }
0xbf: {  	_ =	sfence.sel $0xFFFF  }
0xc0: {  	[dreg:$0x0] =	wrdreg $0xFFFFFFFF;
	(pc) =	sbr.abs _section_cstart, $3  }
0xc1: {  	[dreg:$0x1] =	wrdreg $0xFFFFFFFF  }
0xc2: {  	_ =	task.clear_ibuf [dreg:s7], $0x2FFFF;
	_ =	strace $0x9FFFFFFF  }
0xc3: {  	(tm) =	ssettm $0x7FFFFFFF  }
tec
execute0_lowered:
.L_overlay_start_1:
0x0: {  	(tag) =	ssettag $0x1  }
0x1: {  	s5 =	rddreg [dreg:$0x0]  }
0x2: {  	s7 =	rddreg [dreg:$0x1]  }
0x3: {  	s2 =	rddreg [dreg:$0x2]  }
0x4: {  	s0 =	srdreg.scid;
	s1 =	rddreg [dreg:$0x3]  }
0x5: {  	s3 =	simm.s32 $0x0;
	s13 =	simm.s32 $0x2;
	s14 =	simm.s32 $0x50  }
0x6: {  	s15 =	simm.s32 $0x1;
	s16 =	simm.s32 $0x20;
	s6 =	sand.u32 $0x1, s0  }
0x7: {  	s17 =	simm.s32 $0x10;
	s0 =	stileid.u32;
	s4 =	smul.u32 $0x27100, s6  }
0x8: {  	s18 =	simm.s32 $0x0;
	[smem:$0x7FF] =	sst s3;
	s8 =	smul.u32 $0x2710, s0  }
0x9: {  	_ =	strace $0x80000047;
	s29 =	ssub.s32 $0x2, s6;
	s10 =	smul.u32 $0xA00, s0  }
0xa: {  	s12 =	smul.u32 $0x500, s0;
	s6 =	sshll.u32 s6, $0x7;
	s11 =	sshrl.u32 s29, $0x1  }
0xb: {  	s30 =	sshll.u32 s0, $0x6;
	s4 =	sadd.s32 s8, s4;
	s8 =	ssub.s32 s29, s11  }
0xc: {  	s10 =	sshrl.u32 s10, $0x2;
	s12 =	sor.u32 s6, s12;
	s6 =	sor.u32 $0x1C03, s30  }
0xd: {  	s11 =	simm.s32 $0x3;
	s4 =	sshrl.u32 s4, $0x3;
	s10 =	sadd.s32 s10, s2  }
0xe: {  	s31 =	sshrl.u32 s12, $0x3;
	s8 =	smax.u32 s8, $0x1;
	s12 =	simm.s32 $0x4000  }
0xf: {  	s9 =	sadd.s32 s4, s5;
	s4 =	sadd.s32 $0xE600, s5;
	s5 =	sadd.s32 $0xE400, s5  }
0x10: {  	s7 =	sadd.s32 s7, s31;
	s10 =	sshrl.u32 s10, $0x3;
	s9 =	sadd.s32 $0x4600, s9  }
.LBB2_1:
0x11: {  	[spmem:s10], [sflag:s6] =	dma.local [hbm:s5], $0x50  }
0x12: {  	_ =	swait.ge [sflag:s11], $0x50  }
0x13: {  	[sflag:s11] =	ssyncset.done $0x0  }
0x14: {  	[sflag:s11] =	ssyncadd.s32 $0xFFFFFFB0  }
0x15: {  	[tilespmem:s12], [sflag:$0x3] =	stream.linear.gather [hbm4b:s4+s3], $0x80, $0x38;
	[tilespmem:$0x4300] =	vst v63  }
0x16: {  	_ =	swait.ge [sflag:s11], $0x80  }
0x17: {  	s19 =	smov.u32 s9;
	[sflag:s11] =	ssyncset.done $0x0  }
0x18: {  	s20 =	simm.s32 $0x0;
	s21 =	simm.s32 $0x0;
	[sflag:s11] =	ssyncadd.s32 $0xFFFFFF80  }
.LBB2_2:
0x19: {  	s22 =	simm.s32 $0xA  }
0x1a: {  	s25 =	sadd.s32 $0x0, s19;
	s23 =	sadd.s32 $0x80, s20;
	s24 =	smov.u32 s20  }
.LBB2_3:
0x1b: {  	[tilespmem:s24], [sflag:$0x2] =	stream.linear.gather [hbm4b:s25+s3], $0x50, $0x38;
	[tilespmem:$0x4300] =	vst v63  }
0x1c: {  	s25 =	smov.u32 s22;
	s24 =	smov.u32 s23;
	p0 =	sne.s32 s22, $0xF0  }
.Ltmp0:
0x1d: {  	s22 =	sadd.s32 $0xA, s22;
	(pc) =	sbr.rel @p0 .LBB2_3-.Ltmp0, $2  }
0x1e: {  	_ =	sdelay $0x2  }
0x1f: {  	s23 =	sadd.s32 $0x80, s23;
	s25 =	sadd.s32 s25, s19  }
0x20: {  	[tilespmem:s24], [sflag:$0x2] =	stream.linear.gather [hbm4b:s25+s3], $0x50, $0x38;
	[tilespmem:$0x4300] =	vst v63  }
0x21: {  	_ =	swait.ge [sflag:s13], $0x50  }
0x22: {  	[sflag:s13] =	ssyncset.done $0x0  }
0x23: {  	[sflag:s13] =	ssyncadd.s32 $0xFFFFFFB0  }
0x24: {  	_ =	swait.ge [sflag:s13], $0x50  }
0x25: {  	[sflag:s13] =	ssyncset.done $0x0  }
0x26: {  	[sflag:s13] =	ssyncadd.s32 $0xFFFFFFB0  }
0x27: {  	_ =	swait.ge [sflag:s13], $0x50  }
0x28: {  	[sflag:s13] =	ssyncset.done $0x0  }
0x29: {  	[sflag:s13] =	ssyncadd.s32 $0xFFFFFFB0  }
0x2a: {  	_ =	swait.ge [sflag:s13], $0x50  }
0x2b: {  	[sflag:s13] =	ssyncset.done $0x0  }
0x2c: {  	[sflag:s13] =	ssyncadd.s32 $0xFFFFFFB0  }
0x2d: {  	_ =	swait.ge [sflag:s13], $0x50  }
0x2e: {  	[sflag:s13] =	ssyncset.done $0x0  }
0x2f: {  	[sflag:s13] =	ssyncadd.s32 $0xFFFFFFB0  }
0x30: {  	_ =	swait.ge [sflag:s13], $0x50  }
0x31: {  	[sflag:s13] =	ssyncset.done $0x0  }
0x32: {  	[sflag:s13] =	ssyncadd.s32 $0xFFFFFFB0  }
0x33: {  	_ =	swait.ge [sflag:s13], $0x50  }
0x34: {  	[sflag:s13] =	ssyncset.done $0x0  }
0x35: {  	[sflag:s13] =	ssyncadd.s32 $0xFFFFFFB0  }
0x36: {  	_ =	swait.ge [sflag:s13], $0x50  }
0x37: {  	[sflag:s13] =	ssyncset.done $0x0  }
0x38: {  	[sflag:s13] =	ssyncadd.s32 $0xFFFFFFB0  }
0x39: {  	_ =	swait.ge [sflag:s13], $0x50  }
0x3a: {  	[sflag:s13] =	ssyncset.done $0x0  }
0x3b: {  	[sflag:s13] =	ssyncadd.s32 $0xFFFFFFB0  }
0x3c: {  	_ =	swait.ge [sflag:s13], $0x50  }
0x3d: {  	[sflag:s13] =	ssyncset.done $0x0  }
0x3e: {  	[sflag:s13] =	ssyncadd.s32 $0xFFFFFFB0  }
0x3f: {  	_ =	swait.ge [sflag:s13], $0x50  }
0x40: {  	[sflag:s13] =	ssyncset.done $0x0  }
0x41: {  	[sflag:s13] =	ssyncadd.s32 $0xFFFFFFB0  }
0x42: {  	_ =	swait.ge [sflag:s13], $0x50  }
0x43: {  	[sflag:s13] =	ssyncset.done $0x0  }
0x44: {  	[sflag:s13] =	ssyncadd.s32 $0xFFFFFFB0  }
0x45: {  	_ =	swait.ge [sflag:s13], $0x50  }
0x46: {  	[sflag:s13] =	ssyncset.done $0x0  }
0x47: {  	[sflag:s13] =	ssyncadd.s32 $0xFFFFFFB0  }
0x48: {  	_ =	swait.ge [sflag:s13], $0x50  }
0x49: {  	[sflag:s13] =	ssyncset.done $0x0  }
0x4a: {  	[sflag:s13] =	ssyncadd.s32 $0xFFFFFFB0  }
0x4b: {  	_ =	swait.ge [sflag:s13], $0x50  }
0x4c: {  	[sflag:s13] =	ssyncset.done $0x0  }
0x4d: {  	[sflag:s13] =	ssyncadd.s32 $0xFFFFFFB0  }
0x4e: {  	_ =	swait.ge [sflag:s13], $0x50  }
0x4f: {  	[sflag:s13] =	ssyncset.done $0x0  }
0x50: {  	[sflag:s13] =	ssyncadd.s32 $0xFFFFFFB0  }
0x51: {  	_ =	swait.ge [sflag:s13], $0x50  }
0x52: {  	[sflag:s13] =	ssyncset.done $0x0  }
0x53: {  	[sflag:s13] =	ssyncadd.s32 $0xFFFFFFB0  }
0x54: {  	_ =	swait.ge [sflag:s13], $0x50  }
0x55: {  	[sflag:s13] =	ssyncset.done $0x0  }
0x56: {  	[sflag:s13] =	ssyncadd.s32 $0xFFFFFFB0  }
0x57: {  	_ =	swait.ge [sflag:s13], $0x50  }
0x58: {  	[sflag:s13] =	ssyncset.done $0x0  }
0x59: {  	[sflag:s13] =	ssyncadd.s32 $0xFFFFFFB0  }
0x5a: {  	_ =	swait.ge [sflag:s13], $0x50  }
0x5b: {  	[sflag:s13] =	ssyncset.done $0x0  }
0x5c: {  	[sflag:s13] =	ssyncadd.s32 $0xFFFFFFB0  }
0x5d: {  	_ =	swait.ge [sflag:s13], $0x50  }
0x5e: {  	[sflag:s13] =	ssyncset.done $0x0  }
0x5f: {  	[sflag:s13] =	ssyncadd.s32 $0xFFFFFFB0  }
0x60: {  	_ =	swait.ge [sflag:s13], $0x50  }
0x61: {  	[sflag:s13] =	ssyncset.done $0x0  }
0x62: {  	[sflag:s13] =	ssyncadd.s32 $0xFFFFFFB0  }
0x63: {  	_ =	swait.ge [sflag:s13], $0x50  }
0x64: {  	[sflag:s13] =	ssyncset.done $0x0  }
0x65: {  	s21 =	sadd.s32 $0x1, s21;
	[sflag:s13] =	ssyncadd.s32 $0xFFFFFFB0  }
0x66: {  	p0 =	sne.s32 s21, $0x5;
	_ =	swait.ge [sflag:s13], $0x50  }
.Ltmp1:
0x67: {  	[sflag:s13] =	ssyncset.done $0x0;
	(pc) =	sbr.rel @p0 .LBB2_2-.Ltmp1, $4  }
0x68: {  	[sflag:s13] =	ssyncadd.s32 $0xFFFFFFB0  }
0x69: {  	_ =	swait.ge [sflag:s13], $0x50  }
0x6a: {  	[sflag:s13] =	ssyncset.done $0x0  }
0x6b: {  	s20 =	sadd.s32 $0xC80, s20;
	s19 =	sadd.s32 $0xFA, s19;
	[sflag:s13] =	ssyncadd.s32 $0xFFFFFFB0  }
0x6c: {  	[bflag:$0x0] =	sbarrier.arrive $0xFFFF;
	s19 =	simm.s32 $0x0  }
0x6d: {  	[spmem:s2] =	stream.indirect.scatter.add.f32 [tilespmem:s12], [sflag:$0x1], $0x1, s19, s14, $0xb8;
	[tilespmem:$0x4300] =	vst v63  }
0x6e: {  	s30 =	simm.s32 $0x80  }
0x6f: {  	[spmem:s2] =	stream.indirect.scatter.add.f32 [tilespmem:s12], [sflag:$0x1], $0x1, s30, s14, $0xb8;
	[tilespmem:$0x4300] =	vst v63  }
0x70: {  	s31 =	simm.s32 $0x100  }
0x71: {  	[spmem:s2] =	stream.indirect.scatter.add.f32 [tilespmem:s12], [sflag:$0x1], $0x1, s31, s14, $0xb8;
	[tilespmem:$0x4300] =	vst v63  }
0x72: {  	s20 =	simm.s32 $0x180  }
0x73: {  	[spmem:s2] =	stream.indirect.scatter.add.f32 [tilespmem:s12], [sflag:$0x1], $0x1, s20, s14, $0xb8;
	[tilespmem:$0x4300] =	vst v63  }
0x74: {  	s21 =	simm.s32 $0x200  }
0x75: {  	[spmem:s2] =	stream.indirect.scatter.add.f32 [tilespmem:s12], [sflag:$0x1], $0x1, s21, s14, $0xb8;
	[tilespmem:$0x4300] =	vst v63  }
0x76: {  	s22 =	simm.s32 $0x280  }
0x77: {  	[spmem:s2] =	stream.indirect.scatter.add.f32 [tilespmem:s12], [sflag:$0x1], $0x1, s22, s14, $0xb8;
	[tilespmem:$0x4300] =	vst v63  }
0x78: {  	s23 =	simm.s32 $0x300  }
0x79: {  	[spmem:s2] =	stream.indirect.scatter.add.f32 [tilespmem:s12], [sflag:$0x1], $0x1, s23, s14, $0xb8;
	[tilespmem:$0x4300] =	vst v63  }
0x7a: {  	s24 =	simm.s32 $0x380  }
0x7b: {  	[spmem:s2] =	stream.indirect.scatter.add.f32 [tilespmem:s12], [sflag:$0x1], $0x1, s24, s14, $0xb8;
	[tilespmem:$0x4300] =	vst v63  }
0x7c: {  	s25 =	simm.s32 $0x400  }
0x7d: {  	[spmem:s2] =	stream.indirect.scatter.add.f32 [tilespmem:s12], [sflag:$0x1], $0x1, s25, s14, $0xb8;
	[tilespmem:$0x4300] =	vst v63  }
0x7e: {  	s26 =	simm.s32 $0x480  }
0x7f: {  	[spmem:s2] =	stream.indirect.scatter.add.f32 [tilespmem:s12], [sflag:$0x1], $0x1, s26, s14, $0xb8;
	[tilespmem:$0x4300] =	vst v63  }
0x80: {  	s28 =	simm.s32 $0x500  }
0x81: {  	[spmem:s2] =	stream.indirect.scatter.add.f32 [tilespmem:s12], [sflag:$0x1], $0x1, s28, s14, $0xb8;
	[tilespmem:$0x4300] =	vst v63  }
0x82: {  	s29 =	simm.s32 $0x580  }
0x83: {  	[spmem:s2] =	stream.indirect.scatter.add.f32 [tilespmem:s12], [sflag:$0x1], $0x1, s29, s14, $0xb8;
	[tilespmem:$0x4300] =	vst v63  }
0x84: {  	s30 =	simm.s32 $0x600  }
0x85: {  	[spmem:s2] =	stream.indirect.scatter.add.f32 [tilespmem:s12], [sflag:$0x1], $0x1, s30, s14, $0xb8;
	[tilespmem:$0x4300] =	vst v63  }
0x86: {  	s31 =	simm.s32 $0x680  }
0x87: {  	[spmem:s2] =	stream.indirect.scatter.add.f32 [tilespmem:s12], [sflag:$0x1], $0x1, s31, s14, $0xb8;
	[tilespmem:$0x4300] =	vst v63  }
0x88: {  	s20 =	simm.s32 $0x700  }
0x89: {  	[spmem:s2] =	stream.indirect.scatter.add.f32 [tilespmem:s12], [sflag:$0x1], $0x1, s20, s14, $0xb8;
	[tilespmem:$0x4300] =	vst v63  }
0x8a: {  	s21 =	simm.s32 $0x780  }
0x8b: {  	[spmem:s2] =	stream.indirect.scatter.add.f32 [tilespmem:s12], [sflag:$0x1], $0x1, s21, s14, $0xb8;
	[tilespmem:$0x4300] =	vst v63  }
0x8c: {  	s22 =	simm.s32 $0x800  }
0x8d: {  	[spmem:s2] =	stream.indirect.scatter.add.f32 [tilespmem:s12], [sflag:$0x1], $0x1, s22, s14, $0xb8;
	[tilespmem:$0x4300] =	vst v63  }
0x8e: {  	s23 =	simm.s32 $0x880  }
0x8f: {  	[spmem:s2] =	stream.indirect.scatter.add.f32 [tilespmem:s12], [sflag:$0x1], $0x1, s23, s14, $0xb8;
	[tilespmem:$0x4300] =	vst v63  }
0x90: {  	s24 =	simm.s32 $0x900  }
0x91: {  	[spmem:s2] =	stream.indirect.scatter.add.f32 [tilespmem:s12], [sflag:$0x1], $0x1, s24, s14, $0xb8;
	[tilespmem:$0x4300] =	vst v63  }
0x92: {  	s25 =	simm.s32 $0x980  }
0x93: {  	[spmem:s2] =	stream.indirect.scatter.add.f32 [tilespmem:s12], [sflag:$0x1], $0x1, s25, s14, $0xb8;
	[tilespmem:$0x4300] =	vst v63  }
0x94: {  	s26 =	simm.s32 $0xA00  }
0x95: {  	[spmem:s2] =	stream.indirect.scatter.add.f32 [tilespmem:s12], [sflag:$0x1], $0x1, s26, s14, $0xb8;
	[tilespmem:$0x4300] =	vst v63  }
0x96: {  	s28 =	simm.s32 $0xA80  }
0x97: {  	[spmem:s2] =	stream.indirect.scatter.add.f32 [tilespmem:s12], [sflag:$0x1], $0x1, s28, s14, $0xb8;
	[tilespmem:$0x4300] =	vst v63  }
0x98: {  	s29 =	simm.s32 $0xB00  }
0x99: {  	[spmem:s2] =	stream.indirect.scatter.add.f32 [tilespmem:s12], [sflag:$0x1], $0x1, s29, s14, $0xb8;
	[tilespmem:$0x4300] =	vst v63  }
0x9a: {  	s30 =	simm.s32 $0xB80  }
0x9b: {  	[spmem:s2] =	stream.indirect.scatter.add.f32 [tilespmem:s12], [sflag:$0x1], $0x1, s30, s14, $0xb8;
	[tilespmem:$0x4300] =	vst v63  }
0x9c: {  	s31 =	simm.s32 $0xC00  }
0x9d: {  	[spmem:s2] =	stream.indirect.scatter.add.f32 [tilespmem:s12], [sflag:$0x1], $0x1, s31, s14, $0xb8;
	[tilespmem:$0x4300] =	vst v63  }
0x9e: {  	_ =	swait.ge [sflag:s15], $0x50  }
0x9f: {  	[sflag:s15] =	ssyncset.done $0x0  }
0xa0: {  	[sflag:s15] =	ssyncadd.s32 $0xFFFFFFB0  }
0xa1: {  	_ =	swait.ge [sflag:s15], $0x50  }
0xa2: {  	[sflag:s15] =	ssyncset.done $0x0  }
0xa3: {  	[sflag:s15] =	ssyncadd.s32 $0xFFFFFFB0  }
0xa4: {  	_ =	swait.ge [sflag:s15], $0x50  }
0xa5: {  	[sflag:s15] =	ssyncset.done $0x0  }
0xa6: {  	[sflag:s15] =	ssyncadd.s32 $0xFFFFFFB0  }
0xa7: {  	_ =	swait.ge [sflag:s15], $0x50  }
0xa8: {  	[sflag:s15] =	ssyncset.done $0x0  }
0xa9: {  	[sflag:s15] =	ssyncadd.s32 $0xFFFFFFB0  }
0xaa: {  	_ =	swait.ge [sflag:s15], $0x50  }
0xab: {  	[sflag:s15] =	ssyncset.done $0x0  }
0xac: {  	[sflag:s15] =	ssyncadd.s32 $0xFFFFFFB0  }
0xad: {  	_ =	swait.ge [sflag:s15], $0x50  }
0xae: {  	[sflag:s15] =	ssyncset.done $0x0  }
0xaf: {  	[sflag:s15] =	ssyncadd.s32 $0xFFFFFFB0  }
0xb0: {  	_ =	swait.ge [sflag:s15], $0x50  }
0xb1: {  	[sflag:s15] =	ssyncset.done $0x0  }
0xb2: {  	[sflag:s15] =	ssyncadd.s32 $0xFFFFFFB0  }
0xb3: {  	_ =	swait.ge [sflag:s15], $0x50  }
0xb4: {  	[sflag:s15] =	ssyncset.done $0x0  }
0xb5: {  	[sflag:s15] =	ssyncadd.s32 $0xFFFFFFB0  }
0xb6: {  	_ =	swait.ge [sflag:s15], $0x50  }
0xb7: {  	[sflag:s15] =	ssyncset.done $0x0  }
0xb8: {  	[sflag:s15] =	ssyncadd.s32 $0xFFFFFFB0  }
0xb9: {  	_ =	swait.ge [sflag:s15], $0x50  }
0xba: {  	[sflag:s15] =	ssyncset.done $0x0  }
0xbb: {  	[sflag:s15] =	ssyncadd.s32 $0xFFFFFFB0  }
0xbc: {  	_ =	swait.ge [sflag:s15], $0x50  }
0xbd: {  	[sflag:s15] =	ssyncset.done $0x0  }
0xbe: {  	[sflag:s15] =	ssyncadd.s32 $0xFFFFFFB0  }
0xbf: {  	_ =	swait.ge [sflag:s15], $0x50  }
0xc0: {  	[sflag:s15] =	ssyncset.done $0x0  }
0xc1: {  	[sflag:s15] =	ssyncadd.s32 $0xFFFFFFB0  }
0xc2: {  	_ =	swait.ge [sflag:s15], $0x50  }
0xc3: {  	[sflag:s15] =	ssyncset.done $0x0  }
0xc4: {  	[sflag:s15] =	ssyncadd.s32 $0xFFFFFFB0  }
0xc5: {  	_ =	swait.ge [sflag:s15], $0x50  }
0xc6: {  	[sflag:s15] =	ssyncset.done $0x0  }
0xc7: {  	[sflag:s15] =	ssyncadd.s32 $0xFFFFFFB0  }
0xc8: {  	_ =	swait.ge [sflag:s15], $0x50  }
0xc9: {  	[sflag:s15] =	ssyncset.done $0x0  }
0xca: {  	[sflag:s15] =	ssyncadd.s32 $0xFFFFFFB0  }
0xcb: {  	_ =	swait.ge [sflag:s15], $0x50  }
0xcc: {  	[sflag:s15] =	ssyncset.done $0x0  }
0xcd: {  	[sflag:s15] =	ssyncadd.s32 $0xFFFFFFB0  }
0xce: {  	_ =	swait.ge [sflag:s15], $0x50  }
0xcf: {  	[sflag:s15] =	ssyncset.done $0x0  }
0xd0: {  	[sflag:s15] =	ssyncadd.s32 $0xFFFFFFB0  }
0xd1: {  	_ =	swait.ge [sflag:s15], $0x50  }
0xd2: {  	[sflag:s15] =	ssyncset.done $0x0  }
0xd3: {  	[sflag:s15] =	ssyncadd.s32 $0xFFFFFFB0  }
0xd4: {  	_ =	swait.ge [sflag:s15], $0x50  }
0xd5: {  	[sflag:s15] =	ssyncset.done $0x0  }
0xd6: {  	[sflag:s15] =	ssyncadd.s32 $0xFFFFFFB0  }
0xd7: {  	_ =	swait.ge [sflag:s15], $0x50  }
0xd8: {  	[sflag:s15] =	ssyncset.done $0x0  }
0xd9: {  	[sflag:s15] =	ssyncadd.s32 $0xFFFFFFB0  }
0xda: {  	_ =	swait.ge [sflag:s15], $0x50  }
0xdb: {  	[sflag:s15] =	ssyncset.done $0x0  }
0xdc: {  	[sflag:s15] =	ssyncadd.s32 $0xFFFFFFB0  }
0xdd: {  	_ =	swait.ge [sflag:s15], $0x50  }
0xde: {  	[sflag:s15] =	ssyncset.done $0x0  }
0xdf: {  	[sflag:s15] =	ssyncadd.s32 $0xFFFFFFB0  }
0xe0: {  	_ =	swait.ge [sflag:s15], $0x50  }
0xe1: {  	[sflag:s15] =	ssyncset.done $0x0  }
0xe2: {  	[sflag:s15] =	ssyncadd.s32 $0xFFFFFFB0  }
0xe3: {  	_ =	swait.ge [sflag:s15], $0x50  }
0xe4: {  	[sflag:s15] =	ssyncset.done $0x0  }
0xe5: {  	[sflag:s15] =	ssyncadd.s32 $0xFFFFFFB0  }
0xe6: {  	_ =	swait.ge [sflag:s15], $0x50  }
0xe7: {  	s19 =	simm.s32 $0x3200;
	s22 =	simm.s32 $0x6400;
	[sflag:s15] =	ssyncset.done $0x0  }
.LBB2_6:
0xe8: {  	s21 =	sshra.s32 s19, $0x2  }
0xe9: {  	[sflag:s15] =	ssyncadd.s32 $0xFFFFFFB0;
	s19 =	smov.u32 s22;
	s20 =	sadd.s32 $0x3200, s22  }
0xea: {  	[spmem:s2] =	stream.indirect.scatter.add.f32 [tilespmem:s12], [sflag:$0x1], $0x1, s21, s14, $0xb8;
	[tilespmem:$0x4300] =	vst v63  }
0xeb: {  	p0 =	sne.s32 s22, $0xC800;
	s22 =	sadd.s32 $0x80, s21  }
0xec: {  	[spmem:s2] =	stream.indirect.scatter.add.f32 [tilespmem:s12], [sflag:$0x1], $0x1, s22, s14, $0xb8;
	[tilespmem:$0x4300] =	vst v63  }
0xed: {  	s22 =	sadd.s32 $0x100, s21  }
0xee: {  	[spmem:s2] =	stream.indirect.scatter.add.f32 [tilespmem:s12], [sflag:$0x1], $0x1, s22, s14, $0xb8;
	[tilespmem:$0x4300] =	vst v63  }
0xef: {  	s22 =	sadd.s32 $0x180, s21  }
0xf0: {  	[spmem:s2] =	stream.indirect.scatter.add.f32 [tilespmem:s12], [sflag:$0x1], $0x1, s22, s14, $0xb8;
	[tilespmem:$0x4300] =	vst v63  }
0xf1: {  	s22 =	sadd.s32 $0x200, s21  }
0xf2: {  	[spmem:s2] =	stream.indirect.scatter.add.f32 [tilespmem:s12], [sflag:$0x1], $0x1, s22, s14, $0xb8;
	[tilespmem:$0x4300] =	vst v63  }
0xf3: {  	s22 =	sadd.s32 $0x280, s21  }
0xf4: {  	[spmem:s2] =	stream.indirect.scatter.add.f32 [tilespmem:s12], [sflag:$0x1], $0x1, s22, s14, $0xb8;
	[tilespmem:$0x4300] =	vst v63  }
0xf5: {  	s22 =	sadd.s32 $0x300, s21  }
0xf6: {  	[spmem:s2] =	stream.indirect.scatter.add.f32 [tilespmem:s12], [sflag:$0x1], $0x1, s22, s14, $0xb8;
	[tilespmem:$0x4300] =	vst v63  }
0xf7: {  	s22 =	sadd.s32 $0x380, s21  }
0xf8: {  	[spmem:s2] =	stream.indirect.scatter.add.f32 [tilespmem:s12], [sflag:$0x1], $0x1, s22, s14, $0xb8;
	[tilespmem:$0x4300] =	vst v63  }
0xf9: {  	s22 =	sadd.s32 $0x400, s21  }
0xfa: {  	[spmem:s2] =	stream.indirect.scatter.add.f32 [tilespmem:s12], [sflag:$0x1], $0x1, s22, s14, $0xb8;
	[tilespmem:$0x4300] =	vst v63  }
0xfb: {  	s22 =	sadd.s32 $0x480, s21  }
0xfc: {  	[spmem:s2] =	stream.indirect.scatter.add.f32 [tilespmem:s12], [sflag:$0x1], $0x1, s22, s14, $0xb8;
	[tilespmem:$0x4300] =	vst v63  }
0xfd: {  	s22 =	sadd.s32 $0x500, s21  }
0xfe: {  	[spmem:s2] =	stream.indirect.scatter.add.f32 [tilespmem:s12], [sflag:$0x1], $0x1, s22, s14, $0xb8;
	[tilespmem:$0x4300] =	vst v63  }
0xff: {  	s22 =	sadd.s32 $0x580, s21  }
0x100: {  	[spmem:s2] =	stream.indirect.scatter.add.f32 [tilespmem:s12], [sflag:$0x1], $0x1, s22, s14, $0xb8;
	[tilespmem:$0x4300] =	vst v63  }
0x101: {  	s22 =	sadd.s32 $0x600, s21  }
0x102: {  	[spmem:s2] =	stream.indirect.scatter.add.f32 [tilespmem:s12], [sflag:$0x1], $0x1, s22, s14, $0xb8;
	[tilespmem:$0x4300] =	vst v63  }
0x103: {  	s22 =	sadd.s32 $0x680, s21  }
0x104: {  	[spmem:s2] =	stream.indirect.scatter.add.f32 [tilespmem:s12], [sflag:$0x1], $0x1, s22, s14, $0xb8;
	[tilespmem:$0x4300] =	vst v63  }
0x105: {  	s22 =	sadd.s32 $0x700, s21  }
0x106: {  	[spmem:s2] =	stream.indirect.scatter.add.f32 [tilespmem:s12], [sflag:$0x1], $0x1, s22, s14, $0xb8;
	[tilespmem:$0x4300] =	vst v63  }
0x107: {  	s22 =	sadd.s32 $0x780, s21  }
0x108: {  	[spmem:s2] =	stream.indirect.scatter.add.f32 [tilespmem:s12], [sflag:$0x1], $0x1, s22, s14, $0xb8;
	[tilespmem:$0x4300] =	vst v63  }
0x109: {  	s22 =	sadd.s32 $0x800, s21  }
0x10a: {  	[spmem:s2] =	stream.indirect.scatter.add.f32 [tilespmem:s12], [sflag:$0x1], $0x1, s22, s14, $0xb8;
	[tilespmem:$0x4300] =	vst v63  }
0x10b: {  	s22 =	sadd.s32 $0x880, s21  }
0x10c: {  	[spmem:s2] =	stream.indirect.scatter.add.f32 [tilespmem:s12], [sflag:$0x1], $0x1, s22, s14, $0xb8;
	[tilespmem:$0x4300] =	vst v63  }
0x10d: {  	s22 =	sadd.s32 $0x900, s21  }
0x10e: {  	[spmem:s2] =	stream.indirect.scatter.add.f32 [tilespmem:s12], [sflag:$0x1], $0x1, s22, s14, $0xb8;
	[tilespmem:$0x4300] =	vst v63  }
0x10f: {  	s22 =	sadd.s32 $0x980, s21  }
0x110: {  	[spmem:s2] =	stream.indirect.scatter.add.f32 [tilespmem:s12], [sflag:$0x1], $0x1, s22, s14, $0xb8;
	[tilespmem:$0x4300] =	vst v63  }
0x111: {  	s22 =	sadd.s32 $0xA00, s21  }
0x112: {  	[spmem:s2] =	stream.indirect.scatter.add.f32 [tilespmem:s12], [sflag:$0x1], $0x1, s22, s14, $0xb8;
	[tilespmem:$0x4300] =	vst v63  }
0x113: {  	s22 =	sadd.s32 $0xA80, s21  }
0x114: {  	[spmem:s2] =	stream.indirect.scatter.add.f32 [tilespmem:s12], [sflag:$0x1], $0x1, s22, s14, $0xb8;
	[tilespmem:$0x4300] =	vst v63  }
0x115: {  	s22 =	sadd.s32 $0xB00, s21  }
0x116: {  	[spmem:s2] =	stream.indirect.scatter.add.f32 [tilespmem:s12], [sflag:$0x1], $0x1, s22, s14, $0xb8;
	[tilespmem:$0x4300] =	vst v63  }
0x117: {  	s22 =	sadd.s32 $0xB80, s21  }
0x118: {  	[spmem:s2] =	stream.indirect.scatter.add.f32 [tilespmem:s12], [sflag:$0x1], $0x1, s22, s14, $0xb8;
	[tilespmem:$0x4300] =	vst v63  }
0x119: {  	s21 =	sadd.s32 $0xC00, s21  }
0x11a: {  	[spmem:s2] =	stream.indirect.scatter.add.f32 [tilespmem:s12], [sflag:$0x1], $0x1, s21, s14, $0xb8;
	[tilespmem:$0x4300] =	vst v63  }
0x11b: {  	_ =	swait.ge [sflag:s15], $0x50  }
0x11c: {  	[sflag:s15] =	ssyncset.done $0x0  }
0x11d: {  	[sflag:s15] =	ssyncadd.s32 $0xFFFFFFB0  }
0x11e: {  	_ =	swait.ge [sflag:s15], $0x50  }
0x11f: {  	[sflag:s15] =	ssyncset.done $0x0  }
0x120: {  	[sflag:s15] =	ssyncadd.s32 $0xFFFFFFB0  }
0x121: {  	_ =	swait.ge [sflag:s15], $0x50  }
0x122: {  	[sflag:s15] =	ssyncset.done $0x0  }
0x123: {  	[sflag:s15] =	ssyncadd.s32 $0xFFFFFFB0  }
0x124: {  	_ =	swait.ge [sflag:s15], $0x50  }
0x125: {  	[sflag:s15] =	ssyncset.done $0x0  }
0x126: {  	[sflag:s15] =	ssyncadd.s32 $0xFFFFFFB0  }
0x127: {  	_ =	swait.ge [sflag:s15], $0x50  }
0x128: {  	[sflag:s15] =	ssyncset.done $0x0  }
0x129: {  	[sflag:s15] =	ssyncadd.s32 $0xFFFFFFB0  }
0x12a: {  	_ =	swait.ge [sflag:s15], $0x50  }
0x12b: {  	[sflag:s15] =	ssyncset.done $0x0  }
0x12c: {  	[sflag:s15] =	ssyncadd.s32 $0xFFFFFFB0  }
0x12d: {  	_ =	swait.ge [sflag:s15], $0x50  }
0x12e: {  	[sflag:s15] =	ssyncset.done $0x0  }
0x12f: {  	[sflag:s15] =	ssyncadd.s32 $0xFFFFFFB0  }
0x130: {  	_ =	swait.ge [sflag:s15], $0x50  }
0x131: {  	[sflag:s15] =	ssyncset.done $0x0  }
0x132: {  	[sflag:s15] =	ssyncadd.s32 $0xFFFFFFB0  }
0x133: {  	_ =	swait.ge [sflag:s15], $0x50  }
0x134: {  	[sflag:s15] =	ssyncset.done $0x0  }
0x135: {  	[sflag:s15] =	ssyncadd.s32 $0xFFFFFFB0  }
0x136: {  	_ =	swait.ge [sflag:s15], $0x50  }
0x137: {  	[sflag:s15] =	ssyncset.done $0x0  }
0x138: {  	[sflag:s15] =	ssyncadd.s32 $0xFFFFFFB0  }
0x139: {  	_ =	swait.ge [sflag:s15], $0x50  }
0x13a: {  	[sflag:s15] =	ssyncset.done $0x0  }
0x13b: {  	[sflag:s15] =	ssyncadd.s32 $0xFFFFFFB0  }
0x13c: {  	_ =	swait.ge [sflag:s15], $0x50  }
0x13d: {  	[sflag:s15] =	ssyncset.done $0x0  }
0x13e: {  	[sflag:s15] =	ssyncadd.s32 $0xFFFFFFB0  }
0x13f: {  	_ =	swait.ge [sflag:s15], $0x50  }
0x140: {  	[sflag:s15] =	ssyncset.done $0x0  }
0x141: {  	[sflag:s15] =	ssyncadd.s32 $0xFFFFFFB0  }
0x142: {  	_ =	swait.ge [sflag:s15], $0x50  }
0x143: {  	[sflag:s15] =	ssyncset.done $0x0  }
0x144: {  	[sflag:s15] =	ssyncadd.s32 $0xFFFFFFB0  }
0x145: {  	_ =	swait.ge [sflag:s15], $0x50  }
0x146: {  	[sflag:s15] =	ssyncset.done $0x0  }
0x147: {  	[sflag:s15] =	ssyncadd.s32 $0xFFFFFFB0  }
0x148: {  	_ =	swait.ge [sflag:s15], $0x50  }
0x149: {  	[sflag:s15] =	ssyncset.done $0x0  }
0x14a: {  	[sflag:s15] =	ssyncadd.s32 $0xFFFFFFB0  }
0x14b: {  	_ =	swait.ge [sflag:s15], $0x50  }
0x14c: {  	[sflag:s15] =	ssyncset.done $0x0  }
0x14d: {  	[sflag:s15] =	ssyncadd.s32 $0xFFFFFFB0  }
0x14e: {  	_ =	swait.ge [sflag:s15], $0x50  }
0x14f: {  	[sflag:s15] =	ssyncset.done $0x0  }
0x150: {  	[sflag:s15] =	ssyncadd.s32 $0xFFFFFFB0  }
0x151: {  	_ =	swait.ge [sflag:s15], $0x50  }
0x152: {  	[sflag:s15] =	ssyncset.done $0x0  }
0x153: {  	[sflag:s15] =	ssyncadd.s32 $0xFFFFFFB0  }
0x154: {  	_ =	swait.ge [sflag:s15], $0x50  }
0x155: {  	[sflag:s15] =	ssyncset.done $0x0  }
0x156: {  	[sflag:s15] =	ssyncadd.s32 $0xFFFFFFB0  }
0x157: {  	_ =	swait.ge [sflag:s15], $0x50  }
0x158: {  	[sflag:s15] =	ssyncset.done $0x0  }
0x159: {  	[sflag:s15] =	ssyncadd.s32 $0xFFFFFFB0  }
0x15a: {  	_ =	swait.ge [sflag:s15], $0x50  }
0x15b: {  	[sflag:s15] =	ssyncset.done $0x0  }
0x15c: {  	[sflag:s15] =	ssyncadd.s32 $0xFFFFFFB0  }
0x15d: {  	_ =	swait.ge [sflag:s15], $0x50  }
0x15e: {  	[sflag:s15] =	ssyncset.done $0x0  }
0x15f: {  	[sflag:s15] =	ssyncadd.s32 $0xFFFFFFB0  }
.Ltmp2:
0x160: {  	_ =	swait.ge [sflag:s15], $0x50;
	(pc) =	sbr.rel @p0 .LBB2_6-.Ltmp2, $4  }
0x161: {  	[sflag:s15] =	ssyncset.done $0x0  }
0x162: {  	[sflag:s15] =	ssyncadd.s32 $0xFFFFFFB0  }
0x163: {  	_ =	swait.ge [sflag:s15], $0x50  }
0x164: {  	s22 =	smov.u32 s20;
	[sflag:s15] =	ssyncset.done $0x0  }
0x165: {  	s19 =	sshra.s32 s19, $0x2;
	[sflag:s15] =	ssyncadd.s32 $0xFFFFFFB0  }
0x166: {  	[spmem:s2] =	stream.indirect.scatter.add.f32 [tilespmem:s12], [sflag:$0x1], $0x1, s19, s14, $0xb8;
	[tilespmem:$0x4300] =	vst v63  }
0x167: {  	s20 =	sadd.s32 $0x80, s19  }
0x168: {  	[spmem:s2] =	stream.indirect.scatter.add.f32 [tilespmem:s12], [sflag:$0x1], $0x1, s20, s14, $0xb8;
	[tilespmem:$0x4300] =	vst v63  }
0x169: {  	s30 =	sadd.s32 $0x100, s19  }
0x16a: {  	[spmem:s2] =	stream.indirect.scatter.add.f32 [tilespmem:s12], [sflag:$0x1], $0x1, s30, s14, $0xb8;
	[tilespmem:$0x4300] =	vst v63  }
0x16b: {  	s31 =	sadd.s32 $0x180, s19  }
0x16c: {  	[spmem:s2] =	stream.indirect.scatter.add.f32 [tilespmem:s12], [sflag:$0x1], $0x1, s31, s14, $0xb8;
	[tilespmem:$0x4300] =	vst v63  }
0x16d: {  	s21 =	sadd.s32 $0x200, s19  }
0x16e: {  	[spmem:s2] =	stream.indirect.scatter.add.f32 [tilespmem:s12], [sflag:$0x1], $0x1, s21, s14, $0xb8;
	[tilespmem:$0x4300] =	vst v63  }
0x16f: {  	s22 =	sadd.s32 $0x280, s19  }
0x170: {  	[spmem:s2] =	stream.indirect.scatter.add.f32 [tilespmem:s12], [sflag:$0x1], $0x1, s22, s14, $0xb8;
	[tilespmem:$0x4300] =	vst v63  }
0x171: {  	s23 =	sadd.s32 $0x300, s19  }
0x172: {  	[spmem:s2] =	stream.indirect.scatter.add.f32 [tilespmem:s12], [sflag:$0x1], $0x1, s23, s14, $0xb8;
	[tilespmem:$0x4300] =	vst v63  }
0x173: {  	s24 =	sadd.s32 $0x380, s19  }
0x174: {  	[spmem:s2] =	stream.indirect.scatter.add.f32 [tilespmem:s12], [sflag:$0x1], $0x1, s24, s14, $0xb8;
	[tilespmem:$0x4300] =	vst v63  }
0x175: {  	s25 =	sadd.s32 $0x400, s19  }
0x176: {  	[spmem:s2] =	stream.indirect.scatter.add.f32 [tilespmem:s12], [sflag:$0x1], $0x1, s25, s14, $0xb8;
	[tilespmem:$0x4300] =	vst v63  }
0x177: {  	s26 =	sadd.s32 $0x480, s19  }
0x178: {  	[spmem:s2] =	stream.indirect.scatter.add.f32 [tilespmem:s12], [sflag:$0x1], $0x1, s26, s14, $0xb8;
	[tilespmem:$0x4300] =	vst v63  }
0x179: {  	s28 =	sadd.s32 $0x500, s19  }
0x17a: {  	[spmem:s2] =	stream.indirect.scatter.add.f32 [tilespmem:s12], [sflag:$0x1], $0x1, s28, s14, $0xb8;
	[tilespmem:$0x4300] =	vst v63  }
0x17b: {  	s29 =	sadd.s32 $0x580, s19  }
0x17c: {  	[spmem:s2] =	stream.indirect.scatter.add.f32 [tilespmem:s12], [sflag:$0x1], $0x1, s29, s14, $0xb8;
	[tilespmem:$0x4300] =	vst v63  }
0x17d: {  	s30 =	sadd.s32 $0x600, s19  }
0x17e: {  	[spmem:s2] =	stream.indirect.scatter.add.f32 [tilespmem:s12], [sflag:$0x1], $0x1, s30, s14, $0xb8;
	[tilespmem:$0x4300] =	vst v63  }
0x17f: {  	s31 =	sadd.s32 $0x680, s19  }
0x180: {  	[spmem:s2] =	stream.indirect.scatter.add.f32 [tilespmem:s12], [sflag:$0x1], $0x1, s31, s14, $0xb8;
	[tilespmem:$0x4300] =	vst v63  }
0x181: {  	s21 =	sadd.s32 $0x700, s19  }
0x182: {  	[spmem:s2] =	stream.indirect.scatter.add.f32 [tilespmem:s12], [sflag:$0x1], $0x1, s21, s14, $0xb8;
	[tilespmem:$0x4300] =	vst v63  }
0x183: {  	s22 =	sadd.s32 $0x780, s19  }
0x184: {  	[spmem:s2] =	stream.indirect.scatter.add.f32 [tilespmem:s12], [sflag:$0x1], $0x1, s22, s14, $0xb8;
	[tilespmem:$0x4300] =	vst v63  }
0x185: {  	s23 =	sadd.s32 $0x800, s19  }
0x186: {  	[spmem:s2] =	stream.indirect.scatter.add.f32 [tilespmem:s12], [sflag:$0x1], $0x1, s23, s14, $0xb8;
	[tilespmem:$0x4300] =	vst v63  }
0x187: {  	s24 =	sadd.s32 $0x880, s19  }
0x188: {  	[spmem:s2] =	stream.indirect.scatter.add.f32 [tilespmem:s12], [sflag:$0x1], $0x1, s24, s14, $0xb8;
	[tilespmem:$0x4300] =	vst v63  }
0x189: {  	s25 =	sadd.s32 $0x900, s19  }
0x18a: {  	[spmem:s2] =	stream.indirect.scatter.add.f32 [tilespmem:s12], [sflag:$0x1], $0x1, s25, s14, $0xb8;
	[tilespmem:$0x4300] =	vst v63  }
0x18b: {  	s26 =	sadd.s32 $0x980, s19  }
0x18c: {  	[spmem:s2] =	stream.indirect.scatter.add.f32 [tilespmem:s12], [sflag:$0x1], $0x1, s26, s14, $0xb8;
	[tilespmem:$0x4300] =	vst v63  }
0x18d: {  	s28 =	sadd.s32 $0xA00, s19  }
0x18e: {  	[spmem:s2] =	stream.indirect.scatter.add.f32 [tilespmem:s12], [sflag:$0x1], $0x1, s28, s14, $0xb8;
	[tilespmem:$0x4300] =	vst v63  }
0x18f: {  	s29 =	sadd.s32 $0xA80, s19  }
0x190: {  	[spmem:s2] =	stream.indirect.scatter.add.f32 [tilespmem:s12], [sflag:$0x1], $0x1, s29, s14, $0xb8;
	[tilespmem:$0x4300] =	vst v63  }
0x191: {  	s30 =	sadd.s32 $0xB00, s19  }
0x192: {  	[spmem:s2] =	stream.indirect.scatter.add.f32 [tilespmem:s12], [sflag:$0x1], $0x1, s30, s14, $0xb8;
	[tilespmem:$0x4300] =	vst v63  }
0x193: {  	s31 =	sadd.s32 $0xB80, s19  }
0x194: {  	[spmem:s2] =	stream.indirect.scatter.add.f32 [tilespmem:s12], [sflag:$0x1], $0x1, s31, s14, $0xb8;
	[tilespmem:$0x4300] =	vst v63  }
0x195: {  	s19 =	sadd.s32 $0xC00, s19  }
0x196: {  	[spmem:s2] =	stream.indirect.scatter.add.f32 [tilespmem:s12], [sflag:$0x1], $0x1, s19, s14, $0xb8;
	[tilespmem:$0x4300] =	vst v63  }
0x197: {  	_ =	swait.ge [sflag:s15], $0x50  }
0x198: {  	[sflag:s15] =	ssyncset.done $0x0  }
0x199: {  	[sflag:s15] =	ssyncadd.s32 $0xFFFFFFB0  }
0x19a: {  	_ =	swait.ge [sflag:s15], $0x50  }
0x19b: {  	[sflag:s15] =	ssyncset.done $0x0  }
0x19c: {  	[sflag:s15] =	ssyncadd.s32 $0xFFFFFFB0  }
0x19d: {  	_ =	swait.ge [sflag:s15], $0x50  }
0x19e: {  	[sflag:s15] =	ssyncset.done $0x0  }
0x19f: {  	[sflag:s15] =	ssyncadd.s32 $0xFFFFFFB0  }
0x1a0: {  	_ =	swait.ge [sflag:s15], $0x50  }
0x1a1: {  	[sflag:s15] =	ssyncset.done $0x0  }
0x1a2: {  	[sflag:s15] =	ssyncadd.s32 $0xFFFFFFB0  }
0x1a3: {  	_ =	swait.ge [sflag:s15], $0x50  }
0x1a4: {  	[sflag:s15] =	ssyncset.done $0x0  }
0x1a5: {  	[sflag:s15] =	ssyncadd.s32 $0xFFFFFFB0  }
0x1a6: {  	_ =	swait.ge [sflag:s15], $0x50  }
0x1a7: {  	[sflag:s15] =	ssyncset.done $0x0  }
0x1a8: {  	[sflag:s15] =	ssyncadd.s32 $0xFFFFFFB0  }
0x1a9: {  	_ =	swait.ge [sflag:s15], $0x50  }
0x1aa: {  	[sflag:s15] =	ssyncset.done $0x0  }
0x1ab: {  	[sflag:s15] =	ssyncadd.s32 $0xFFFFFFB0  }
0x1ac: {  	_ =	swait.ge [sflag:s15], $0x50  }
0x1ad: {  	[sflag:s15] =	ssyncset.done $0x0  }
0x1ae: {  	[sflag:s15] =	ssyncadd.s32 $0xFFFFFFB0  }
0x1af: {  	_ =	swait.ge [sflag:s15], $0x50  }
0x1b0: {  	[sflag:s15] =	ssyncset.done $0x0  }
0x1b1: {  	[sflag:s15] =	ssyncadd.s32 $0xFFFFFFB0  }
0x1b2: {  	_ =	swait.ge [sflag:s15], $0x50  }
0x1b3: {  	[sflag:s15] =	ssyncset.done $0x0  }
0x1b4: {  	[sflag:s15] =	ssyncadd.s32 $0xFFFFFFB0  }
0x1b5: {  	_ =	swait.ge [sflag:s15], $0x50  }
0x1b6: {  	[sflag:s15] =	ssyncset.done $0x0  }
0x1b7: {  	[sflag:s15] =	ssyncadd.s32 $0xFFFFFFB0  }
0x1b8: {  	_ =	swait.ge [sflag:s15], $0x50  }
0x1b9: {  	[sflag:s15] =	ssyncset.done $0x0  }
0x1ba: {  	[sflag:s15] =	ssyncadd.s32 $0xFFFFFFB0  }
0x1bb: {  	_ =	swait.ge [sflag:s15], $0x50  }
0x1bc: {  	[sflag:s15] =	ssyncset.done $0x0  }
0x1bd: {  	[sflag:s15] =	ssyncadd.s32 $0xFFFFFFB0  }
0x1be: {  	_ =	swait.ge [sflag:s15], $0x50  }
0x1bf: {  	[sflag:s15] =	ssyncset.done $0x0  }
0x1c0: {  	[sflag:s15] =	ssyncadd.s32 $0xFFFFFFB0  }
0x1c1: {  	_ =	swait.ge [sflag:s15], $0x50  }
0x1c2: {  	[sflag:s15] =	ssyncset.done $0x0  }
0x1c3: {  	[sflag:s15] =	ssyncadd.s32 $0xFFFFFFB0  }
0x1c4: {  	_ =	swait.ge [sflag:s15], $0x50  }
0x1c5: {  	[sflag:s15] =	ssyncset.done $0x0  }
0x1c6: {  	[sflag:s15] =	ssyncadd.s32 $0xFFFFFFB0  }
0x1c7: {  	_ =	swait.ge [sflag:s15], $0x50  }
0x1c8: {  	[sflag:s15] =	ssyncset.done $0x0  }
0x1c9: {  	[sflag:s15] =	ssyncadd.s32 $0xFFFFFFB0  }
0x1ca: {  	_ =	swait.ge [sflag:s15], $0x50  }
0x1cb: {  	[sflag:s15] =	ssyncset.done $0x0  }
0x1cc: {  	[sflag:s15] =	ssyncadd.s32 $0xFFFFFFB0  }
0x1cd: {  	_ =	swait.ge [sflag:s15], $0x50  }
0x1ce: {  	[sflag:s15] =	ssyncset.done $0x0  }
0x1cf: {  	[sflag:s15] =	ssyncadd.s32 $0xFFFFFFB0  }
0x1d0: {  	_ =	swait.ge [sflag:s15], $0x50  }
0x1d1: {  	[sflag:s15] =	ssyncset.done $0x0  }
0x1d2: {  	[sflag:s15] =	ssyncadd.s32 $0xFFFFFFB0  }
0x1d3: {  	_ =	swait.ge [sflag:s15], $0x50  }
0x1d4: {  	[sflag:s15] =	ssyncset.done $0x0  }
0x1d5: {  	[sflag:s15] =	ssyncadd.s32 $0xFFFFFFB0  }
0x1d6: {  	_ =	swait.ge [sflag:s15], $0x50  }
0x1d7: {  	[sflag:s15] =	ssyncset.done $0x0  }
0x1d8: {  	[sflag:s15] =	ssyncadd.s32 $0xFFFFFFB0  }
0x1d9: {  	_ =	swait.ge [sflag:s15], $0x50  }
0x1da: {  	[sflag:s15] =	ssyncset.done $0x0  }
0x1db: {  	[sflag:s15] =	ssyncadd.s32 $0xFFFFFFB0  }
0x1dc: {  	_ =	swait.ge [sflag:s15], $0x50  }
0x1dd: {  	[sflag:s15] =	ssyncset.done $0x0  }
0x1de: {  	[sflag:s15] =	ssyncadd.s32 $0xFFFFFFB0  }
0x1df: {  	_ =	swait.ge [sflag:s15], $0x50  }
0x1e0: {  	s18 =	sadd.s32 $0x1, s18;
	[sflag:s15] =	ssyncset.done $0x0  }
0x1e1: {  	p0 =	sne.s32 s18, s8;
	[sflag:s15] =	ssyncadd.s32 $0xFFFFFFB0  }
.Ltmp3:
0x1e2: {  	[bflag:$0x0] =	sbarrier.arrive $0xFFFF;
	(pc) =	sbr.rel @p0 .LBB2_1-.Ltmp3, $4  }
0x1e3: {  	[hbm:s7@s16], [sflag:s6] =	dma.strided [spmem:s10@s17], $0x50, s15, $0x10   }
0x1e4: {  	_ =	swait.ge [sflag:s11], $0x50  }
0x1e5: {  	[sflag:s11] =	ssyncset.done $0x0  }
0x1e6: {  	[sflag:s11] =	ssyncadd.s32 $0xFFFFFFB0  }
0x1e7: {  	_ =	sfence.sel $0x180000  }
0x1e8: {  	[bflag:$0x0] =	sbarrier.arrive $0xFFFF  }
0x1e9: {  	p0 =	sne.s32 s0, $0x0;
	_ =	strace $0x90000047  }
0x1ea: {  	s0 =	sadd.s32 @!p0 $0x100000, s1;
	[bflag:$0x2] =	sbarrier.arrive $0xFFFF  }
0x1eb: {  	[sflag:s0] =	ssyncadd.tile.s32 @!p0 $0x1;
	_ =	shalt  }
.Lfunc_end2:
_tile_overlayer_lowered:
.L_overlay_start_2:
0x1ec: {  	(tag) =	ssettag $0x2  }
0x1ed: {  	s0 =	rddreg [dreg:$0x0];
	s2 =	stileid.u32  }
0x1ee: {  	s1 =	rddreg [dreg:$0x1];
	p0 =	sne.s32 s2, $0x0  }
0x1ef: {  	s3 =	rddreg [dreg:$0x2];
	[bflag:$0x3] =	sbarrier.arrive $0xFFFF;
	s2 =	simm.s32 @!p0 $0x1C03  }
0x1f0: {  	[timem:s3], [sflag:s2] =	dma.local @!p0 [hbm:s0], s1  }
0x1f1: {  	s0 =	simm.s32 @!p0 $0x3  }
0x1f2: {  	_ =	swait.ge @!p0 [sflag:s0], s1  }
0x1f3: {  	s1 =	ssub.s32 @!p0 $0x0, s1;
	[sflag:s0] =	ssyncset.done @!p0 $0x0  }
0x1f4: {  	[sflag:s0] =	ssyncadd.s32 @!p0 s1  }
0x1f5: {  	[bflag:$0x3] =	sbarrier.arrive $0xFFFF  }
0x1f6: {  	_ =	shalt  }

// kernel: kernel.14.cloned.1.call-start
scs
__scs_entry_jumppad:
0x0: {  	(pc) =	sbr.rel $0x88, $3  }
0x1: {  	(tag) =	ssettag $0x0;
	lr =	simm.s32 $0x1  }
0x2: {  	[smem:$0x3F8F] =	sst lr;
	_ =	strace $0xD0000000  }
0x3: {  	_ = 	snop  }
0x4: {  	_ = 	snop  }
0x5: {  	_ = 	snop  }
0x6: {  	_ = 	snop  }
0x7: {  	_ = 	snop  }
__scs_overlays_trampoline_lowered:
0x8: {  	[smem:$0x3F9E] =	sst s0  }
0x9: {  	[smem:$0x3F9F] =	sst s1  }
0xa: {  	[smem:$0x3FA0] =	sst s2  }
0xb: {  	[smem:$0x3FA1] =	sst s3  }
0xc: {  	[smem:$0x3FA2] =	sst s4  }
0xd: {  	[smem:$0x3FA3] =	sst s5  }
0xe: {  	[smem:$0x3FA4] =	sst s6  }
0xf: {  	[smem:$0x3FA5] =	sst s7  }
0x10: {  	[smem:$0x3FA6] =	sst s8  }
0x11: {  	[smem:$0x3FA7] =	sst s9;
	s0 =	simm.s32 @!p0 $0x0  }
0x12: {  	s1 =	sld [smem:$0x3F8D];
	s0 =	simm.s32 @p0 $0x1  }
0x13: {  	[smem:$0x3FA8] =	sst s0;
	s0 =	simm.s32 @!p1 $0x0  }
0x14: {  	s2 =	sld [smem:$0x3F8C];
	s0 =	simm.s32 @p1 $0x1  }
0x15: {  	[smem:$0x3FA9] =	sst s0;
	s0 =	simm.s32 @!p2 $0x0  }
0x16: {  	s3 =	sld [smem:$0x3FDB];
	s0 =	simm.s32 @p2 $0x1  }
0x17: {  	s4 =	simm.s32 $0x1BF5;
	[smem:$0x3FAB] =	sst s0  }
0x18: {  	s0 =	sld [smem:$0x3F8E];
	_ =	swait.ge [sflag:s4], $0x0  }
0x19: {  	s7 =	sld [smem:$0x3F8F]  }
0x1a: {  	s8 =	sadd.s32 $0xFFFFE003, lr  }
0x1b: {  	s9 =	sadd.s32 $0xFFFFFEF7, lr;
	s5 =	simm.s32 $0xFFFFFFFF;
	p2 =	slt.u32 s8, $0xFFFFF086  }
0x1c: {  	p1 =	slt.u32 s9, $0xF7A;
	s5 =	simm.s32 @!p2 $0x0  }
0x1d: {  	s5 =	simm.s32 @p1 $0x1;
	p0 =	seq.s32 s7, s2  }
0x1e: {  	s7 =	smul.u32 @!p0 $0xF7A, s2;
	p2 =	seq.s32 @!p0 s5, $0x0  }
0x1f: {  	s9 =	smul.u32 $0xF7A, s1;
	s8 =	simm.s32 @!p0 $0x1BF5;
	p2 =	por !p2, p0  }
0x20: {  	[sflag:s8] =	ssyncset.s32 @!p0 $0xFFFFF086;
	s6 =	sadd.s32 @!p0 s3, s7;
	s7 =	simm.s32 @!p0 $0x108  }
0x21: {  	s3 =	sadd.s32 s3, s9;
	s6 =	sadd.s32 @!p0 $0x88, s6;
	s7 =	simm.s32 @p2 $0x1082  }
0x22: {  	[simem:s7], [sflag:s8] =	dma.local @!p0 [hbm:s6], $0xF7A  }
0x23: {  	s9 =	sor.u32 $0xD0000000, s2;
	s6 =	simm.s32 $0x108;
	_ =	swait.ge @!p0 [sflag:s8], $0x0  }
0x24: {  	s3 =	sadd.s32 $0x88, s3;
	s6 =	simm.s32 @!p1 $0x1082;
	[sflag:s4] =	ssyncset.s32 $0xFFFFF086  }
0x25: {  	[simem:s6], [sflag:s4] =	dma.local [hbm:s3], $0xF7A  }
0x26: {  	[smem:$0x3F8F] =	sst s1;
	(tag) =	ssettag s2;
	_ =	strace s9  }
0x27: {  	s1 =	sld [smem:$0x3F9F]  }
0x28: {  	s2 =	sld [smem:$0x3FA0]  }
0x29: {  	s4 =	sld [smem:$0x3FA2]  }
0x2a: {  	p0 =	seq.s32 s5, $0x0;
	s5 =	sld [smem:$0x3FA3]  }
0x2b: {  	s6 =	sld [smem:$0x3FA4]  }
0x2c: {  	s7 =	sld [smem:$0x3FA5]  }
0x2d: {  	s3 =	simm.s32 $0x108;
	s8 =	sld [smem:$0x3FA6]  }
0x2e: {  	s3 =	simm.s32 @!p0 $0x1082;
	s9 =	sld [smem:$0x3FA7]  }
0x2f: {  	lr =	sadd.s32 s0, s3;
	s0 =	sld [smem:$0x3F9E]  }
0x30: {  	s3 =	sld [smem:$0x3FA1]  }
0x31: {  	[smem:$0x3FAA] =	sst s10  }
0x32: {  	s10 =	sld [smem:$0x3FA8];
	_ =	sdelay $0x3  }
0x33: {  	p0 =	seq.s32 s10, $0x1;
	s10 =	sld [smem:$0x3FAA];
	_ =	sdelay $0x3  }
0x34: {  	[smem:$0x3FAA] =	sst s10  }
0x35: {  	s10 =	sld [smem:$0x3FA9];
	_ =	sdelay $0x3  }
0x36: {  	p1 =	seq.s32 s10, $0x1;
	s10 =	sld [smem:$0x3FAA];
	_ =	sdelay $0x3  }
0x37: {  	[smem:$0x3FAA] =	sst s10  }
0x38: {  	s10 =	sld [smem:$0x3FAB]  }
0x39: {  	_ = 	snop;
	(pc) =	sbr.ind lr, $3  }
0x3a: {  	_ = 	snop  }
0x3b: {  	_ = 	snop  }
0x3c: {  	p2 =	seq.s32 s10, $0x1;
	s10 =	sld [smem:$0x3FAA]  }
0x3d: {  	_ =	shalt  }
0x3e: {  	_ =	shalt  }
0x3f: {  	_ =	shalt  }
0x40: {  	_ =	shalt  }
0x41: {  	_ =	shalt  }
0x42: {  	_ =	shalt  }
0x43: {  	_ =	shalt  }
0x44: {  	_ =	shalt  }
0x45: {  	_ =	shalt  }
0x46: {  	_ =	shalt  }
0x47: {  	_ =	shalt  }
0x48: {  	_ =	shalt  }
0x49: {  	_ =	shalt  }
0x4a: {  	_ =	shalt  }
0x4b: {  	_ =	shalt  }
0x4c: {  	_ =	shalt  }
0x4d: {  	_ =	shalt  }
0x4e: {  	_ =	shalt  }
0x4f: {  	_ =	shalt  }
0x50: {  	_ =	shalt  }
0x51: {  	_ =	shalt  }
0x52: {  	_ =	shalt  }
0x53: {  	_ =	shalt  }
0x54: {  	_ =	shalt  }
0x55: {  	_ =	shalt  }
0x56: {  	_ =	shalt  }
0x57: {  	_ =	shalt  }
0x58: {  	_ =	shalt  }
0x59: {  	_ =	shalt  }
0x5a: {  	_ =	shalt  }
0x5b: {  	_ =	shalt  }
0x5c: {  	_ =	shalt  }
0x5d: {  	_ =	shalt  }
0x5e: {  	_ =	shalt  }
0x5f: {  	_ =	shalt  }
0x60: {  	_ =	shalt  }
0x61: {  	_ =	shalt  }
0x62: {  	_ =	shalt  }
0x63: {  	_ =	shalt  }
0x64: {  	_ =	shalt  }
0x65: {  	_ =	shalt  }
0x66: {  	_ =	shalt  }
0x67: {  	_ =	shalt  }
0x68: {  	_ =	shalt  }
0x69: {  	_ =	shalt  }
0x6a: {  	_ =	shalt  }
0x6b: {  	_ =	shalt  }
0x6c: {  	_ =	shalt  }
0x6d: {  	_ =	shalt  }
0x6e: {  	_ =	shalt  }
0x6f: {  	_ =	shalt  }
0x70: {  	_ =	shalt  }
0x71: {  	_ =	shalt  }
0x72: {  	_ =	shalt  }
0x73: {  	_ =	shalt  }
0x74: {  	_ =	shalt  }
0x75: {  	_ =	shalt  }
0x76: {  	_ =	shalt  }
0x77: {  	_ =	shalt  }
0x78: {  	_ =	shalt  }
0x79: {  	_ =	shalt  }
0x7a: {  	_ =	shalt  }
0x7b: {  	_ =	shalt  }
0x7c: {  	_ =	shalt  }
0x7d: {  	_ =	shalt  }
0x7e: {  	_ =	shalt  }
0x7f: {  	_ =	shalt  }
0x80: {  	_ =	shalt  }
0x81: {  	_ =	shalt  }
0x82: {  	_ =	shalt  }
0x83: {  	_ =	shalt  }
0x84: {  	_ =	shalt  }
0x85: {  	_ =	shalt  }
0x86: {  	_ =	shalt  }
0x87: {  	_ =	shalt  }
.Lfunc_end0:
.L_simem_size_0:
called_computation.1_lowered:
.L_overlay_start_0:
0x88: {  	s2 =	sld [smem:$0x3FD9]  }
0x89: {  	s3 =	sld [smem:$0x3FFE];
	_ =	sdelay $0x1  }
0x8a: {  	s1 =	srdreg.scid  }
0x8b: {  	s0 =	sand.u32 $0x1, s1  }
0x8c: {  	s17 =	sshll.u32 s0, $0xA;
	s2 =	sadd.s32 s3, s2  }
0x8d: {  	s2 =	sadd.s32 s2, s17  }
0x8e: {  	[smem:$0x3FB6] =	sst s2  }
0x8f: {  	_ = 	snop  }
0x90: {  	s2 =	sld [smem:$0x3FD0];
	(tm) =	ssettm $0x1  }
0x91: {  	s18 =	sld [smem:$0x3FFB];
	_ =	sdelay $0x3  }
0x92: {  	_ =	strace s18  }
0x93: {  	s3 =	sld [smem:$0x3FFC];
	_ =	sdelay $0x3  }
0x94: {  	_ =	strace s3  }
0x95: {  	s3 =	sld [smem:$0x3FFD];
	_ =	sdelay $0x3  }
0x96: {  	_ =	strace s3  }
0x97: {  	_ =	strace $0x8FFFFFFF  }
0x98: {  	s19 =	sld [smem:$0x3FDB];
	_ =	sdelay $0x1  }
0x99: {  	s4 =	simm.s32 $_scs_section_size  }
0x9a: {  	s5 =	simm.s32 $_size__tile_overlayer_lowered;
	s6 =	simm.s32 $_tile_overlayer_lowered  }
0x9b: {  	s22 =	simm.s32 $0x1BFF;
	s21 =	sshll.u32 s6, $0x1;
	s3 =	sadd.s32 s4, s19  }
0x9c: {  	s7 =	simm.s32 $0x0;
	s20 =	sshll.u32 s5, $0x1;
	s5 =	sadd.s32 s21, s3  }
0x9d: {  	[timem:s7], [sflag:s22] =	dma.local [hbm:s5], s20  }
0x9e: {  	_ =	swait.ge [sflag:s22], s20  }
0x9f: {  	s4 =	ssub.s32 $0x0, s20;
	[sflag:s22] =	ssyncset.done $0x0  }
0xa0: {  	[sflag:s22] =	ssyncadd.s32 s4;
	_ =	sdelay $0x1  }
0xa1: {  	s23 =	simm.s32 $0x1B8B  }
0xa2: {  	_ =	swait.ge [sflag:s23], $0x1  }
0xa3: {  	[sflag:s23] =	ssyncset.done $0x0  }
0xa4: {  	s25 =	simm.s32 $0x1B8E;
	s24 =	sld [smem:$0x3FFE];
	[sflag:s23] =	ssyncadd.s32 $0xFFFFFFFF  }
0xa5: {  	s26 =	simm.s32 $execute0_lowered;
	[smem:$0x3FD2] =	sst s25  }
0xa6: {  	s5 =	sshll.u32 s26, $0x1;
	_ =	strace $0x80000049;
	[dreg:$0x1] =	wrdreg $0xFFFFFFFF  }
0xa7: {  	s28 =	simm.s32 $_size_execute0_lowered;
	s3 =	sadd.s32 s3, s5;
	[dreg:$0x0] =	wrdreg $0x0  }
0xa8: {  	s5 =	sshll.u32 s28, $0x1;
	[dreg:$0x2] =	wrdreg s3  }
0xa9: {  	[dreg:$0x3] =	wrdreg s5  }
0xaa: {  	[dreg:$0x4] =	wrdreg $0xC0  }
0xab: {  	_ =	task [dreg:s7], $0x5FFFF  }
0xac: {  	[dreg:$0x1] =	wrdreg $0xFFFFFFFF  }
0xad: {  	[dreg:$0x0] =	wrdreg $0x60  }
0xae: {  	[dreg:$0x2] =	wrdreg s2  }
0xaf: {  	[dreg:$0x3] =	wrdreg s24  }
0xb0: {  	[dreg:$0x4] =	wrdreg $0x91000  }
0xb1: {  	[dreg:$0x5] =	wrdreg $0x9  }
0xb2: {  	_ =	task.clear_ibuf [dreg:s7], $0x6FFFF;
	_ =	strace $0x90000049  }
0xb3: {  	s29 =	simm.s32 $0x9;
	_ =	strace $0x8000004B  }
0xb4: {  	_ =	swait.ge [sflag:s29], $0x1  }
0xb5: {  	[sflag:s29] =	ssyncadd.s32 $0xFFFFFFFF  }
0xb6: {  	_ =	strace $0x9000004B  }
0xb7: {  	_ =	sfence  }
0xb8: {  	s30 =	sld [smem:$0x0];
	_ =	sdelay $0x2  }
0xb9: {  	s31 =	sshll.u32 s1, $0xD;
	s1 =	sshrl.u32 s1, $0x2  }
0xba: {  	s3 =	sand.u32 $0x4000, s31;
	s1 =	sadd.s32 s1, s30  }
0xbb: {  	s0 =	sor.u32 s3, s0;
	s1 =	sshll.u32 s1, $0x11  }
0xbc: {  	s0 =	sor.u32 s1, s0  }
0xbd: {  	s0 =	sadd.s32 $0x8F2B, s0  }
0xbe: {  	[sflag:s0] =	ssyncadd.remote.s32 $0x1  }
0xbf: {  	_ =	sfence.sel $0xFFFF  }
0xc0: {  	[dreg:$0x0] =	wrdreg $0xFFFFFFFF;
	(pc) =	sbr.abs _section_cstart, $3  }
0xc1: {  	[dreg:$0x1] =	wrdreg $0xFFFFFFFF  }
0xc2: {  	_ =	task.clear_ibuf [dreg:s7], $0x2FFFF;
	_ =	strace $0x9FFFFFFF  }
0xc3: {  	(tm) =	ssettm $0x7FFFFFFF  }
tec
execute0_lowered:
.L_overlay_start_1:
0x0: {  	(tag) =	ssettag $0x1  }
0x1: {  	s1 =	rddreg [dreg:$0x0]  }
0x2: {  	s0 =	rddreg [dreg:$0x1]  }
0x3: {  	s2 =	srdreg.scid;
	s3 =	rddreg [dreg:$0x2]  }
0x4: {  	s13 =	stileid.u32;
	s4 =	simm.s32 $0x0;
	s15 =	simm.s32 $0x5  }
0x5: {  	s28 =	simm.s32 $0x4;
	s29 =	simm.s32 $0x2;
	s9 =	smul.u32 $0x14000, s13  }
0x6: {  	s30 =	simm.s32 $0x0;
	s2 =	sand.u32 $0x1, s2;
	s12 =	smul.u32 $0x50000, s13  }
0x7: {  	[smem:$0x7FF] =	sst s4;
	s6 =	sadd.s32 $0x1E800, s0;
	s25 =	smul.u32 $0x2710, s13  }
0x8: {  	s24 =	sshll.u32 s13, $0x6;
	s5 =	sshll.u32 s2, $0x4;
	s8 =	smul.u32 $0x140000, s2  }
0x9: {  	_ =	strace $0x8000004A;
	s20 =	ssub.s32 $0x2, s2;
	s2 =	smul.u32 $0x27100, s2  }
0xa: {  	s7 =	sor.u32 s13, s5;
	s11 =	sshrl.u32 s20, $0x1;
	s23 =	sshrl.u32 s12, $0x2  }
0xb: {  	s5 =	sshll.u32 s7, $0xB;
	s8 =	sadd.s32 s9, s8;
	s21 =	ssub.s32 s20, s11  }
0xc: {  	s22 =	smul.u32 $0x2710, s7;
	s14 =	sadd.s32 s23, s3;
	s7 =	sor.u32 $0x1C05, s24  }
0xd: {  	s2 =	sadd.s32 s25, s2;
	s20 =	simm.s32 $0x4000;
	s23 =	simm.s32 $0x4080  }
0xe: {  	s24 =	simm.s32 $0x6900;
	s25 =	simm.s32 $0x3;
	s10 =	sadd.s32 s5, s0  }
0xf: {  	s5 =	sadd.s32 $0x4600, s0;
	s8 =	sshrl.u32 s8, $0x3;
	s16 =	sadd.s32 $0x4000, s14  }
0x10: {  	s17 =	sadd.s32 $0x8000, s14;
	s18 =	sadd.s32 $0xC000, s14;
	s19 =	sadd.s32 $0x10000, s14  }
0x11: {  	s26 =	sadd.s32 $0x50, s2;
	s11 =	smax.u32 s21, $0x1;
	s12 =	sadd.s32 $0xA0, s2  }
0x12: {  	s14 =	sshrl.u32 s14, $0x3;
	s21 =	simm.s32 $0x50;
	s0 =	sadd.s32 s8, s0  }
0x13: {  	s9 =	sshrl.u32 s22, $0x3;
	s10 =	sadd.s32 $0xE800, s10;
	s31 =	sshrl.u32 s26, $0x3  }
0x14: {  	s16 =	sshrl.u32 s16, $0x3;
	s17 =	sshrl.u32 s17, $0x3;
	s18 =	sshrl.u32 s18, $0x3  }
0x15: {  	s19 =	sshrl.u32 s19, $0x3;
	[dreg:$0x4] =	wrdreg s10;
	s9 =	sadd.s32 s5, s9  }
0x16: {  	s22 =	simm.s32 $0x4100;
	s0 =	sadd.s32 $0x1F000, s0;
	[dreg:$0x5] =	wrdreg s9  }
0x17: {  	s26 =	simm.s32 $0x1;
	s13 =	sadd.s32 s31, s5;
	[dreg:$0x6] =	wrdreg s0  }
.LBB2_1:
0x18: {  	[spmem:s14], [sflag:s7] =	dma.local [hbm:s6], $0x800  }
0x19: {  	_ =	swait.ge [sflag:s15], $0x800  }
0x1a: {  	[sflag:s15] =	ssyncset.done $0x0  }
0x1b: {  	[sflag:s15] =	ssyncadd.s32 $0xFFFFF800  }
0x1c: {  	[spmem:s16], [sflag:s7] =	dma.local [hbm:s6], $0x800  }
0x1d: {  	_ =	swait.ge [sflag:s15], $0x800  }
0x1e: {  	[sflag:s15] =	ssyncset.done $0x0  }
0x1f: {  	[sflag:s15] =	ssyncadd.s32 $0xFFFFF800  }
0x20: {  	[spmem:s17], [sflag:s7] =	dma.local [hbm:s6], $0x800  }
0x21: {  	_ =	swait.ge [sflag:s15], $0x800  }
0x22: {  	[sflag:s15] =	ssyncset.done $0x0  }
0x23: {  	[sflag:s15] =	ssyncadd.s32 $0xFFFFF800  }
0x24: {  	[spmem:s18], [sflag:s7] =	dma.local [hbm:s6], $0x800  }
0x25: {  	_ =	swait.ge [sflag:s15], $0x800  }
0x26: {  	[sflag:s15] =	ssyncset.done $0x0  }
0x27: {  	[sflag:s15] =	ssyncadd.s32 $0xFFFFF800  }
0x28: {  	[spmem:s19], [sflag:s7] =	dma.local [hbm:s6], $0x800  }
0x29: {  	_ =	swait.ge [sflag:s15], $0x800  }
0x2a: {  	[sflag:s15] =	ssyncset.done $0x0  }
0x2b: {  	s0 =	rddreg [dreg:$0x4];
	[sflag:s15] =	ssyncadd.s32 $0xFFFFF800  }
0x2c: {  	[tilespmem:s4], [sflag:$0x5] =	stream.linear.gather [hbm4b:s0+s4], $0x3E80, $0x38;
	[tilespmem:$0x1D100] =	vst v63  }
0x2d: {  	_ =	swait.ge [sflag:s15], $0x3E80  }
0x2e: {  	[sflag:s15] =	ssyncset.done $0x0  }
0x2f: {  	[sflag:s15] =	ssyncadd.s32 $0xFFFFC180  }
0x30: {  	[bflag:$0x0] =	sbarrier.arrive $0xFFFF  }
0x31: {  	s10 =	rddreg [dreg:$0x5]  }
0x32: {  	[tilespmem:s20], [sflag:$0x3] =	stream.linear.gather [hbm4b:s10+s4], $0x50, $0x38;
	[tilespmem:$0x1D100] =	vst v63  }
0x33: {  	_ = 	snop  }
0x34: {  	[tilespmem:s22], [sflag:$0x1] =	stream.indirect.gather [hbm4b:s1+s21], $0x80, s4, s21, $0xb8;
	[tilespmem:$0x1D100] =	vst v63  }
0x35: {  	s2 =	sadd.s32 $0x0, s13  }
0x36: {  	[tilespmem:s23], [sflag:$0x4] =	stream.linear.gather [hbm4b:s2+s4], $0x50, $0x38;
	[tilespmem:$0x1D100] =	vst v63  }
0x37: {  	s8 =	simm.s32 $0x80  }
0x38: {  	[tilespmem:s24], [sflag:$0x2] =	stream.indirect.gather [hbm4b:s1+s21], $0x80, s8, s21, $0xb8;
	[tilespmem:$0x1D100] =	vst v63  }
0x39: {  	_ =	swait.ge [sflag:s25], $0x50  }
0x3a: {  	[sflag:s25] =	ssyncset.done $0x0  }
0x3b: {  	[sflag:s25] =	ssyncadd.s32 $0xFFFFFFB0  }
0x3c: {  	_ =	swait.ge [sflag:s26], $0x2800  }
0x3d: {  	[sflag:s26] =	ssyncset.done $0x0  }
0x3e: {  	[sflag:s26] =	ssyncadd.s32 $0xFFFFD800  }
0x3f: {  	[spmem:s3] =	stream.indirect.scatter.add.f32 [tilespmem:s22], [sflag:$0x5], $0x80, s20, s21, $0xb8;
	[tilespmem:$0x1D100] =	vst v63  }
0x40: {  	_ =	swait.ge [sflag:s15], $0x2800  }
0x41: {  	s9 =	sshrl.u32 s12, $0x3;
	[sflag:s15] =	ssyncset.done $0x0  }
0x42: {  	s0 =	sadd.s32 s5, s9;
	[sflag:s15] =	ssyncadd.s32 $0xFFFFD800  }
0x43: {  	[tilespmem:s20], [sflag:$0x3] =	stream.linear.gather [hbm4b:s0+s4], $0x50, $0x38;
	[tilespmem:$0x1D100] =	vst v63  }
0x44: {  	s10 =	simm.s32 $0x100  }
0x45: {  	[tilespmem:s22], [sflag:$0x1] =	stream.indirect.gather [hbm4b:s1+s21], $0x80, s10, s21, $0xb8;
	[tilespmem:$0x1D100] =	vst v63  }
0x46: {  	_ =	swait.ge [sflag:s28], $0x50  }
0x47: {  	[sflag:s28] =	ssyncset.done $0x0  }
0x48: {  	[sflag:s28] =	ssyncadd.s32 $0xFFFFFFB0  }
0x49: {  	_ =	swait.ge [sflag:s29], $0x2800  }
0x4a: {  	[sflag:s29] =	ssyncset.done $0x0  }
0x4b: {  	[sflag:s29] =	ssyncadd.s32 $0xFFFFD800  }
0x4c: {  	[spmem:s3] =	stream.indirect.scatter.add.f32 [tilespmem:s24], [sflag:$0x5], $0x80, s23, s21, $0xb8;
	[tilespmem:$0x1D100] =	vst v63  }
0x4d: {  	s31 =	simm.s32 $0x200;
	s2 =	simm.s32 $0x14;
	_ =	swait.ge [sflag:s15], $0x2800  }
0x4e: {  	s8 =	simm.s32 $0x28;
	s0 =	sadd.s32 $0xA0, s12;
	[sflag:s15] =	ssyncset.done $0x0  }
.LBB2_2:
0x4f: {  	s9 =	sadd.s32 s2, s13  }
0x50: {  	[sflag:s15] =	ssyncadd.s32 $0xFFFFD800;
	s2 =	smov.u32 s8;
	s10 =	sadd.s32 $0x14, s8  }
0x51: {  	[tilespmem:s23], [sflag:$0x4] =	stream.linear.gather [hbm4b:s9+s4], $0x50, $0x38;
	[tilespmem:$0x1D100] =	vst v63  }
0x52: {  	p0 =	sne.s32 s8, $0x4C4;
	s8 =	sadd.s32 $0xFFFFFF80, s31  }
0x53: {  	[tilespmem:s24], [sflag:$0x2] =	stream.indirect.gather [hbm4b:s1+s21], $0x80, s8, s21, $0xb8;
	[tilespmem:$0x1D100] =	vst v63  }
0x54: {  	_ =	swait.ge [sflag:s25], $0x50  }
0x55: {  	[sflag:s25] =	ssyncset.done $0x0  }
0x56: {  	[sflag:s25] =	ssyncadd.s32 $0xFFFFFFB0  }
0x57: {  	_ =	swait.ge [sflag:s26], $0x2800  }
0x58: {  	[sflag:s26] =	ssyncset.done $0x0  }
0x59: {  	[sflag:s26] =	ssyncadd.s32 $0xFFFFD800  }
0x5a: {  	[spmem:s3] =	stream.indirect.scatter.add.f32 [tilespmem:s22], [sflag:$0x5], $0x80, s20, s21, $0xb8;
	[tilespmem:$0x1D100] =	vst v63  }
0x5b: {  	_ =	swait.ge [sflag:s15], $0x2800  }
0x5c: {  	s8 =	sshrl.u32 s0, $0x3;
	[sflag:s15] =	ssyncset.done $0x0  }
0x5d: {  	s8 =	sadd.s32 s5, s8;
	[sflag:s15] =	ssyncadd.s32 $0xFFFFD800  }
0x5e: {  	[tilespmem:s20], [sflag:$0x3] =	stream.linear.gather [hbm4b:s8+s4], $0x50, $0x38;
	[tilespmem:$0x1D100] =	vst v63  }
0x5f: {  	_ = 	snop  }
0x60: {  	[tilespmem:s22], [sflag:$0x1] =	stream.indirect.gather [hbm4b:s1+s21], $0x80, s31, s21, $0xb8;
	[tilespmem:$0x1D100] =	vst v63  }
0x61: {  	_ =	swait.ge [sflag:s28], $0x50  }
0x62: {  	[sflag:s28] =	ssyncset.done $0x0  }
0x63: {  	[sflag:s28] =	ssyncadd.s32 $0xFFFFFFB0  }
0x64: {  	_ =	swait.ge [sflag:s29], $0x2800  }
.Ltmp0:
0x65: {  	[sflag:s29] =	ssyncset.done $0x0;
	(pc) =	sbr.rel @p0 .LBB2_2-.Ltmp0, $4  }
0x66: {  	[sflag:s29] =	ssyncadd.s32 $0xFFFFD800  }
0x67: {  	[spmem:s3] =	stream.indirect.scatter.add.f32 [tilespmem:s24], [sflag:$0x5], $0x80, s23, s21, $0xb8;
	[tilespmem:$0x1D100] =	vst v63  }
0x68: {  	s0 =	sadd.s32 $0xA0, s0;
	_ =	swait.ge [sflag:s15], $0x2800  }
0x69: {  	s8 =	smov.u32 s10;
	s31 =	sadd.s32 $0x100, s31;
	[sflag:s15] =	ssyncset.done $0x0  }
0x6a: {  	s2 =	sadd.s32 s2, s13;
	[sflag:s15] =	ssyncadd.s32 $0xFFFFD800  }
0x6b: {  	[tilespmem:s23], [sflag:$0x4] =	stream.linear.gather [hbm4b:s2+s4], $0x50, $0x38;
	[tilespmem:$0x1D100] =	vst v63  }
0x6c: {  	s10 =	sadd.s32 $0xFFFFFF80, s31  }
0x6d: {  	[tilespmem:s24], [sflag:$0x2] =	stream.indirect.gather [hbm4b:s1+s21], $0x80, s10, s21, $0xb8;
	[tilespmem:$0x1D100] =	vst v63  }
0x6e: {  	_ =	swait.ge [sflag:s25], $0x50  }
0x6f: {  	[sflag:s25] =	ssyncset.done $0x0  }
0x70: {  	[sflag:s25] =	ssyncadd.s32 $0xFFFFFFB0  }
0x71: {  	_ =	swait.ge [sflag:s26], $0x2800  }
0x72: {  	[sflag:s26] =	ssyncset.done $0x0  }
0x73: {  	[sflag:s26] =	ssyncadd.s32 $0xFFFFD800  }
0x74: {  	[spmem:s3] =	stream.indirect.scatter.add.f32 [tilespmem:s22], [sflag:$0x5], $0x80, s20, s21, $0xb8;
	[tilespmem:$0x1D100] =	vst v63  }
0x75: {  	_ =	swait.ge [sflag:s15], $0x2800  }
0x76: {  	s0 =	sshrl.u32 s0, $0x3;
	[sflag:s15] =	ssyncset.done $0x0  }
0x77: {  	s0 =	sadd.s32 s5, s0;
	[sflag:s15] =	ssyncadd.s32 $0xFFFFD800  }
0x78: {  	[tilespmem:s20], [sflag:$0x3] =	stream.linear.gather [hbm4b:s0+s4], $0x50, $0x38;
	[tilespmem:$0x1D100] =	vst v63  }
0x79: {  	_ = 	snop  }
0x7a: {  	[tilespmem:s22], [sflag:$0x1] =	stream.indirect.gather [hbm4b:s1+s21], $0x80, s31, s21, $0xb8;
	[tilespmem:$0x1D100] =	vst v63  }
0x7b: {  	_ =	swait.ge [sflag:s28], $0x50  }
0x7c: {  	[sflag:s28] =	ssyncset.done $0x0  }
0x7d: {  	[sflag:s28] =	ssyncadd.s32 $0xFFFFFFB0  }
0x7e: {  	_ =	swait.ge [sflag:s29], $0x2800  }
0x7f: {  	[sflag:s29] =	ssyncset.done $0x0  }
0x80: {  	[sflag:s29] =	ssyncadd.s32 $0xFFFFD800  }
0x81: {  	[spmem:s3] =	stream.indirect.scatter.add.f32 [tilespmem:s24], [sflag:$0x5], $0x80, s23, s21, $0xb8;
	[tilespmem:$0x1D100] =	vst v63  }
0x82: {  	_ =	swait.ge [sflag:s15], $0x2800  }
0x83: {  	[sflag:s15] =	ssyncset.done $0x0  }
0x84: {  	[sflag:s15] =	ssyncadd.s32 $0xFFFFD800  }
0x85: {  	_ =	swait.ge [sflag:s25], $0x50  }
0x86: {  	[sflag:s25] =	ssyncset.done $0x0  }
0x87: {  	[sflag:s25] =	ssyncadd.s32 $0xFFFFFFB0  }
0x88: {  	_ =	swait.ge [sflag:s26], $0x2800  }
0x89: {  	[sflag:s26] =	ssyncset.done $0x0  }
0x8a: {  	[sflag:s26] =	ssyncadd.s32 $0xFFFFD800  }
0x8b: {  	[spmem:s3] =	stream.indirect.scatter.add.f32 [tilespmem:s22], [sflag:$0x5], $0x80, s20, s21, $0xb8;
	[tilespmem:$0x1D100] =	vst v63  }
0x8c: {  	_ =	swait.ge [sflag:s15], $0x2800  }
0x8d: {  	[sflag:s15] =	ssyncset.done $0x0  }
0x8e: {  	s30 =	sadd.s32 $0x1, s30;
	[sflag:s15] =	ssyncadd.s32 $0xFFFFD800  }
0x8f: {  	p0 =	sne.s32 s30, s11;
	[bflag:$0x0] =	sbarrier.arrive $0xFFFF  }
.Ltmp1:
0x90: {  	s31 =	rddreg [dreg:$0x6];
	(pc) =	sbr.rel @p0 .LBB2_1-.Ltmp1, $4  }
0x91: {  	[hbm:s31], [sflag:s7] =	dma.local [spmem:s14], $0x2800  }
0x92: {  	_ =	swait.ge [sflag:s15], $0x2800  }
0x93: {  	[sflag:s15] =	ssyncset.done $0x0  }
0x94: {  	[sflag:s15] =	ssyncadd.s32 $0xFFFFD800  }
0x95: {  	_ =	sfence.sel $0x180000  }
0x96: {  	[bflag:$0x0] =	sbarrier.arrive $0xFFFF  }
0x97: {  	_ =	strace $0x9000004A  }
0x98: {  	s0 =	stileid.u32;
	[bflag:$0x2] =	sbarrier.arrive $0xFFFF  }
0x99: {  	p0 =	sne.s32 s0, $0x0;
	s0 =	rddreg [dreg:$0x3]  }
0x9a: {  	s0 =	sadd.s32 @!p0 $0x100000, s0  }
0x9b: {  	[sflag:s0] =	ssyncadd.tile.s32 @!p0 $0x1;
	_ =	shalt  }
.Lfunc_end2:
_tile_overlayer_lowered:
.L_overlay_start_2:
0x9c: {  	(tag) =	ssettag $0x2  }
0x9d: {  	s0 =	rddreg [dreg:$0x0];
	s2 =	stileid.u32  }
0x9e: {  	s1 =	rddreg [dreg:$0x1];
	p0 =	sne.s32 s2, $0x0  }
0x9f: {  	s3 =	rddreg [dreg:$0x2];
	[bflag:$0x3] =	sbarrier.arrive $0xFFFF;
	s2 =	simm.s32 @!p0 $0x1C05  }
0xa0: {  	[timem:s3], [sflag:s2] =	dma.local @!p0 [hbm:s0], s1  }
0xa1: {  	s0 =	simm.s32 @!p0 $0x5  }
0xa2: {  	_ =	swait.ge @!p0 [sflag:s0], s1  }
0xa3: {  	s1 =	ssub.s32 @!p0 $0x0, s1;
	[sflag:s0] =	ssyncset.done @!p0 $0x0  }
0xa4: {  	[sflag:s0] =	ssyncadd.s32 @!p0 s1  }
0xa5: {  	[bflag:$0x3] =	sbarrier.arrive $0xFFFF  }
0xa6: {  	_ =	shalt  }

// kernel: kernel.17.cloned.1.call-start
scs
__scs_entry_jumppad:
0x0: {  	(pc) =	sbr.rel $0x88, $3  }
0x1: {  	(tag) =	ssettag $0x0;
	lr =	simm.s32 $0x1  }
0x2: {  	[smem:$0x3F8F] =	sst lr;
	_ =	strace $0xD0000000  }
0x3: {  	_ = 	snop  }
0x4: {  	_ = 	snop  }
0x5: {  	_ = 	snop  }
0x6: {  	_ = 	snop  }
0x7: {  	_ = 	snop  }
__scs_overlays_trampoline_lowered:
0x8: {  	[smem:$0x3F9E] =	sst s0  }
0x9: {  	[smem:$0x3F9F] =	sst s1  }
0xa: {  	[smem:$0x3FA0] =	sst s2  }
0xb: {  	[smem:$0x3FA1] =	sst s3  }
0xc: {  	[smem:$0x3FA2] =	sst s4  }
0xd: {  	[smem:$0x3FA3] =	sst s5  }
0xe: {  	[smem:$0x3FA4] =	sst s6  }
0xf: {  	[smem:$0x3FA5] =	sst s7  }
0x10: {  	[smem:$0x3FA6] =	sst s8  }
0x11: {  	[smem:$0x3FA7] =	sst s9;
	s0 =	simm.s32 @!p0 $0x0  }
0x12: {  	s1 =	sld [smem:$0x3F8D];
	s0 =	simm.s32 @p0 $0x1  }
0x13: {  	[smem:$0x3FA8] =	sst s0;
	s0 =	simm.s32 @!p1 $0x0  }
0x14: {  	s2 =	sld [smem:$0x3F8C];
	s0 =	simm.s32 @p1 $0x1  }
0x15: {  	[smem:$0x3FA9] =	sst s0;
	s0 =	simm.s32 @!p2 $0x0  }
0x16: {  	s3 =	sld [smem:$0x3FDB];
	s0 =	simm.s32 @p2 $0x1  }
0x17: {  	s4 =	simm.s32 $0x1BF5;
	[smem:$0x3FAB] =	sst s0  }
0x18: {  	s0 =	sld [smem:$0x3F8E];
	_ =	swait.ge [sflag:s4], $0x0  }
0x19: {  	s7 =	sld [smem:$0x3F8F]  }
0x1a: {  	s8 =	sadd.s32 $0xFFFFE003, lr  }
0x1b: {  	s9 =	sadd.s32 $0xFFFFFEF7, lr;
	s5 =	simm.s32 $0xFFFFFFFF;
	p2 =	slt.u32 s8, $0xFFFFF086  }
0x1c: {  	p1 =	slt.u32 s9, $0xF7A;
	s5 =	simm.s32 @!p2 $0x0  }
0x1d: {  	s5 =	simm.s32 @p1 $0x1;
	p0 =	seq.s32 s7, s2  }
0x1e: {  	s7 =	smul.u32 @!p0 $0xF7A, s2;
	p2 =	seq.s32 @!p0 s5, $0x0  }
0x1f: {  	s9 =	smul.u32 $0xF7A, s1;
	s8 =	simm.s32 @!p0 $0x1BF5;
	p2 =	por !p2, p0  }
0x20: {  	[sflag:s8] =	ssyncset.s32 @!p0 $0xFFFFF086;
	s6 =	sadd.s32 @!p0 s3, s7;
	s7 =	simm.s32 @!p0 $0x108  }
0x21: {  	s3 =	sadd.s32 s3, s9;
	s6 =	sadd.s32 @!p0 $0x88, s6;
	s7 =	simm.s32 @p2 $0x1082  }
0x22: {  	[simem:s7], [sflag:s8] =	dma.local @!p0 [hbm:s6], $0xF7A  }
0x23: {  	s9 =	sor.u32 $0xD0000000, s2;
	s6 =	simm.s32 $0x108;
	_ =	swait.ge @!p0 [sflag:s8], $0x0  }
0x24: {  	s3 =	sadd.s32 $0x88, s3;
	s6 =	simm.s32 @!p1 $0x1082;
	[sflag:s4] =	ssyncset.s32 $0xFFFFF086  }
0x25: {  	[simem:s6], [sflag:s4] =	dma.local [hbm:s3], $0xF7A  }
0x26: {  	[smem:$0x3F8F] =	sst s1;
	(tag) =	ssettag s2;
	_ =	strace s9  }
0x27: {  	s1 =	sld [smem:$0x3F9F]  }
0x28: {  	s2 =	sld [smem:$0x3FA0]  }
0x29: {  	s4 =	sld [smem:$0x3FA2]  }
0x2a: {  	p0 =	seq.s32 s5, $0x0;
	s5 =	sld [smem:$0x3FA3]  }
0x2b: {  	s6 =	sld [smem:$0x3FA4]  }
0x2c: {  	s7 =	sld [smem:$0x3FA5]  }
0x2d: {  	s3 =	simm.s32 $0x108;
	s8 =	sld [smem:$0x3FA6]  }
0x2e: {  	s3 =	simm.s32 @!p0 $0x1082;
	s9 =	sld [smem:$0x3FA7]  }
0x2f: {  	lr =	sadd.s32 s0, s3;
	s0 =	sld [smem:$0x3F9E]  }
0x30: {  	s3 =	sld [smem:$0x3FA1]  }
0x31: {  	[smem:$0x3FAA] =	sst s10  }
0x32: {  	s10 =	sld [smem:$0x3FA8];
	_ =	sdelay $0x3  }
0x33: {  	p0 =	seq.s32 s10, $0x1;
	s10 =	sld [smem:$0x3FAA];
	_ =	sdelay $0x3  }
0x34: {  	[smem:$0x3FAA] =	sst s10  }
0x35: {  	s10 =	sld [smem:$0x3FA9];
	_ =	sdelay $0x3  }
0x36: {  	p1 =	seq.s32 s10, $0x1;
	s10 =	sld [smem:$0x3FAA];
	_ =	sdelay $0x3  }
0x37: {  	[smem:$0x3FAA] =	sst s10  }
0x38: {  	s10 =	sld [smem:$0x3FAB]  }
0x39: {  	_ = 	snop;
	(pc) =	sbr.ind lr, $3  }
0x3a: {  	_ = 	snop  }
0x3b: {  	_ = 	snop  }
0x3c: {  	p2 =	seq.s32 s10, $0x1;
	s10 =	sld [smem:$0x3FAA]  }
0x3d: {  	_ =	shalt  }
0x3e: {  	_ =	shalt  }
0x3f: {  	_ =	shalt  }
0x40: {  	_ =	shalt  }
0x41: {  	_ =	shalt  }
0x42: {  	_ =	shalt  }
0x43: {  	_ =	shalt  }
0x44: {  	_ =	shalt  }
0x45: {  	_ =	shalt  }
0x46: {  	_ =	shalt  }
0x47: {  	_ =	shalt  }
0x48: {  	_ =	shalt  }
0x49: {  	_ =	shalt  }
0x4a: {  	_ =	shalt  }
0x4b: {  	_ =	shalt  }
0x4c: {  	_ =	shalt  }
0x4d: {  	_ =	shalt  }
0x4e: {  	_ =	shalt  }
0x4f: {  	_ =	shalt  }
0x50: {  	_ =	shalt  }
0x51: {  	_ =	shalt  }
0x52: {  	_ =	shalt  }
0x53: {  	_ =	shalt  }
0x54: {  	_ =	shalt  }
0x55: {  	_ =	shalt  }
0x56: {  	_ =	shalt  }
0x57: {  	_ =	shalt  }
0x58: {  	_ =	shalt  }
0x59: {  	_ =	shalt  }
0x5a: {  	_ =	shalt  }
0x5b: {  	_ =	shalt  }
0x5c: {  	_ =	shalt  }
0x5d: {  	_ =	shalt  }
0x5e: {  	_ =	shalt  }
0x5f: {  	_ =	shalt  }
0x60: {  	_ =	shalt  }
0x61: {  	_ =	shalt  }
0x62: {  	_ =	shalt  }
0x63: {  	_ =	shalt  }
0x64: {  	_ =	shalt  }
0x65: {  	_ =	shalt  }
0x66: {  	_ =	shalt  }
0x67: {  	_ =	shalt  }
0x68: {  	_ =	shalt  }
0x69: {  	_ =	shalt  }
0x6a: {  	_ =	shalt  }
0x6b: {  	_ =	shalt  }
0x6c: {  	_ =	shalt  }
0x6d: {  	_ =	shalt  }
0x6e: {  	_ =	shalt  }
0x6f: {  	_ =	shalt  }
0x70: {  	_ =	shalt  }
0x71: {  	_ =	shalt  }
0x72: {  	_ =	shalt  }
0x73: {  	_ =	shalt  }
0x74: {  	_ =	shalt  }
0x75: {  	_ =	shalt  }
0x76: {  	_ =	shalt  }
0x77: {  	_ =	shalt  }
0x78: {  	_ =	shalt  }
0x79: {  	_ =	shalt  }
0x7a: {  	_ =	shalt  }
0x7b: {  	_ =	shalt  }
0x7c: {  	_ =	shalt  }
0x7d: {  	_ =	shalt  }
0x7e: {  	_ =	shalt  }
0x7f: {  	_ =	shalt  }
0x80: {  	_ =	shalt  }
0x81: {  	_ =	shalt  }
0x82: {  	_ =	shalt  }
0x83: {  	_ =	shalt  }
0x84: {  	_ =	shalt  }
0x85: {  	_ =	shalt  }
0x86: {  	_ =	shalt  }
0x87: {  	_ =	shalt  }
.Lfunc_end0:
.L_simem_size_0:
called_computation.2_lowered:
.L_overlay_start_0:
0x88: {  	s2 =	sld [smem:$0x3FD9]  }
0x89: {  	s3 =	sld [smem:$0x3FFE];
	_ =	sdelay $0x1  }
0x8a: {  	s1 =	srdreg.scid  }
0x8b: {  	s0 =	sand.u32 $0x1, s1  }
0x8c: {  	s17 =	sshll.u32 s0, $0xA;
	s2 =	sadd.s32 s3, s2  }
0x8d: {  	s2 =	sadd.s32 s2, s17  }
0x8e: {  	[smem:$0x3FB6] =	sst s2  }
0x8f: {  	_ = 	snop  }
0x90: {  	s18 =	sld [smem:$0x3FD0];
	(tm) =	ssettm $0x1  }
0x91: {  	s19 =	sld [smem:$0x3FFB];
	_ =	sdelay $0x3  }
0x92: {  	_ =	strace s19  }
0x93: {  	s2 =	sld [smem:$0x3FFC];
	_ =	sdelay $0x3  }
0x94: {  	_ =	strace s2  }
0x95: {  	s2 =	sld [smem:$0x3FFD];
	_ =	sdelay $0x3  }
0x96: {  	_ =	strace s2  }
0x97: {  	_ =	strace $0x8FFFFFFF  }
0x98: {  	s20 =	sld [smem:$0x3FDB];
	_ =	sdelay $0x1  }
0x99: {  	s4 =	simm.s32 $_scs_section_size  }
0x9a: {  	s5 =	simm.s32 $_size__tile_overlayer_lowered;
	s6 =	simm.s32 $_tile_overlayer_lowered  }
0x9b: {  	s7 =	simm.s32 $0x1BFF;
	s21 =	sshll.u32 s6, $0x1;
	s4 =	sadd.s32 s4, s20  }
0x9c: {  	s22 =	simm.s32 $0x0;
	s5 =	sshll.u32 s5, $0x1;
	s6 =	sadd.s32 s21, s4  }
0x9d: {  	[timem:s22], [sflag:s7] =	dma.local [hbm:s6], s5  }
0x9e: {  	_ =	swait.ge [sflag:s7], s5  }
0x9f: {  	s5 =	ssub.s32 $0x0, s5;
	[sflag:s7] =	ssyncset.done $0x0  }
0xa0: {  	[sflag:s7] =	ssyncadd.s32 s5;
	_ =	sdelay $0x1  }
0xa1: {  	s23 =	simm.s32 $0x1B8B  }
0xa2: {  	_ =	swait.ge [sflag:s23], $0x1  }
0xa3: {  	[sflag:s23] =	ssyncset.done $0x0  }
0xa4: {  	[sflag:s23] =	ssyncadd.s32 $0xFFFFFFFF  }
0xa5: {  	s5 =	sld [smem:$0x0]  }
0xa6: {  	s6 =	sand.u32 $0xFFFFFFFE, s1  }
0xa7: {  	p0 =	sne.s32 s1, s6  }
0xa8: {  	s6 =	sshll.u32 @p0 s6, $0xE  }
0xa9: {  	s6 =	sadd.s32 @p0 $0x11B8D, s6;
	s7 =	sshll.u32 @p0 s5, $0x11  }
0xaa: {  	s6 =	sor.u32 @p0 s7, s6  }
0xab: {  	[sflag:s6] =	ssyncadd.remote.s32 @p0 $0x1;
	_ =	sdelay $0x1  }
0xac: {  	s6 =	simm.s32 @p0 $0x1B8D  }
0xad: {  	_ =	swait.eq @p0 [sflag:s6], $0x1  }
0xae: {  	[sflag:s6] =	ssyncadd.s32 @p0 $0xFFFFFFFF  }
0xaf: {  	s7 =	sshll.u32 @!p0 s1, $0xE  }
0xb0: {  	s7 =	sor.u32 @!p0 $0x4000, s7;
	s6 =	simm.s32 @!p0 $0x1B8D  }
0xb1: {  	s5 =	sshll.u32 @!p0 s5, $0x11;
	s7 =	sadd.s32 @!p0 $0x11B8D, s7;
	_ =	swait.eq @!p0 [sflag:s6], $0x1  }
0xb2: {  	s5 =	sor.u32 @!p0 s5, s7;
	[sflag:s6] =	ssyncadd.s32 @!p0 $0xFFFFFFFF  }
0xb3: {  	s25 =	simm.s32 $0x1B8E;
	s24 =	sld [smem:$0x3FFE];
	[sflag:s5] =	ssyncadd.remote.s32 @!p0 $0x1  }
0xb4: {  	s26 =	simm.s32 $execute0_lowered;
	[smem:$0x3FD2] =	sst s25  }
0xb5: {  	s6 =	sshll.u32 s26, $0x1;
	_ =	strace $0x8000004F;
	[dreg:$0x1] =	wrdreg $0xFFFFFFFF  }
0xb6: {  	s28 =	simm.s32 $_size_execute0_lowered;
	s4 =	sadd.s32 s4, s6;
	[dreg:$0x0] =	wrdreg $0x0  }
0xb7: {  	s6 =	sshll.u32 s28, $0x1;
	[dreg:$0x2] =	wrdreg s4  }
0xb8: {  	[dreg:$0x3] =	wrdreg s6  }
0xb9: {  	[dreg:$0x4] =	wrdreg $0xC0  }
0xba: {  	_ =	task [dreg:s22], $0x5FFFF  }
0xbb: {  	[dreg:$0x1] =	wrdreg $0xFFFFFFFF  }
0xbc: {  	[dreg:$0x0] =	wrdreg $0x60  }
0xbd: {  	[dreg:$0x2] =	wrdreg s18  }
0xbe: {  	[dreg:$0x3] =	wrdreg s24  }
0xbf: {  	[dreg:$0x4] =	wrdreg $0x91000  }
0xc0: {  	[dreg:$0x5] =	wrdreg $0x9  }
0xc1: {  	_ =	task.clear_ibuf [dreg:s22], $0x6FFFF;
	_ =	strace $0x9000004F  }
0xc2: {  	s29 =	simm.s32 $0x9;
	_ =	strace $0x80000051  }
0xc3: {  	_ =	swait.ge [sflag:s29], $0x1  }
0xc4: {  	[sflag:s29] =	ssyncadd.s32 $0xFFFFFFFF  }
0xc5: {  	_ =	strace $0x90000051  }
0xc6: {  	_ =	sfence  }
0xc7: {  	s30 =	sld [smem:$0x0];
	_ =	sdelay $0x2  }
0xc8: {  	s31 =	sshll.u32 s1, $0xD;
	s1 =	sshrl.u32 s1, $0x2  }
0xc9: {  	s4 =	sand.u32 $0x4000, s31;
	s1 =	sadd.s32 s1, s30  }
0xca: {  	s0 =	sor.u32 s4, s0;
	s1 =	sshll.u32 s1, $0x11  }
0xcb: {  	s0 =	sor.u32 s1, s0  }
0xcc: {  	s0 =	sadd.s32 $0x8F2B, s0  }
0xcd: {  	[sflag:s0] =	ssyncadd.remote.s32 $0x1  }
0xce: {  	_ =	sfence.sel $0xFFFF  }
0xcf: {  	[dreg:$0x0] =	wrdreg $0xFFFFFFFF;
	(pc) =	sbr.abs _section_cstart, $3  }
0xd0: {  	[dreg:$0x1] =	wrdreg $0xFFFFFFFF  }
0xd1: {  	_ =	task.clear_ibuf [dreg:s22], $0x2FFFF;
	_ =	strace $0x9FFFFFFF  }
0xd2: {  	(tm) =	ssettm $0x7FFFFFFF  }
0xd3: {  	_ =	shalt  }
tec
execute0_lowered:
.L_overlay_start_1:
0x0: {  	(tag) =	ssettag $0x1  }
0x1: {  	s1 =	rddreg [dreg:$0x0]  }
0x2: {  	s0 =	rddreg [dreg:$0x1]  }
0x3: {  	s2 =	srdreg.scid;
	s3 =	rddreg [dreg:$0x2]  }
0x4: {  	s13 =	stileid.u32;
	s4 =	simm.s32 $0x0;
	s15 =	simm.s32 $0x5  }
0x5: {  	s28 =	simm.s32 $0x4;
	s29 =	simm.s32 $0x2;
	s9 =	smul.u32 $0x14000, s13  }
0x6: {  	s30 =	simm.s32 $0x0;
	s2 =	sand.u32 $0x1, s2;
	s12 =	smul.u32 $0x50000, s13  }
0x7: {  	[smem:$0x7FF] =	sst s4;
	s6 =	sadd.s32 $0x1E800, s0;
	s25 =	smul.u32 $0x2710, s13  }
0x8: {  	s24 =	sshll.u32 s13, $0x6;
	s5 =	sshll.u32 s2, $0x4;
	s8 =	smul.u32 $0x140000, s2  }
0x9: {  	_ =	strace $0x80000050;
	s20 =	ssub.s32 $0x2, s2;
	s2 =	smul.u32 $0x27100, s2  }
0xa: {  	s7 =	sor.u32 s13, s5;
	s11 =	sshrl.u32 s20, $0x1;
	s23 =	sshrl.u32 s12, $0x2  }
0xb: {  	s5 =	sshll.u32 s7, $0xB;
	s8 =	sadd.s32 s9, s8;
	s21 =	ssub.s32 s20, s11  }
0xc: {  	s22 =	smul.u32 $0x2710, s7;
	s14 =	sadd.s32 s23, s3;
	s7 =	sor.u32 $0x1C05, s24  }
0xd: {  	s2 =	sadd.s32 s25, s2;
	s20 =	simm.s32 $0x4000;
	s23 =	simm.s32 $0x4080  }
0xe: {  	s24 =	simm.s32 $0x6900;
	s25 =	simm.s32 $0x3;
	s10 =	sadd.s32 s5, s0  }
0xf: {  	s5 =	sadd.s32 $0x4600, s0;
	s8 =	sshrl.u32 s8, $0x3;
	s16 =	sadd.s32 $0x4000, s14  }
0x10: {  	s17 =	sadd.s32 $0x8000, s14;
	s18 =	sadd.s32 $0xC000, s14;
	s19 =	sadd.s32 $0x10000, s14  }
0x11: {  	s26 =	sadd.s32 $0x50, s2;
	s11 =	smax.u32 s21, $0x1;
	s12 =	sadd.s32 $0xA0, s2  }
0x12: {  	s14 =	sshrl.u32 s14, $0x3;
	s21 =	simm.s32 $0x50;
	s0 =	sadd.s32 s8, s0  }
0x13: {  	s9 =	sshrl.u32 s22, $0x3;
	s10 =	sadd.s32 $0xE800, s10;
	s31 =	sshrl.u32 s26, $0x3  }
0x14: {  	s16 =	sshrl.u32 s16, $0x3;
	s17 =	sshrl.u32 s17, $0x3;
	s18 =	sshrl.u32 s18, $0x3  }
0x15: {  	s19 =	sshrl.u32 s19, $0x3;
	[dreg:$0x4] =	wrdreg s10;
	s9 =	sadd.s32 s5, s9  }
0x16: {  	s22 =	simm.s32 $0x4100;
	s0 =	sadd.s32 $0x96200, s0;
	[dreg:$0x5] =	wrdreg s9  }
0x17: {  	s26 =	simm.s32 $0x1;
	s13 =	sadd.s32 s31, s5;
	[dreg:$0x6] =	wrdreg s0  }
.LBB2_1:
0x18: {  	[spmem:s14], [sflag:s7] =	dma.local [hbm:s6], $0x800  }
0x19: {  	_ =	swait.ge [sflag:s15], $0x800  }
0x1a: {  	[sflag:s15] =	ssyncset.done $0x0  }
0x1b: {  	[sflag:s15] =	ssyncadd.s32 $0xFFFFF800  }
0x1c: {  	[spmem:s16], [sflag:s7] =	dma.local [hbm:s6], $0x800  }
0x1d: {  	_ =	swait.ge [sflag:s15], $0x800  }
0x1e: {  	[sflag:s15] =	ssyncset.done $0x0  }
0x1f: {  	[sflag:s15] =	ssyncadd.s32 $0xFFFFF800  }
0x20: {  	[spmem:s17], [sflag:s7] =	dma.local [hbm:s6], $0x800  }
0x21: {  	_ =	swait.ge [sflag:s15], $0x800  }
0x22: {  	[sflag:s15] =	ssyncset.done $0x0  }
0x23: {  	[sflag:s15] =	ssyncadd.s32 $0xFFFFF800  }
0x24: {  	[spmem:s18], [sflag:s7] =	dma.local [hbm:s6], $0x800  }
0x25: {  	_ =	swait.ge [sflag:s15], $0x800  }
0x26: {  	[sflag:s15] =	ssyncset.done $0x0  }
0x27: {  	[sflag:s15] =	ssyncadd.s32 $0xFFFFF800  }
0x28: {  	[spmem:s19], [sflag:s7] =	dma.local [hbm:s6], $0x800  }
0x29: {  	_ =	swait.ge [sflag:s15], $0x800  }
0x2a: {  	[sflag:s15] =	ssyncset.done $0x0  }
0x2b: {  	s0 =	rddreg [dreg:$0x4];
	[sflag:s15] =	ssyncadd.s32 $0xFFFFF800  }
0x2c: {  	[tilespmem:s4], [sflag:$0x5] =	stream.linear.gather [hbm4b:s0+s4], $0x3E80, $0x38;
	[tilespmem:$0x1D100] =	vst v63  }
0x2d: {  	_ =	swait.ge [sflag:s15], $0x3E80  }
0x2e: {  	[sflag:s15] =	ssyncset.done $0x0  }
0x2f: {  	[sflag:s15] =	ssyncadd.s32 $0xFFFFC180  }
0x30: {  	[bflag:$0x0] =	sbarrier.arrive $0xFFFF  }
0x31: {  	s10 =	rddreg [dreg:$0x5]  }
0x32: {  	[tilespmem:s20], [sflag:$0x3] =	stream.linear.gather [hbm4b:s10+s4], $0x50, $0x38;
	[tilespmem:$0x1D100] =	vst v63  }
0x33: {  	_ = 	snop  }
0x34: {  	[tilespmem:s22], [sflag:$0x1] =	stream.indirect.gather [hbm4b:s1+s21], $0x80, s4, s21, $0xb8;
	[tilespmem:$0x1D100] =	vst v63  }
0x35: {  	s2 =	sadd.s32 $0x0, s13  }
0x36: {  	[tilespmem:s23], [sflag:$0x4] =	stream.linear.gather [hbm4b:s2+s4], $0x50, $0x38;
	[tilespmem:$0x1D100] =	vst v63  }
0x37: {  	s8 =	simm.s32 $0x80  }
0x38: {  	[tilespmem:s24], [sflag:$0x2] =	stream.indirect.gather [hbm4b:s1+s21], $0x80, s8, s21, $0xb8;
	[tilespmem:$0x1D100] =	vst v63  }
0x39: {  	_ =	swait.ge [sflag:s25], $0x50  }
0x3a: {  	[sflag:s25] =	ssyncset.done $0x0  }
0x3b: {  	[sflag:s25] =	ssyncadd.s32 $0xFFFFFFB0  }
0x3c: {  	_ =	swait.ge [sflag:s26], $0x2800  }
0x3d: {  	[sflag:s26] =	ssyncset.done $0x0  }
0x3e: {  	[sflag:s26] =	ssyncadd.s32 $0xFFFFD800  }
0x3f: {  	[spmem:s3] =	stream.indirect.scatter.add.f32 [tilespmem:s22], [sflag:$0x5], $0x80, s20, s21, $0xb8;
	[tilespmem:$0x1D100] =	vst v63  }
0x40: {  	_ =	swait.ge [sflag:s15], $0x2800  }
0x41: {  	s9 =	sshrl.u32 s12, $0x3;
	[sflag:s15] =	ssyncset.done $0x0  }
0x42: {  	s0 =	sadd.s32 s5, s9;
	[sflag:s15] =	ssyncadd.s32 $0xFFFFD800  }
0x43: {  	[tilespmem:s20], [sflag:$0x3] =	stream.linear.gather [hbm4b:s0+s4], $0x50, $0x38;
	[tilespmem:$0x1D100] =	vst v63  }
0x44: {  	s10 =	simm.s32 $0x100  }
0x45: {  	[tilespmem:s22], [sflag:$0x1] =	stream.indirect.gather [hbm4b:s1+s21], $0x80, s10, s21, $0xb8;
	[tilespmem:$0x1D100] =	vst v63  }
0x46: {  	_ =	swait.ge [sflag:s28], $0x50  }
0x47: {  	[sflag:s28] =	ssyncset.done $0x0  }
0x48: {  	[sflag:s28] =	ssyncadd.s32 $0xFFFFFFB0  }
0x49: {  	_ =	swait.ge [sflag:s29], $0x2800  }
0x4a: {  	[sflag:s29] =	ssyncset.done $0x0  }
0x4b: {  	[sflag:s29] =	ssyncadd.s32 $0xFFFFD800  }
0x4c: {  	[spmem:s3] =	stream.indirect.scatter.add.f32 [tilespmem:s24], [sflag:$0x5], $0x80, s23, s21, $0xb8;
	[tilespmem:$0x1D100] =	vst v63  }
0x4d: {  	s31 =	simm.s32 $0x200;
	s2 =	simm.s32 $0x14;
	_ =	swait.ge [sflag:s15], $0x2800  }
0x4e: {  	s8 =	simm.s32 $0x28;
	s0 =	sadd.s32 $0xA0, s12;
	[sflag:s15] =	ssyncset.done $0x0  }
.LBB2_2:
0x4f: {  	s9 =	sadd.s32 s2, s13  }
0x50: {  	[sflag:s15] =	ssyncadd.s32 $0xFFFFD800;
	s2 =	smov.u32 s8;
	s10 =	sadd.s32 $0x14, s8  }
0x51: {  	[tilespmem:s23], [sflag:$0x4] =	stream.linear.gather [hbm4b:s9+s4], $0x50, $0x38;
	[tilespmem:$0x1D100] =	vst v63  }
0x52: {  	p0 =	sne.s32 s8, $0x4C4;
	s8 =	sadd.s32 $0xFFFFFF80, s31  }
0x53: {  	[tilespmem:s24], [sflag:$0x2] =	stream.indirect.gather [hbm4b:s1+s21], $0x80, s8, s21, $0xb8;
	[tilespmem:$0x1D100] =	vst v63  }
0x54: {  	_ =	swait.ge [sflag:s25], $0x50  }
0x55: {  	[sflag:s25] =	ssyncset.done $0x0  }
0x56: {  	[sflag:s25] =	ssyncadd.s32 $0xFFFFFFB0  }
0x57: {  	_ =	swait.ge [sflag:s26], $0x2800  }
0x58: {  	[sflag:s26] =	ssyncset.done $0x0  }
0x59: {  	[sflag:s26] =	ssyncadd.s32 $0xFFFFD800  }
0x5a: {  	[spmem:s3] =	stream.indirect.scatter.add.f32 [tilespmem:s22], [sflag:$0x5], $0x80, s20, s21, $0xb8;
	[tilespmem:$0x1D100] =	vst v63  }
0x5b: {  	_ =	swait.ge [sflag:s15], $0x2800  }
0x5c: {  	s8 =	sshrl.u32 s0, $0x3;
	[sflag:s15] =	ssyncset.done $0x0  }
0x5d: {  	s8 =	sadd.s32 s5, s8;
	[sflag:s15] =	ssyncadd.s32 $0xFFFFD800  }
0x5e: {  	[tilespmem:s20], [sflag:$0x3] =	stream.linear.gather [hbm4b:s8+s4], $0x50, $0x38;
	[tilespmem:$0x1D100] =	vst v63  }
0x5f: {  	_ = 	snop  }
0x60: {  	[tilespmem:s22], [sflag:$0x1] =	stream.indirect.gather [hbm4b:s1+s21], $0x80, s31, s21, $0xb8;
	[tilespmem:$0x1D100] =	vst v63  }
0x61: {  	_ =	swait.ge [sflag:s28], $0x50  }
0x62: {  	[sflag:s28] =	ssyncset.done $0x0  }
0x63: {  	[sflag:s28] =	ssyncadd.s32 $0xFFFFFFB0  }
0x64: {  	_ =	swait.ge [sflag:s29], $0x2800  }
.Ltmp0:
0x65: {  	[sflag:s29] =	ssyncset.done $0x0;
	(pc) =	sbr.rel @p0 .LBB2_2-.Ltmp0, $4  }
0x66: {  	[sflag:s29] =	ssyncadd.s32 $0xFFFFD800  }
0x67: {  	[spmem:s3] =	stream.indirect.scatter.add.f32 [tilespmem:s24], [sflag:$0x5], $0x80, s23, s21, $0xb8;
	[tilespmem:$0x1D100] =	vst v63  }
0x68: {  	s0 =	sadd.s32 $0xA0, s0;
	_ =	swait.ge [sflag:s15], $0x2800  }
0x69: {  	s8 =	smov.u32 s10;
	s31 =	sadd.s32 $0x100, s31;
	[sflag:s15] =	ssyncset.done $0x0  }
0x6a: {  	s2 =	sadd.s32 s2, s13;
	[sflag:s15] =	ssyncadd.s32 $0xFFFFD800  }
0x6b: {  	[tilespmem:s23], [sflag:$0x4] =	stream.linear.gather [hbm4b:s2+s4], $0x50, $0x38;
	[tilespmem:$0x1D100] =	vst v63  }
0x6c: {  	s10 =	sadd.s32 $0xFFFFFF80, s31  }
0x6d: {  	[tilespmem:s24], [sflag:$0x2] =	stream.indirect.gather [hbm4b:s1+s21], $0x80, s10, s21, $0xb8;
	[tilespmem:$0x1D100] =	vst v63  }
0x6e: {  	_ =	swait.ge [sflag:s25], $0x50  }
0x6f: {  	[sflag:s25] =	ssyncset.done $0x0  }
0x70: {  	[sflag:s25] =	ssyncadd.s32 $0xFFFFFFB0  }
0x71: {  	_ =	swait.ge [sflag:s26], $0x2800  }
0x72: {  	[sflag:s26] =	ssyncset.done $0x0  }
0x73: {  	[sflag:s26] =	ssyncadd.s32 $0xFFFFD800  }
0x74: {  	[spmem:s3] =	stream.indirect.scatter.add.f32 [tilespmem:s22], [sflag:$0x5], $0x80, s20, s21, $0xb8;
	[tilespmem:$0x1D100] =	vst v63  }
0x75: {  	_ =	swait.ge [sflag:s15], $0x2800  }
0x76: {  	s0 =	sshrl.u32 s0, $0x3;
	[sflag:s15] =	ssyncset.done $0x0  }
0x77: {  	s0 =	sadd.s32 s5, s0;
	[sflag:s15] =	ssyncadd.s32 $0xFFFFD800  }
0x78: {  	[tilespmem:s20], [sflag:$0x3] =	stream.linear.gather [hbm4b:s0+s4], $0x50, $0x38;
	[tilespmem:$0x1D100] =	vst v63  }
0x79: {  	_ = 	snop  }
0x7a: {  	[tilespmem:s22], [sflag:$0x1] =	stream.indirect.gather [hbm4b:s1+s21], $0x80, s31, s21, $0xb8;
	[tilespmem:$0x1D100] =	vst v63  }
0x7b: {  	_ =	swait.ge [sflag:s28], $0x50  }
0x7c: {  	[sflag:s28] =	ssyncset.done $0x0  }
0x7d: {  	[sflag:s28] =	ssyncadd.s32 $0xFFFFFFB0  }
0x7e: {  	_ =	swait.ge [sflag:s29], $0x2800  }
0x7f: {  	[sflag:s29] =	ssyncset.done $0x0  }
0x80: {  	[sflag:s29] =	ssyncadd.s32 $0xFFFFD800  }
0x81: {  	[spmem:s3] =	stream.indirect.scatter.add.f32 [tilespmem:s24], [sflag:$0x5], $0x80, s23, s21, $0xb8;
	[tilespmem:$0x1D100] =	vst v63  }
0x82: {  	_ =	swait.ge [sflag:s15], $0x2800  }
0x83: {  	[sflag:s15] =	ssyncset.done $0x0  }
0x84: {  	[sflag:s15] =	ssyncadd.s32 $0xFFFFD800  }
0x85: {  	_ =	swait.ge [sflag:s25], $0x50  }
0x86: {  	[sflag:s25] =	ssyncset.done $0x0  }
0x87: {  	[sflag:s25] =	ssyncadd.s32 $0xFFFFFFB0  }
0x88: {  	_ =	swait.ge [sflag:s26], $0x2800  }
0x89: {  	[sflag:s26] =	ssyncset.done $0x0  }
0x8a: {  	[sflag:s26] =	ssyncadd.s32 $0xFFFFD800  }
0x8b: {  	[spmem:s3] =	stream.indirect.scatter.add.f32 [tilespmem:s22], [sflag:$0x5], $0x80, s20, s21, $0xb8;
	[tilespmem:$0x1D100] =	vst v63  }
0x8c: {  	_ =	swait.ge [sflag:s15], $0x2800  }
0x8d: {  	[sflag:s15] =	ssyncset.done $0x0  }
0x8e: {  	s30 =	sadd.s32 $0x1, s30;
	[sflag:s15] =	ssyncadd.s32 $0xFFFFD800  }
0x8f: {  	p0 =	sne.s32 s30, s11;
	[bflag:$0x0] =	sbarrier.arrive $0xFFFF  }
.Ltmp1:
0x90: {  	s31 =	rddreg [dreg:$0x6];
	(pc) =	sbr.rel @p0 .LBB2_1-.Ltmp1, $4  }
0x91: {  	[hbm:s31], [sflag:s7] =	dma.local [spmem:s14], $0x2800  }
0x92: {  	_ =	swait.ge [sflag:s15], $0x2800  }
0x93: {  	[sflag:s15] =	ssyncset.done $0x0  }
0x94: {  	[sflag:s15] =	ssyncadd.s32 $0xFFFFD800  }
0x95: {  	_ =	sfence.sel $0x180000  }
0x96: {  	[bflag:$0x0] =	sbarrier.arrive $0xFFFF  }
0x97: {  	_ =	strace $0x90000050  }
0x98: {  	s0 =	stileid.u32;
	[bflag:$0x2] =	sbarrier.arrive $0xFFFF  }
0x99: {  	p0 =	sne.s32 s0, $0x0;
	s0 =	rddreg [dreg:$0x3]  }
0x9a: {  	s0 =	sadd.s32 @!p0 $0x100000, s0  }
0x9b: {  	[sflag:s0] =	ssyncadd.tile.s32 @!p0 $0x1;
	_ =	shalt  }
.Lfunc_end2:
_tile_overlayer_lowered:
.L_overlay_start_2:
0x9c: {  	(tag) =	ssettag $0x2  }
0x9d: {  	s0 =	rddreg [dreg:$0x0];
	s2 =	stileid.u32  }
0x9e: {  	s1 =	rddreg [dreg:$0x1];
	p0 =	sne.s32 s2, $0x0  }
0x9f: {  	s3 =	rddreg [dreg:$0x2];
	[bflag:$0x3] =	sbarrier.arrive $0xFFFF;
	s2 =	simm.s32 @!p0 $0x1C05  }
0xa0: {  	[timem:s3], [sflag:s2] =	dma.local @!p0 [hbm:s0], s1  }
0xa1: {  	s0 =	simm.s32 @!p0 $0x5  }
0xa2: {  	_ =	swait.ge @!p0 [sflag:s0], s1  }
0xa3: {  	s1 =	ssub.s32 @!p0 $0x0, s1;
	[sflag:s0] =	ssyncset.done @!p0 $0x0  }
0xa4: {  	[sflag:s0] =	ssyncadd.s32 @!p0 s1  }
0xa5: {  	[bflag:$0x3] =	sbarrier.arrive $0xFFFF  }
0xa6: {  	_ =	shalt  }

// kernel: kernel.20.cloned.1.call-start
scs
__scs_entry_jumppad:
0x0: {  	(pc) =	sbr.rel $0x88, $3  }
0x1: {  	(tag) =	ssettag $0x0;
	lr =	simm.s32 $0x1  }
0x2: {  	[smem:$0x3F8F] =	sst lr;
	_ =	strace $0xD0000000  }
0x3: {  	_ = 	snop  }
0x4: {  	_ = 	snop  }
0x5: {  	_ = 	snop  }
0x6: {  	_ = 	snop  }
0x7: {  	_ = 	snop  }
__scs_overlays_trampoline_lowered:
0x8: {  	[smem:$0x3F9E] =	sst s0  }
0x9: {  	[smem:$0x3F9F] =	sst s1  }
0xa: {  	[smem:$0x3FA0] =	sst s2  }
0xb: {  	[smem:$0x3FA1] =	sst s3  }
0xc: {  	[smem:$0x3FA2] =	sst s4  }
0xd: {  	[smem:$0x3FA3] =	sst s5  }
0xe: {  	[smem:$0x3FA4] =	sst s6  }
0xf: {  	[smem:$0x3FA5] =	sst s7  }
0x10: {  	[smem:$0x3FA6] =	sst s8  }
0x11: {  	[smem:$0x3FA7] =	sst s9;
	s0 =	simm.s32 @!p0 $0x0  }
0x12: {  	s1 =	sld [smem:$0x3F8D];
	s0 =	simm.s32 @p0 $0x1  }
0x13: {  	[smem:$0x3FA8] =	sst s0;
	s0 =	simm.s32 @!p1 $0x0  }
0x14: {  	s2 =	sld [smem:$0x3F8C];
	s0 =	simm.s32 @p1 $0x1  }
0x15: {  	[smem:$0x3FA9] =	sst s0;
	s0 =	simm.s32 @!p2 $0x0  }
0x16: {  	s3 =	sld [smem:$0x3FDB];
	s0 =	simm.s32 @p2 $0x1  }
0x17: {  	s4 =	simm.s32 $0x1BF5;
	[smem:$0x3FAB] =	sst s0  }
0x18: {  	s0 =	sld [smem:$0x3F8E];
	_ =	swait.ge [sflag:s4], $0x0  }
0x19: {  	s7 =	sld [smem:$0x3F8F]  }
0x1a: {  	s8 =	sadd.s32 $0xFFFFE003, lr  }
0x1b: {  	s9 =	sadd.s32 $0xFFFFFEF7, lr;
	s5 =	simm.s32 $0xFFFFFFFF;
	p2 =	slt.u32 s8, $0xFFFFF086  }
0x1c: {  	p1 =	slt.u32 s9, $0xF7A;
	s5 =	simm.s32 @!p2 $0x0  }
0x1d: {  	s5 =	simm.s32 @p1 $0x1;
	p0 =	seq.s32 s7, s2  }
0x1e: {  	s7 =	smul.u32 @!p0 $0xF7A, s2;
	p2 =	seq.s32 @!p0 s5, $0x0  }
0x1f: {  	s9 =	smul.u32 $0xF7A, s1;
	s8 =	simm.s32 @!p0 $0x1BF5;
	p2 =	por !p2, p0  }
0x20: {  	[sflag:s8] =	ssyncset.s32 @!p0 $0xFFFFF086;
	s6 =	sadd.s32 @!p0 s3, s7;
	s7 =	simm.s32 @!p0 $0x108  }
0x21: {  	s3 =	sadd.s32 s3, s9;
	s6 =	sadd.s32 @!p0 $0x88, s6;
	s7 =	simm.s32 @p2 $0x1082  }
0x22: {  	[simem:s7], [sflag:s8] =	dma.local @!p0 [hbm:s6], $0xF7A  }
0x23: {  	s9 =	sor.u32 $0xD0000000, s2;
	s6 =	simm.s32 $0x108;
	_ =	swait.ge @!p0 [sflag:s8], $0x0  }
0x24: {  	s3 =	sadd.s32 $0x88, s3;
	s6 =	simm.s32 @!p1 $0x1082;
	[sflag:s4] =	ssyncset.s32 $0xFFFFF086  }
0x25: {  	[simem:s6], [sflag:s4] =	dma.local [hbm:s3], $0xF7A  }
0x26: {  	[smem:$0x3F8F] =	sst s1;
	(tag) =	ssettag s2;
	_ =	strace s9  }
0x27: {  	s1 =	sld [smem:$0x3F9F]  }
0x28: {  	s2 =	sld [smem:$0x3FA0]  }
0x29: {  	s4 =	sld [smem:$0x3FA2]  }
0x2a: {  	p0 =	seq.s32 s5, $0x0;
	s5 =	sld [smem:$0x3FA3]  }
0x2b: {  	s6 =	sld [smem:$0x3FA4]  }
0x2c: {  	s7 =	sld [smem:$0x3FA5]  }
0x2d: {  	s3 =	simm.s32 $0x108;
	s8 =	sld [smem:$0x3FA6]  }
0x2e: {  	s3 =	simm.s32 @!p0 $0x1082;
	s9 =	sld [smem:$0x3FA7]  }
0x2f: {  	lr =	sadd.s32 s0, s3;
	s0 =	sld [smem:$0x3F9E]  }
0x30: {  	s3 =	sld [smem:$0x3FA1]  }
0x31: {  	[smem:$0x3FAA] =	sst s10  }
0x32: {  	s10 =	sld [smem:$0x3FA8];
	_ =	sdelay $0x3  }
0x33: {  	p0 =	seq.s32 s10, $0x1;
	s10 =	sld [smem:$0x3FAA];
	_ =	sdelay $0x3  }
0x34: {  	[smem:$0x3FAA] =	sst s10  }
0x35: {  	s10 =	sld [smem:$0x3FA9];
	_ =	sdelay $0x3  }
0x36: {  	p1 =	seq.s32 s10, $0x1;
	s10 =	sld [smem:$0x3FAA];
	_ =	sdelay $0x3  }
0x37: {  	[smem:$0x3FAA] =	sst s10  }
0x38: {  	s10 =	sld [smem:$0x3FAB]  }
0x39: {  	_ = 	snop;
	(pc) =	sbr.ind lr, $3  }
0x3a: {  	_ = 	snop  }
0x3b: {  	_ = 	snop  }
0x3c: {  	p2 =	seq.s32 s10, $0x1;
	s10 =	sld [smem:$0x3FAA]  }
0x3d: {  	_ =	shalt  }
0x3e: {  	_ =	shalt  }
0x3f: {  	_ =	shalt  }
0x40: {  	_ =	shalt  }
0x41: {  	_ =	shalt  }
0x42: {  	_ =	shalt  }
0x43: {  	_ =	shalt  }
0x44: {  	_ =	shalt  }
0x45: {  	_ =	shalt  }
0x46: {  	_ =	shalt  }
0x47: {  	_ =	shalt  }
0x48: {  	_ =	shalt  }
0x49: {  	_ =	shalt  }
0x4a: {  	_ =	shalt  }
0x4b: {  	_ =	shalt  }
0x4c: {  	_ =	shalt  }
0x4d: {  	_ =	shalt  }
0x4e: {  	_ =	shalt  }
0x4f: {  	_ =	shalt  }
0x50: {  	_ =	shalt  }
0x51: {  	_ =	shalt  }
0x52: {  	_ =	shalt  }
0x53: {  	_ =	shalt  }
0x54: {  	_ =	shalt  }
0x55: {  	_ =	shalt  }
0x56: {  	_ =	shalt  }
0x57: {  	_ =	shalt  }
0x58: {  	_ =	shalt  }
0x59: {  	_ =	shalt  }
0x5a: {  	_ =	shalt  }
0x5b: {  	_ =	shalt  }
0x5c: {  	_ =	shalt  }
0x5d: {  	_ =	shalt  }
0x5e: {  	_ =	shalt  }
0x5f: {  	_ =	shalt  }
0x60: {  	_ =	shalt  }
0x61: {  	_ =	shalt  }
0x62: {  	_ =	shalt  }
0x63: {  	_ =	shalt  }
0x64: {  	_ =	shalt  }
0x65: {  	_ =	shalt  }
0x66: {  	_ =	shalt  }
0x67: {  	_ =	shalt  }
0x68: {  	_ =	shalt  }
0x69: {  	_ =	shalt  }
0x6a: {  	_ =	shalt  }
0x6b: {  	_ =	shalt  }
0x6c: {  	_ =	shalt  }
0x6d: {  	_ =	shalt  }
0x6e: {  	_ =	shalt  }
0x6f: {  	_ =	shalt  }
0x70: {  	_ =	shalt  }
0x71: {  	_ =	shalt  }
0x72: {  	_ =	shalt  }
0x73: {  	_ =	shalt  }
0x74: {  	_ =	shalt  }
0x75: {  	_ =	shalt  }
0x76: {  	_ =	shalt  }
0x77: {  	_ =	shalt  }
0x78: {  	_ =	shalt  }
0x79: {  	_ =	shalt  }
0x7a: {  	_ =	shalt  }
0x7b: {  	_ =	shalt  }
0x7c: {  	_ =	shalt  }
0x7d: {  	_ =	shalt  }
0x7e: {  	_ =	shalt  }
0x7f: {  	_ =	shalt  }
0x80: {  	_ =	shalt  }
0x81: {  	_ =	shalt  }
0x82: {  	_ =	shalt  }
0x83: {  	_ =	shalt  }
0x84: {  	_ =	shalt  }
0x85: {  	_ =	shalt  }
0x86: {  	_ =	shalt  }
0x87: {  	_ =	shalt  }
.Lfunc_end0:
.L_simem_size_0:
called_computation.3_lowered:
.L_overlay_start_0:
0x88: {  	s2 =	sld [smem:$0x3FD9]  }
0x89: {  	s3 =	sld [smem:$0x3FFE];
	_ =	sdelay $0x1  }
0x8a: {  	s1 =	srdreg.scid  }
0x8b: {  	s0 =	sand.u32 $0x1, s1  }
0x8c: {  	s16 =	sshll.u32 s0, $0xA;
	s2 =	sadd.s32 s3, s2  }
0x8d: {  	s2 =	sadd.s32 s2, s16  }
0x8e: {  	[smem:$0x3FB6] =	sst s2  }
0x8f: {  	_ = 	snop  }
0x90: {  	(tm) =	ssettm $0x1  }
0x91: {  	s17 =	sld [smem:$0x3FFB];
	_ =	sdelay $0x3  }
0x92: {  	_ =	strace s17  }
0x93: {  	s2 =	sld [smem:$0x3FFC];
	_ =	sdelay $0x3  }
0x94: {  	_ =	strace s2  }
0x95: {  	s2 =	sld [smem:$0x3FFD];
	_ =	sdelay $0x3  }
0x96: {  	_ =	strace s2  }
0x97: {  	_ =	strace $0x8FFFFFFF  }
0x98: {  	s18 =	sld [smem:$0x3FDB];
	_ =	sdelay $0x1  }
0x99: {  	s19 =	simm.s32 $_scs_section_size  }
0x9a: {  	s4 =	simm.s32 $_size__tile_overlayer_lowered;
	s5 =	simm.s32 $_tile_overlayer_lowered  }
0x9b: {  	s22 =	simm.s32 $0x1BFF;
	s21 =	sshll.u32 s5, $0x1;
	s2 =	sadd.s32 s19, s18  }
0x9c: {  	s6 =	simm.s32 $0x0;
	s20 =	sshll.u32 s4, $0x1;
	s4 =	sadd.s32 s21, s2  }
0x9d: {  	[timem:s6], [sflag:s22] =	dma.local [hbm:s4], s20  }
0x9e: {  	_ =	swait.ge [sflag:s22], s20  }
0x9f: {  	s3 =	ssub.s32 $0x0, s20;
	[sflag:s22] =	ssyncset.done $0x0  }
0xa0: {  	[sflag:s22] =	ssyncadd.s32 s3;
	_ =	sdelay $0x1  }
0xa1: {  	s23 =	simm.s32 $0x1B8B  }
0xa2: {  	_ =	swait.ge [sflag:s23], $0x1  }
0xa3: {  	[sflag:s23] =	ssyncset.done $0x0  }
0xa4: {  	s25 =	simm.s32 $0x1B8E;
	s24 =	sld [smem:$0x3FFE];
	[sflag:s23] =	ssyncadd.s32 $0xFFFFFFFF  }
0xa5: {  	s26 =	simm.s32 $execute0_lowered;
	[smem:$0x3FD2] =	sst s25  }
0xa6: {  	s4 =	sshll.u32 s26, $0x1;
	_ =	strace $0x8000004C;
	[dreg:$0x1] =	wrdreg $0xFFFFFFFF  }
0xa7: {  	s28 =	simm.s32 $_size_execute0_lowered;
	s2 =	sadd.s32 s2, s4;
	[dreg:$0x0] =	wrdreg $0x0  }
0xa8: {  	s4 =	sshll.u32 s28, $0x1;
	[dreg:$0x2] =	wrdreg s2  }
0xa9: {  	[dreg:$0x3] =	wrdreg s4  }
0xaa: {  	[dreg:$0x4] =	wrdreg $0xC0  }
0xab: {  	_ =	task [dreg:s6], $0x5FFFF  }
0xac: {  	[dreg:$0x1] =	wrdreg $0xFFFFFFFF  }
0xad: {  	[dreg:$0x0] =	wrdreg $0x60  }
0xae: {  	[dreg:$0x2] =	wrdreg s24  }
0xaf: {  	[dreg:$0x3] =	wrdreg $0x91000  }
0xb0: {  	[dreg:$0x4] =	wrdreg $0xA  }
0xb1: {  	_ =	task.clear_ibuf [dreg:s6], $0x5FFFF;
	_ =	strace $0x9000004C  }
0xb2: {  	s29 =	simm.s32 $0xA;
	_ =	strace $0x8000004E  }
0xb3: {  	_ =	swait.ge [sflag:s29], $0x1  }
0xb4: {  	[sflag:s29] =	ssyncadd.s32 $0xFFFFFFFF  }
0xb5: {  	_ =	strace $0x9000004E  }
0xb6: {  	_ =	sfence  }
0xb7: {  	s30 =	sld [smem:$0x0];
	_ =	sdelay $0x2  }
0xb8: {  	s31 =	sshll.u32 s1, $0xD;
	s1 =	sshrl.u32 s1, $0x2  }
0xb9: {  	s3 =	sand.u32 $0x4000, s31;
	s1 =	sadd.s32 s1, s30  }
0xba: {  	s0 =	sor.u32 s3, s0;
	s1 =	sshll.u32 s1, $0x11  }
0xbb: {  	s0 =	sor.u32 s1, s0  }
0xbc: {  	s0 =	sadd.s32 $0x8F2B, s0  }
0xbd: {  	[sflag:s0] =	ssyncadd.remote.s32 $0x1  }
0xbe: {  	_ =	sfence.sel $0xFFFF  }
0xbf: {  	[dreg:$0x0] =	wrdreg $0xFFFFFFFF;
	(pc) =	sbr.abs _section_cstart, $3  }
0xc0: {  	[dreg:$0x1] =	wrdreg $0xFFFFFFFF  }
0xc1: {  	_ =	task.clear_ibuf [dreg:s6], $0x2FFFF;
	_ =	strace $0x9FFFFFFF  }
0xc2: {  	(tm) =	ssettm $0x7FFFFFFF  }
0xc3: {  	_ =	shalt  }
tec
execute0_lowered:
.L_overlay_start_1:
0x0: {  	(tag) =	ssettag $0x1  }
0x1: {  	s0 =	rddreg [dreg:$0x0]  }
0x2: {  	s1 =	rddreg [dreg:$0x1];
	s2 =	srdreg.scid;
	s3 =	simm.s32 $0x0  }
0x3: {  	s13 =	stileid.u32;
	s15 =	simm.s32 $0x5;
	s28 =	simm.s32 $0x4  }
0x4: {  	s29 =	simm.s32 $0x2;
	s30 =	simm.s32 $0x0;
	s9 =	smul.u32 $0x14000, s13  }
0x5: {  	s2 =	sand.u32 $0x1, s2;
	[smem:$0x7FF] =	sst s3;
	s12 =	smul.u32 $0x50000, s13  }
0x6: {  	s6 =	sadd.s32 $0x1E800, s0;
	s24 =	sshll.u32 s13, $0x6;
	s25 =	smul.u32 $0x2710, s13  }
0x7: {  	s4 =	sshll.u32 s2, $0x4;
	s8 =	smul.u32 $0x140000, s2;
	_ =	strace $0x8000004D  }
0x8: {  	s20 =	ssub.s32 $0x2, s2;
	s2 =	smul.u32 $0x27100, s2;
	s7 =	sor.u32 s13, s4  }
0x9: {  	s4 =	sadd.s32 $0x1F000, s0;
	s11 =	sshrl.u32 s20, $0x1;
	s23 =	sshrl.u32 s12, $0x2  }
0xa: {  	s5 =	sshll.u32 s7, $0xB;
	s8 =	sadd.s32 s9, s8;
	s21 =	ssub.s32 s20, s11  }
0xb: {  	s22 =	smul.u32 $0x2710, s7;
	s14 =	sadd.s32 s23, s1;
	s7 =	sor.u32 $0x1C05, s24  }
0xc: {  	s2 =	sadd.s32 s25, s2;
	s20 =	simm.s32 $0x4000;
	s23 =	simm.s32 $0x4080  }
0xd: {  	s24 =	simm.s32 $0x6900;
	s25 =	simm.s32 $0x3;
	s10 =	sadd.s32 s5, s0  }
0xe: {  	s5 =	sadd.s32 $0x4600, s0;
	s8 =	sshrl.u32 s8, $0x3;
	s16 =	sadd.s32 $0x4000, s14  }
0xf: {  	s17 =	sadd.s32 $0x8000, s14;
	s18 =	sadd.s32 $0xC000, s14;
	s19 =	sadd.s32 $0x10000, s14  }
0x10: {  	s26 =	sadd.s32 $0x50, s2;
	s11 =	smax.u32 s21, $0x1;
	s12 =	sadd.s32 $0xA0, s2  }
0x11: {  	s14 =	sshrl.u32 s14, $0x3;
	s21 =	simm.s32 $0x50;
	s0 =	sadd.s32 s8, s0  }
0x12: {  	s9 =	sshrl.u32 s22, $0x3;
	s10 =	sadd.s32 $0xE800, s10;
	s31 =	sshrl.u32 s26, $0x3  }
0x13: {  	s16 =	sshrl.u32 s16, $0x3;
	s17 =	sshrl.u32 s17, $0x3;
	s18 =	sshrl.u32 s18, $0x3  }
0x14: {  	s19 =	sshrl.u32 s19, $0x3;
	[dreg:$0x3] =	wrdreg s10;
	s9 =	sadd.s32 s5, s9  }
0x15: {  	s22 =	simm.s32 $0x4100;
	s0 =	sadd.s32 $0x46200, s0;
	[dreg:$0x4] =	wrdreg s9  }
0x16: {  	s26 =	simm.s32 $0x1;
	s13 =	sadd.s32 s31, s5;
	[dreg:$0x5] =	wrdreg s0  }
.LBB2_1:
0x17: {  	[spmem:s14], [sflag:s7] =	dma.local [hbm:s6], $0x800  }
0x18: {  	_ =	swait.ge [sflag:s15], $0x800  }
0x19: {  	[sflag:s15] =	ssyncset.done $0x0  }
0x1a: {  	[sflag:s15] =	ssyncadd.s32 $0xFFFFF800  }
0x1b: {  	[spmem:s16], [sflag:s7] =	dma.local [hbm:s6], $0x800  }
0x1c: {  	_ =	swait.ge [sflag:s15], $0x800  }
0x1d: {  	[sflag:s15] =	ssyncset.done $0x0  }
0x1e: {  	[sflag:s15] =	ssyncadd.s32 $0xFFFFF800  }
0x1f: {  	[spmem:s17], [sflag:s7] =	dma.local [hbm:s6], $0x800  }
0x20: {  	_ =	swait.ge [sflag:s15], $0x800  }
0x21: {  	[sflag:s15] =	ssyncset.done $0x0  }
0x22: {  	[sflag:s15] =	ssyncadd.s32 $0xFFFFF800  }
0x23: {  	[spmem:s18], [sflag:s7] =	dma.local [hbm:s6], $0x800  }
0x24: {  	_ =	swait.ge [sflag:s15], $0x800  }
0x25: {  	[sflag:s15] =	ssyncset.done $0x0  }
0x26: {  	[sflag:s15] =	ssyncadd.s32 $0xFFFFF800  }
0x27: {  	[spmem:s19], [sflag:s7] =	dma.local [hbm:s6], $0x800  }
0x28: {  	_ =	swait.ge [sflag:s15], $0x800  }
0x29: {  	[sflag:s15] =	ssyncset.done $0x0  }
0x2a: {  	s0 =	rddreg [dreg:$0x3];
	[sflag:s15] =	ssyncadd.s32 $0xFFFFF800  }
0x2b: {  	[tilespmem:s3], [sflag:$0x5] =	stream.linear.gather [hbm4b:s0+s3], $0x3E80, $0x38;
	[tilespmem:$0x1D100] =	vst v63  }
0x2c: {  	_ =	swait.ge [sflag:s15], $0x3E80  }
0x2d: {  	[sflag:s15] =	ssyncset.done $0x0  }
0x2e: {  	[sflag:s15] =	ssyncadd.s32 $0xFFFFC180  }
0x2f: {  	[bflag:$0x0] =	sbarrier.arrive $0xFFFF  }
0x30: {  	s10 =	rddreg [dreg:$0x4]  }
0x31: {  	[tilespmem:s20], [sflag:$0x3] =	stream.linear.gather [hbm4b:s10+s3], $0x50, $0x38;
	[tilespmem:$0x1D100] =	vst v63  }
0x32: {  	_ = 	snop  }
0x33: {  	[tilespmem:s22], [sflag:$0x1] =	stream.indirect.gather [hbm4b:s4+s21], $0x80, s3, s21, $0xb8;
	[tilespmem:$0x1D100] =	vst v63  }
0x34: {  	s2 =	sadd.s32 $0x0, s13  }
0x35: {  	[tilespmem:s23], [sflag:$0x4] =	stream.linear.gather [hbm4b:s2+s3], $0x50, $0x38;
	[tilespmem:$0x1D100] =	vst v63  }
0x36: {  	s8 =	simm.s32 $0x80  }
0x37: {  	[tilespmem:s24], [sflag:$0x2] =	stream.indirect.gather [hbm4b:s4+s21], $0x80, s8, s21, $0xb8;
	[tilespmem:$0x1D100] =	vst v63  }
0x38: {  	_ =	swait.ge [sflag:s25], $0x50  }
0x39: {  	[sflag:s25] =	ssyncset.done $0x0  }
0x3a: {  	[sflag:s25] =	ssyncadd.s32 $0xFFFFFFB0  }
0x3b: {  	_ =	swait.ge [sflag:s26], $0x2800  }
0x3c: {  	[sflag:s26] =	ssyncset.done $0x0  }
0x3d: {  	[sflag:s26] =	ssyncadd.s32 $0xFFFFD800  }
0x3e: {  	[spmem:s1] =	stream.indirect.scatter.add.f32 [tilespmem:s22], [sflag:$0x5], $0x80, s20, s21, $0xb8;
	[tilespmem:$0x1D100] =	vst v63  }
0x3f: {  	_ =	swait.ge [sflag:s15], $0x2800  }
0x40: {  	s9 =	sshrl.u32 s12, $0x3;
	[sflag:s15] =	ssyncset.done $0x0  }
0x41: {  	s0 =	sadd.s32 s5, s9;
	[sflag:s15] =	ssyncadd.s32 $0xFFFFD800  }
0x42: {  	[tilespmem:s20], [sflag:$0x3] =	stream.linear.gather [hbm4b:s0+s3], $0x50, $0x38;
	[tilespmem:$0x1D100] =	vst v63  }
0x43: {  	s10 =	simm.s32 $0x100  }
0x44: {  	[tilespmem:s22], [sflag:$0x1] =	stream.indirect.gather [hbm4b:s4+s21], $0x80, s10, s21, $0xb8;
	[tilespmem:$0x1D100] =	vst v63  }
0x45: {  	_ =	swait.ge [sflag:s28], $0x50  }
0x46: {  	[sflag:s28] =	ssyncset.done $0x0  }
0x47: {  	[sflag:s28] =	ssyncadd.s32 $0xFFFFFFB0  }
0x48: {  	_ =	swait.ge [sflag:s29], $0x2800  }
0x49: {  	[sflag:s29] =	ssyncset.done $0x0  }
0x4a: {  	[sflag:s29] =	ssyncadd.s32 $0xFFFFD800  }
0x4b: {  	[spmem:s1] =	stream.indirect.scatter.add.f32 [tilespmem:s24], [sflag:$0x5], $0x80, s23, s21, $0xb8;
	[tilespmem:$0x1D100] =	vst v63  }
0x4c: {  	s31 =	simm.s32 $0x200;
	s2 =	simm.s32 $0x14;
	_ =	swait.ge [sflag:s15], $0x2800  }
0x4d: {  	s8 =	simm.s32 $0x28;
	s0 =	sadd.s32 $0xA0, s12;
	[sflag:s15] =	ssyncset.done $0x0  }
.LBB2_2:
0x4e: {  	s9 =	sadd.s32 s2, s13  }
0x4f: {  	[sflag:s15] =	ssyncadd.s32 $0xFFFFD800;
	s2 =	smov.u32 s8;
	s10 =	sadd.s32 $0x14, s8  }
0x50: {  	[tilespmem:s23], [sflag:$0x4] =	stream.linear.gather [hbm4b:s9+s3], $0x50, $0x38;
	[tilespmem:$0x1D100] =	vst v63  }
0x51: {  	p0 =	sne.s32 s8, $0x4C4;
	s8 =	sadd.s32 $0xFFFFFF80, s31  }
0x52: {  	[tilespmem:s24], [sflag:$0x2] =	stream.indirect.gather [hbm4b:s4+s21], $0x80, s8, s21, $0xb8;
	[tilespmem:$0x1D100] =	vst v63  }
0x53: {  	_ =	swait.ge [sflag:s25], $0x50  }
0x54: {  	[sflag:s25] =	ssyncset.done $0x0  }
0x55: {  	[sflag:s25] =	ssyncadd.s32 $0xFFFFFFB0  }
0x56: {  	_ =	swait.ge [sflag:s26], $0x2800  }
0x57: {  	[sflag:s26] =	ssyncset.done $0x0  }
0x58: {  	[sflag:s26] =	ssyncadd.s32 $0xFFFFD800  }
0x59: {  	[spmem:s1] =	stream.indirect.scatter.add.f32 [tilespmem:s22], [sflag:$0x5], $0x80, s20, s21, $0xb8;
	[tilespmem:$0x1D100] =	vst v63  }
0x5a: {  	_ =	swait.ge [sflag:s15], $0x2800  }
0x5b: {  	s8 =	sshrl.u32 s0, $0x3;
	[sflag:s15] =	ssyncset.done $0x0  }
0x5c: {  	s8 =	sadd.s32 s5, s8;
	[sflag:s15] =	ssyncadd.s32 $0xFFFFD800  }
0x5d: {  	[tilespmem:s20], [sflag:$0x3] =	stream.linear.gather [hbm4b:s8+s3], $0x50, $0x38;
	[tilespmem:$0x1D100] =	vst v63  }
0x5e: {  	_ = 	snop  }
0x5f: {  	[tilespmem:s22], [sflag:$0x1] =	stream.indirect.gather [hbm4b:s4+s21], $0x80, s31, s21, $0xb8;
	[tilespmem:$0x1D100] =	vst v63  }
0x60: {  	_ =	swait.ge [sflag:s28], $0x50  }
0x61: {  	[sflag:s28] =	ssyncset.done $0x0  }
0x62: {  	[sflag:s28] =	ssyncadd.s32 $0xFFFFFFB0  }
0x63: {  	_ =	swait.ge [sflag:s29], $0x2800  }
.Ltmp0:
0x64: {  	[sflag:s29] =	ssyncset.done $0x0;
	(pc) =	sbr.rel @p0 .LBB2_2-.Ltmp0, $4  }
0x65: {  	[sflag:s29] =	ssyncadd.s32 $0xFFFFD800  }
0x66: {  	[spmem:s1] =	stream.indirect.scatter.add.f32 [tilespmem:s24], [sflag:$0x5], $0x80, s23, s21, $0xb8;
	[tilespmem:$0x1D100] =	vst v63  }
0x67: {  	s0 =	sadd.s32 $0xA0, s0;
	_ =	swait.ge [sflag:s15], $0x2800  }
0x68: {  	s8 =	smov.u32 s10;
	s31 =	sadd.s32 $0x100, s31;
	[sflag:s15] =	ssyncset.done $0x0  }
0x69: {  	s2 =	sadd.s32 s2, s13;
	[sflag:s15] =	ssyncadd.s32 $0xFFFFD800  }
0x6a: {  	[tilespmem:s23], [sflag:$0x4] =	stream.linear.gather [hbm4b:s2+s3], $0x50, $0x38;
	[tilespmem:$0x1D100] =	vst v63  }
0x6b: {  	s10 =	sadd.s32 $0xFFFFFF80, s31  }
0x6c: {  	[tilespmem:s24], [sflag:$0x2] =	stream.indirect.gather [hbm4b:s4+s21], $0x80, s10, s21, $0xb8;
	[tilespmem:$0x1D100] =	vst v63  }
0x6d: {  	_ =	swait.ge [sflag:s25], $0x50  }
0x6e: {  	[sflag:s25] =	ssyncset.done $0x0  }
0x6f: {  	[sflag:s25] =	ssyncadd.s32 $0xFFFFFFB0  }
0x70: {  	_ =	swait.ge [sflag:s26], $0x2800  }
0x71: {  	[sflag:s26] =	ssyncset.done $0x0  }
0x72: {  	[sflag:s26] =	ssyncadd.s32 $0xFFFFD800  }
0x73: {  	[spmem:s1] =	stream.indirect.scatter.add.f32 [tilespmem:s22], [sflag:$0x5], $0x80, s20, s21, $0xb8;
	[tilespmem:$0x1D100] =	vst v63  }
0x74: {  	_ =	swait.ge [sflag:s15], $0x2800  }
0x75: {  	s0 =	sshrl.u32 s0, $0x3;
	[sflag:s15] =	ssyncset.done $0x0  }
0x76: {  	s0 =	sadd.s32 s5, s0;
	[sflag:s15] =	ssyncadd.s32 $0xFFFFD800  }
0x77: {  	[tilespmem:s20], [sflag:$0x3] =	stream.linear.gather [hbm4b:s0+s3], $0x50, $0x38;
	[tilespmem:$0x1D100] =	vst v63  }
0x78: {  	_ = 	snop  }
0x79: {  	[tilespmem:s22], [sflag:$0x1] =	stream.indirect.gather [hbm4b:s4+s21], $0x80, s31, s21, $0xb8;
	[tilespmem:$0x1D100] =	vst v63  }
0x7a: {  	_ =	swait.ge [sflag:s28], $0x50  }
0x7b: {  	[sflag:s28] =	ssyncset.done $0x0  }
0x7c: {  	[sflag:s28] =	ssyncadd.s32 $0xFFFFFFB0  }
0x7d: {  	_ =	swait.ge [sflag:s29], $0x2800  }
0x7e: {  	[sflag:s29] =	ssyncset.done $0x0  }
0x7f: {  	[sflag:s29] =	ssyncadd.s32 $0xFFFFD800  }
0x80: {  	[spmem:s1] =	stream.indirect.scatter.add.f32 [tilespmem:s24], [sflag:$0x5], $0x80, s23, s21, $0xb8;
	[tilespmem:$0x1D100] =	vst v63  }
0x81: {  	_ =	swait.ge [sflag:s15], $0x2800  }
0x82: {  	[sflag:s15] =	ssyncset.done $0x0  }
0x83: {  	[sflag:s15] =	ssyncadd.s32 $0xFFFFD800  }
0x84: {  	_ =	swait.ge [sflag:s25], $0x50  }
0x85: {  	[sflag:s25] =	ssyncset.done $0x0  }
0x86: {  	[sflag:s25] =	ssyncadd.s32 $0xFFFFFFB0  }
0x87: {  	_ =	swait.ge [sflag:s26], $0x2800  }
0x88: {  	[sflag:s26] =	ssyncset.done $0x0  }
0x89: {  	[sflag:s26] =	ssyncadd.s32 $0xFFFFD800  }
0x8a: {  	[spmem:s1] =	stream.indirect.scatter.add.f32 [tilespmem:s22], [sflag:$0x5], $0x80, s20, s21, $0xb8;
	[tilespmem:$0x1D100] =	vst v63  }
0x8b: {  	_ =	swait.ge [sflag:s15], $0x2800  }
0x8c: {  	[sflag:s15] =	ssyncset.done $0x0  }
0x8d: {  	s30 =	sadd.s32 $0x1, s30;
	[sflag:s15] =	ssyncadd.s32 $0xFFFFD800  }
0x8e: {  	p0 =	sne.s32 s30, s11;
	[bflag:$0x0] =	sbarrier.arrive $0xFFFF  }
.Ltmp1:
0x8f: {  	s31 =	rddreg [dreg:$0x5];
	(pc) =	sbr.rel @p0 .LBB2_1-.Ltmp1, $4  }
0x90: {  	[hbm:s31], [sflag:s7] =	dma.local [spmem:s14], $0x2800  }
0x91: {  	_ =	swait.ge [sflag:s15], $0x2800  }
0x92: {  	[sflag:s15] =	ssyncset.done $0x0  }
0x93: {  	[sflag:s15] =	ssyncadd.s32 $0xFFFFD800  }
0x94: {  	_ =	sfence.sel $0x180000  }
0x95: {  	[bflag:$0x0] =	sbarrier.arrive $0xFFFF  }
0x96: {  	_ =	strace $0x9000004D  }
0x97: {  	s0 =	stileid.u32;
	[bflag:$0x2] =	sbarrier.arrive $0xFFFF  }
0x98: {  	p0 =	sne.s32 s0, $0x0;
	s0 =	rddreg [dreg:$0x2]  }
0x99: {  	s0 =	sadd.s32 @!p0 $0x100000, s0  }
0x9a: {  	[sflag:s0] =	ssyncadd.tile.s32 @!p0 $0x1;
	_ =	shalt  }
.Lfunc_end2:
_tile_overlayer_lowered:
.L_overlay_start_2:
0x9b: {  	(tag) =	ssettag $0x2  }
0x9c: {  	s0 =	rddreg [dreg:$0x0];
	s2 =	stileid.u32  }
0x9d: {  	s1 =	rddreg [dreg:$0x1];
	p0 =	sne.s32 s2, $0x0  }
0x9e: {  	s3 =	rddreg [dreg:$0x2];
	[bflag:$0x3] =	sbarrier.arrive $0xFFFF;
	s2 =	simm.s32 @!p0 $0x1C05  }
0x9f: {  	[timem:s3], [sflag:s2] =	dma.local @!p0 [hbm:s0], s1  }
0xa0: {  	s0 =	simm.s32 @!p0 $0x5  }
0xa1: {  	_ =	swait.ge @!p0 [sflag:s0], s1  }
0xa2: {  	s1 =	ssub.s32 @!p0 $0x0, s1;
	[sflag:s0] =	ssyncset.done @!p0 $0x0  }
0xa3: {  	[sflag:s0] =	ssyncadd.s32 @!p0 s1  }
0xa4: {  	[bflag:$0x3] =	sbarrier.arrive $0xFFFF  }
0xa5: {  	_ =	shalt  }

// kernel: kernel.23.cloned.1.call-start
scs
__scs_entry_jumppad:
0x0: {  	(pc) =	sbr.rel $0x88, $3  }
0x1: {  	(tag) =	ssettag $0x0;
	lr =	simm.s32 $0x1  }
0x2: {  	[smem:$0x3F8F] =	sst lr;
	_ =	strace $0xD0000000  }
0x3: {  	_ = 	snop  }
0x4: {  	_ = 	snop  }
0x5: {  	_ = 	snop  }
0x6: {  	_ = 	snop  }
0x7: {  	_ = 	snop  }
__scs_overlays_trampoline_lowered:
0x8: {  	[smem:$0x3F9E] =	sst s0  }
0x9: {  	[smem:$0x3F9F] =	sst s1  }
0xa: {  	[smem:$0x3FA0] =	sst s2  }
0xb: {  	[smem:$0x3FA1] =	sst s3  }
0xc: {  	[smem:$0x3FA2] =	sst s4  }
0xd: {  	[smem:$0x3FA3] =	sst s5  }
0xe: {  	[smem:$0x3FA4] =	sst s6  }
0xf: {  	[smem:$0x3FA5] =	sst s7  }
0x10: {  	[smem:$0x3FA6] =	sst s8  }
0x11: {  	[smem:$0x3FA7] =	sst s9;
	s0 =	simm.s32 @!p0 $0x0  }
0x12: {  	s1 =	sld [smem:$0x3F8D];
	s0 =	simm.s32 @p0 $0x1  }
0x13: {  	[smem:$0x3FA8] =	sst s0;
	s0 =	simm.s32 @!p1 $0x0  }
0x14: {  	s2 =	sld [smem:$0x3F8C];
	s0 =	simm.s32 @p1 $0x1  }
0x15: {  	[smem:$0x3FA9] =	sst s0;
	s0 =	simm.s32 @!p2 $0x0  }
0x16: {  	s3 =	sld [smem:$0x3FDB];
	s0 =	simm.s32 @p2 $0x1  }
0x17: {  	s4 =	simm.s32 $0x1BF5;
	[smem:$0x3FAB] =	sst s0  }
0x18: {  	s0 =	sld [smem:$0x3F8E];
	_ =	swait.ge [sflag:s4], $0x0  }
0x19: {  	s7 =	sld [smem:$0x3F8F]  }
0x1a: {  	s8 =	sadd.s32 $0xFFFFE003, lr  }
0x1b: {  	s9 =	sadd.s32 $0xFFFFFEF7, lr;
	s5 =	simm.s32 $0xFFFFFFFF;
	p2 =	slt.u32 s8, $0xFFFFF086  }
0x1c: {  	p1 =	slt.u32 s9, $0xF7A;
	s5 =	simm.s32 @!p2 $0x0  }
0x1d: {  	s5 =	simm.s32 @p1 $0x1;
	p0 =	seq.s32 s7, s2  }
0x1e: {  	s7 =	smul.u32 @!p0 $0xF7A, s2;
	p2 =	seq.s32 @!p0 s5, $0x0  }
0x1f: {  	s9 =	smul.u32 $0xF7A, s1;
	s8 =	simm.s32 @!p0 $0x1BF5;
	p2 =	por !p2, p0  }
0x20: {  	[sflag:s8] =	ssyncset.s32 @!p0 $0xFFFFF086;
	s6 =	sadd.s32 @!p0 s3, s7;
	s7 =	simm.s32 @!p0 $0x108  }
0x21: {  	s3 =	sadd.s32 s3, s9;
	s6 =	sadd.s32 @!p0 $0x88, s6;
	s7 =	simm.s32 @p2 $0x1082  }
0x22: {  	[simem:s7], [sflag:s8] =	dma.local @!p0 [hbm:s6], $0xF7A  }
0x23: {  	s9 =	sor.u32 $0xD0000000, s2;
	s6 =	simm.s32 $0x108;
	_ =	swait.ge @!p0 [sflag:s8], $0x0  }
0x24: {  	s3 =	sadd.s32 $0x88, s3;
	s6 =	simm.s32 @!p1 $0x1082;
	[sflag:s4] =	ssyncset.s32 $0xFFFFF086  }
0x25: {  	[simem:s6], [sflag:s4] =	dma.local [hbm:s3], $0xF7A  }
0x26: {  	[smem:$0x3F8F] =	sst s1;
	(tag) =	ssettag s2;
	_ =	strace s9  }
0x27: {  	s1 =	sld [smem:$0x3F9F]  }
0x28: {  	s2 =	sld [smem:$0x3FA0]  }
0x29: {  	s4 =	sld [smem:$0x3FA2]  }
0x2a: {  	p0 =	seq.s32 s5, $0x0;
	s5 =	sld [smem:$0x3FA3]  }
0x2b: {  	s6 =	sld [smem:$0x3FA4]  }
0x2c: {  	s7 =	sld [smem:$0x3FA5]  }
0x2d: {  	s3 =	simm.s32 $0x108;
	s8 =	sld [smem:$0x3FA6]  }
0x2e: {  	s3 =	simm.s32 @!p0 $0x1082;
	s9 =	sld [smem:$0x3FA7]  }
0x2f: {  	lr =	sadd.s32 s0, s3;
	s0 =	sld [smem:$0x3F9E]  }
0x30: {  	s3 =	sld [smem:$0x3FA1]  }
0x31: {  	[smem:$0x3FAA] =	sst s10  }
0x32: {  	s10 =	sld [smem:$0x3FA8];
	_ =	sdelay $0x3  }
0x33: {  	p0 =	seq.s32 s10, $0x1;
	s10 =	sld [smem:$0x3FAA];
	_ =	sdelay $0x3  }
0x34: {  	[smem:$0x3FAA] =	sst s10  }
0x35: {  	s10 =	sld [smem:$0x3FA9];
	_ =	sdelay $0x3  }
0x36: {  	p1 =	seq.s32 s10, $0x1;
	s10 =	sld [smem:$0x3FAA];
	_ =	sdelay $0x3  }
0x37: {  	[smem:$0x3FAA] =	sst s10  }
0x38: {  	s10 =	sld [smem:$0x3FAB]  }
0x39: {  	_ = 	snop;
	(pc) =	sbr.ind lr, $3  }
0x3a: {  	_ = 	snop  }
0x3b: {  	_ = 	snop  }
0x3c: {  	p2 =	seq.s32 s10, $0x1;
	s10 =	sld [smem:$0x3FAA]  }
0x3d: {  	_ =	shalt  }
0x3e: {  	_ =	shalt  }
0x3f: {  	_ =	shalt  }
0x40: {  	_ =	shalt  }
0x41: {  	_ =	shalt  }
0x42: {  	_ =	shalt  }
0x43: {  	_ =	shalt  }
0x44: {  	_ =	shalt  }
0x45: {  	_ =	shalt  }
0x46: {  	_ =	shalt  }
0x47: {  	_ =	shalt  }
0x48: {  	_ =	shalt  }
0x49: {  	_ =	shalt  }
0x4a: {  	_ =	shalt  }
0x4b: {  	_ =	shalt  }
0x4c: {  	_ =	shalt  }
0x4d: {  	_ =	shalt  }
0x4e: {  	_ =	shalt  }
0x4f: {  	_ =	shalt  }
0x50: {  	_ =	shalt  }
0x51: {  	_ =	shalt  }
0x52: {  	_ =	shalt  }
0x53: {  	_ =	shalt  }
0x54: {  	_ =	shalt  }
0x55: {  	_ =	shalt  }
0x56: {  	_ =	shalt  }
0x57: {  	_ =	shalt  }
0x58: {  	_ =	shalt  }
0x59: {  	_ =	shalt  }
0x5a: {  	_ =	shalt  }
0x5b: {  	_ =	shalt  }
0x5c: {  	_ =	shalt  }
0x5d: {  	_ =	shalt  }
0x5e: {  	_ =	shalt  }
0x5f: {  	_ =	shalt  }
0x60: {  	_ =	shalt  }
0x61: {  	_ =	shalt  }
0x62: {  	_ =	shalt  }
0x63: {  	_ =	shalt  }
0x64: {  	_ =	shalt  }
0x65: {  	_ =	shalt  }
0x66: {  	_ =	shalt  }
0x67: {  	_ =	shalt  }
0x68: {  	_ =	shalt  }
0x69: {  	_ =	shalt  }
0x6a: {  	_ =	shalt  }
0x6b: {  	_ =	shalt  }
0x6c: {  	_ =	shalt  }
0x6d: {  	_ =	shalt  }
0x6e: {  	_ =	shalt  }
0x6f: {  	_ =	shalt  }
0x70: {  	_ =	shalt  }
0x71: {  	_ =	shalt  }
0x72: {  	_ =	shalt  }
0x73: {  	_ =	shalt  }
0x74: {  	_ =	shalt  }
0x75: {  	_ =	shalt  }
0x76: {  	_ =	shalt  }
0x77: {  	_ =	shalt  }
0x78: {  	_ =	shalt  }
0x79: {  	_ =	shalt  }
0x7a: {  	_ =	shalt  }
0x7b: {  	_ =	shalt  }
0x7c: {  	_ =	shalt  }
0x7d: {  	_ =	shalt  }
0x7e: {  	_ =	shalt  }
0x7f: {  	_ =	shalt  }
0x80: {  	_ =	shalt  }
0x81: {  	_ =	shalt  }
0x82: {  	_ =	shalt  }
0x83: {  	_ =	shalt  }
0x84: {  	_ =	shalt  }
0x85: {  	_ =	shalt  }
0x86: {  	_ =	shalt  }
0x87: {  	_ =	shalt  }
.Lfunc_end0:
.L_simem_size_0:
called_computation.4_lowered:
.L_overlay_start_0:
0x88: {  	s2 =	sld [smem:$0x3FD9]  }
0x89: {  	s3 =	sld [smem:$0x3FFE];
	_ =	sdelay $0x1  }
0x8a: {  	s1 =	srdreg.scid  }
0x8b: {  	s0 =	sand.u32 $0x1, s1  }
0x8c: {  	s17 =	sshll.u32 s0, $0xA;
	s2 =	sadd.s32 s3, s2  }
0x8d: {  	s2 =	sadd.s32 s2, s17  }
0x8e: {  	[smem:$0x3FB6] =	sst s2  }
0x8f: {  	_ = 	snop  }
0x90: {  	s2 =	sld [smem:$0x3FD0];
	(tm) =	ssettm $0x1  }
0x91: {  	s18 =	sld [smem:$0x3FFB];
	_ =	sdelay $0x3  }
0x92: {  	_ =	strace s18  }
0x93: {  	s3 =	sld [smem:$0x3FFC];
	_ =	sdelay $0x3  }
0x94: {  	_ =	strace s3  }
0x95: {  	s3 =	sld [smem:$0x3FFD];
	_ =	sdelay $0x3  }
0x96: {  	_ =	strace s3  }
0x97: {  	_ =	strace $0x8FFFFFFF  }
0x98: {  	s19 =	sld [smem:$0x3FDB];
	_ =	sdelay $0x1  }
0x99: {  	s4 =	simm.s32 $_scs_section_size  }
0x9a: {  	s5 =	simm.s32 $_size__tile_overlayer_lowered;
	s6 =	simm.s32 $_tile_overlayer_lowered  }
0x9b: {  	s22 =	simm.s32 $0x1BFF;
	s21 =	sshll.u32 s6, $0x1;
	s3 =	sadd.s32 s4, s19  }
0x9c: {  	s7 =	simm.s32 $0x0;
	s20 =	sshll.u32 s5, $0x1;
	s5 =	sadd.s32 s21, s3  }
0x9d: {  	[timem:s7], [sflag:s22] =	dma.local [hbm:s5], s20  }
0x9e: {  	_ =	swait.ge [sflag:s22], s20  }
0x9f: {  	s4 =	ssub.s32 $0x0, s20;
	[sflag:s22] =	ssyncset.done $0x0  }
0xa0: {  	[sflag:s22] =	ssyncadd.s32 s4;
	_ =	sdelay $0x1  }
0xa1: {  	s23 =	simm.s32 $0x1B8B  }
0xa2: {  	_ =	swait.ge [sflag:s23], $0x1  }
0xa3: {  	[sflag:s23] =	ssyncset.done $0x0  }
0xa4: {  	s25 =	simm.s32 $0x1B8E;
	s24 =	sld [smem:$0x3FFE];
	[sflag:s23] =	ssyncadd.s32 $0xFFFFFFFF  }
0xa5: {  	s26 =	simm.s32 $execute0_lowered;
	[smem:$0x3FD2] =	sst s25  }
0xa6: {  	s5 =	sshll.u32 s26, $0x1;
	_ =	strace $0x80000052;
	[dreg:$0x1] =	wrdreg $0xFFFFFFFF  }
0xa7: {  	s28 =	simm.s32 $_size_execute0_lowered;
	s3 =	sadd.s32 s3, s5;
	[dreg:$0x0] =	wrdreg $0x0  }
0xa8: {  	s5 =	sshll.u32 s28, $0x1;
	[dreg:$0x2] =	wrdreg s3  }
0xa9: {  	[dreg:$0x3] =	wrdreg s5  }
0xaa: {  	[dreg:$0x4] =	wrdreg $0xC0  }
0xab: {  	_ =	task [dreg:s7], $0x5FFFF  }
0xac: {  	[dreg:$0x1] =	wrdreg $0xFFFFFFFF  }
0xad: {  	[dreg:$0x0] =	wrdreg $0x60  }
0xae: {  	[dreg:$0x2] =	wrdreg s2  }
0xaf: {  	[dreg:$0x3] =	wrdreg s24  }
0xb0: {  	[dreg:$0x4] =	wrdreg $0x91000  }
0xb1: {  	[dreg:$0x5] =	wrdreg $0x9  }
0xb2: {  	_ =	task.clear_ibuf [dreg:s7], $0x6FFFF;
	_ =	strace $0x90000052  }
0xb3: {  	s29 =	simm.s32 $0x9;
	_ =	strace $0x80000054  }
0xb4: {  	_ =	swait.ge [sflag:s29], $0x1  }
0xb5: {  	[sflag:s29] =	ssyncadd.s32 $0xFFFFFFFF  }
0xb6: {  	_ =	strace $0x90000054  }
0xb7: {  	_ =	sfence  }
0xb8: {  	s30 =	sld [smem:$0x0];
	_ =	sdelay $0x2  }
0xb9: {  	s31 =	sshll.u32 s1, $0xD;
	s1 =	sshrl.u32 s1, $0x2  }
0xba: {  	s3 =	sand.u32 $0x4000, s31;
	s1 =	sadd.s32 s1, s30  }
0xbb: {  	s0 =	sor.u32 s3, s0;
	s1 =	sshll.u32 s1, $0x11  }
0xbc: {  	s0 =	sor.u32 s1, s0  }
0xbd: {  	s0 =	sadd.s32 $0x8F2B, s0  }
0xbe: {  	[sflag:s0] =	ssyncadd.remote.s32 $0x1  }
0xbf: {  	_ =	sfence.sel $0xFFFF  }
0xc0: {  	[dreg:$0x0] =	wrdreg $0xFFFFFFFF;
	(pc) =	sbr.abs _section_cstart, $3  }
0xc1: {  	[dreg:$0x1] =	wrdreg $0xFFFFFFFF  }
0xc2: {  	_ =	task.clear_ibuf [dreg:s7], $0x2FFFF;
	_ =	strace $0x9FFFFFFF  }
0xc3: {  	(tm) =	ssettm $0x7FFFFFFF  }
tec
execute0_lowered:
.L_overlay_start_1:
0x0: {  	(tag) =	ssettag $0x1  }
0x1: {  	s1 =	rddreg [dreg:$0x0]  }
0x2: {  	s0 =	rddreg [dreg:$0x1]  }
0x3: {  	s2 =	srdreg.scid;
	s3 =	rddreg [dreg:$0x2]  }
0x4: {  	s13 =	stileid.u32;
	s4 =	simm.s32 $0x0;
	s15 =	simm.s32 $0x5  }
0x5: {  	s28 =	simm.s32 $0x4;
	s29 =	simm.s32 $0x2;
	s9 =	smul.u32 $0x14000, s13  }
0x6: {  	s30 =	simm.s32 $0x0;
	s2 =	sand.u32 $0x1, s2;
	s12 =	smul.u32 $0x50000, s13  }
0x7: {  	[smem:$0x7FF] =	sst s4;
	s6 =	sadd.s32 $0x1E800, s0;
	s25 =	smul.u32 $0x2710, s13  }
0x8: {  	s24 =	sshll.u32 s13, $0x6;
	s5 =	sshll.u32 s2, $0x4;
	s8 =	smul.u32 $0x140000, s2  }
0x9: {  	_ =	strace $0x80000053;
	s20 =	ssub.s32 $0x2, s2;
	s2 =	smul.u32 $0x27100, s2  }
0xa: {  	s7 =	sor.u32 s13, s5;
	s11 =	sshrl.u32 s20, $0x1;
	s23 =	sshrl.u32 s12, $0x2  }
0xb: {  	s5 =	sshll.u32 s7, $0xB;
	s8 =	sadd.s32 s9, s8;
	s21 =	ssub.s32 s20, s11  }
0xc: {  	s22 =	smul.u32 $0x2710, s7;
	s14 =	sadd.s32 s23, s3;
	s7 =	sor.u32 $0x1C05, s24  }
0xd: {  	s2 =	sadd.s32 s25, s2;
	s20 =	simm.s32 $0x4000;
	s23 =	simm.s32 $0x4080  }
0xe: {  	s24 =	simm.s32 $0x6900;
	s25 =	simm.s32 $0x3;
	s10 =	sadd.s32 s5, s0  }
0xf: {  	s5 =	sadd.s32 $0x4600, s0;
	s8 =	sshrl.u32 s8, $0x3;
	s16 =	sadd.s32 $0x4000, s14  }
0x10: {  	s17 =	sadd.s32 $0x8000, s14;
	s18 =	sadd.s32 $0xC000, s14;
	s19 =	sadd.s32 $0x10000, s14  }
0x11: {  	s26 =	sadd.s32 $0x50, s2;
	s11 =	smax.u32 s21, $0x1;
	s12 =	sadd.s32 $0xA0, s2  }
0x12: {  	s14 =	sshrl.u32 s14, $0x3;
	s21 =	simm.s32 $0x50;
	s0 =	sadd.s32 s8, s0  }
0x13: {  	s9 =	sshrl.u32 s22, $0x3;
	s10 =	sadd.s32 $0xE800, s10;
	s31 =	sshrl.u32 s26, $0x3  }
0x14: {  	s16 =	sshrl.u32 s16, $0x3;
	s17 =	sshrl.u32 s17, $0x3;
	s18 =	sshrl.u32 s18, $0x3  }
0x15: {  	s19 =	sshrl.u32 s19, $0x3;
	[dreg:$0x4] =	wrdreg s10;
	s9 =	sadd.s32 s5, s9  }
0x16: {  	s22 =	simm.s32 $0x4100;
	s0 =	sadd.s32 $0x1F000, s0;
	[dreg:$0x5] =	wrdreg s9  }
0x17: {  	s26 =	simm.s32 $0x1;
	s13 =	sadd.s32 s31, s5;
	[dreg:$0x6] =	wrdreg s0  }
.LBB2_1:
0x18: {  	[spmem:s14], [sflag:s7] =	dma.local [hbm:s6], $0x800  }
0x19: {  	_ =	swait.ge [sflag:s15], $0x800  }
0x1a: {  	[sflag:s15] =	ssyncset.done $0x0  }
0x1b: {  	[sflag:s15] =	ssyncadd.s32 $0xFFFFF800  }
0x1c: {  	[spmem:s16], [sflag:s7] =	dma.local [hbm:s6], $0x800  }
0x1d: {  	_ =	swait.ge [sflag:s15], $0x800  }
0x1e: {  	[sflag:s15] =	ssyncset.done $0x0  }
0x1f: {  	[sflag:s15] =	ssyncadd.s32 $0xFFFFF800  }
0x20: {  	[spmem:s17], [sflag:s7] =	dma.local [hbm:s6], $0x800  }
0x21: {  	_ =	swait.ge [sflag:s15], $0x800  }
0x22: {  	[sflag:s15] =	ssyncset.done $0x0  }
0x23: {  	[sflag:s15] =	ssyncadd.s32 $0xFFFFF800  }
0x24: {  	[spmem:s18], [sflag:s7] =	dma.local [hbm:s6], $0x800  }
0x25: {  	_ =	swait.ge [sflag:s15], $0x800  }
0x26: {  	[sflag:s15] =	ssyncset.done $0x0  }
0x27: {  	[sflag:s15] =	ssyncadd.s32 $0xFFFFF800  }
0x28: {  	[spmem:s19], [sflag:s7] =	dma.local [hbm:s6], $0x800  }
0x29: {  	_ =	swait.ge [sflag:s15], $0x800  }
0x2a: {  	[sflag:s15] =	ssyncset.done $0x0  }
0x2b: {  	s0 =	rddreg [dreg:$0x4];
	[sflag:s15] =	ssyncadd.s32 $0xFFFFF800  }
0x2c: {  	[tilespmem:s4], [sflag:$0x5] =	stream.linear.gather [hbm4b:s0+s4], $0x3E80, $0x38;
	[tilespmem:$0x1D100] =	vst v63  }
0x2d: {  	_ =	swait.ge [sflag:s15], $0x3E80  }
0x2e: {  	[sflag:s15] =	ssyncset.done $0x0  }
0x2f: {  	[sflag:s15] =	ssyncadd.s32 $0xFFFFC180  }
0x30: {  	[bflag:$0x0] =	sbarrier.arrive $0xFFFF  }
0x31: {  	s10 =	rddreg [dreg:$0x5]  }
0x32: {  	[tilespmem:s20], [sflag:$0x3] =	stream.linear.gather [hbm4b:s10+s4], $0x50, $0x38;
	[tilespmem:$0x1D100] =	vst v63  }
0x33: {  	_ = 	snop  }
0x34: {  	[tilespmem:s22], [sflag:$0x1] =	stream.indirect.gather [hbm4b:s1+s21], $0x80, s4, s21, $0xb8;
	[tilespmem:$0x1D100] =	vst v63  }
0x35: {  	s2 =	sadd.s32 $0x0, s13  }
0x36: {  	[tilespmem:s23], [sflag:$0x4] =	stream.linear.gather [hbm4b:s2+s4], $0x50, $0x38;
	[tilespmem:$0x1D100] =	vst v63  }
0x37: {  	s8 =	simm.s32 $0x80  }
0x38: {  	[tilespmem:s24], [sflag:$0x2] =	stream.indirect.gather [hbm4b:s1+s21], $0x80, s8, s21, $0xb8;
	[tilespmem:$0x1D100] =	vst v63  }
0x39: {  	_ =	swait.ge [sflag:s25], $0x50  }
0x3a: {  	[sflag:s25] =	ssyncset.done $0x0  }
0x3b: {  	[sflag:s25] =	ssyncadd.s32 $0xFFFFFFB0  }
0x3c: {  	_ =	swait.ge [sflag:s26], $0x2800  }
0x3d: {  	[sflag:s26] =	ssyncset.done $0x0  }
0x3e: {  	[sflag:s26] =	ssyncadd.s32 $0xFFFFD800  }
0x3f: {  	[spmem:s3] =	stream.indirect.scatter.add.f32 [tilespmem:s22], [sflag:$0x5], $0x80, s20, s21, $0xb8;
	[tilespmem:$0x1D100] =	vst v63  }
0x40: {  	_ =	swait.ge [sflag:s15], $0x2800  }
0x41: {  	s9 =	sshrl.u32 s12, $0x3;
	[sflag:s15] =	ssyncset.done $0x0  }
0x42: {  	s0 =	sadd.s32 s5, s9;
	[sflag:s15] =	ssyncadd.s32 $0xFFFFD800  }
0x43: {  	[tilespmem:s20], [sflag:$0x3] =	stream.linear.gather [hbm4b:s0+s4], $0x50, $0x38;
	[tilespmem:$0x1D100] =	vst v63  }
0x44: {  	s10 =	simm.s32 $0x100  }
0x45: {  	[tilespmem:s22], [sflag:$0x1] =	stream.indirect.gather [hbm4b:s1+s21], $0x80, s10, s21, $0xb8;
	[tilespmem:$0x1D100] =	vst v63  }
0x46: {  	_ =	swait.ge [sflag:s28], $0x50  }
0x47: {  	[sflag:s28] =	ssyncset.done $0x0  }
0x48: {  	[sflag:s28] =	ssyncadd.s32 $0xFFFFFFB0  }
0x49: {  	_ =	swait.ge [sflag:s29], $0x2800  }
0x4a: {  	[sflag:s29] =	ssyncset.done $0x0  }
0x4b: {  	[sflag:s29] =	ssyncadd.s32 $0xFFFFD800  }
0x4c: {  	[spmem:s3] =	stream.indirect.scatter.add.f32 [tilespmem:s24], [sflag:$0x5], $0x80, s23, s21, $0xb8;
	[tilespmem:$0x1D100] =	vst v63  }
0x4d: {  	s31 =	simm.s32 $0x200;
	s2 =	simm.s32 $0x14;
	_ =	swait.ge [sflag:s15], $0x2800  }
0x4e: {  	s8 =	simm.s32 $0x28;
	s0 =	sadd.s32 $0xA0, s12;
	[sflag:s15] =	ssyncset.done $0x0  }
.LBB2_2:
0x4f: {  	s9 =	sadd.s32 s2, s13  }
0x50: {  	[sflag:s15] =	ssyncadd.s32 $0xFFFFD800;
	s2 =	smov.u32 s8;
	s10 =	sadd.s32 $0x14, s8  }
0x51: {  	[tilespmem:s23], [sflag:$0x4] =	stream.linear.gather [hbm4b:s9+s4], $0x50, $0x38;
	[tilespmem:$0x1D100] =	vst v63  }
0x52: {  	p0 =	sne.s32 s8, $0x4C4;
	s8 =	sadd.s32 $0xFFFFFF80, s31  }
0x53: {  	[tilespmem:s24], [sflag:$0x2] =	stream.indirect.gather [hbm4b:s1+s21], $0x80, s8, s21, $0xb8;
	[tilespmem:$0x1D100] =	vst v63  }
0x54: {  	_ =	swait.ge [sflag:s25], $0x50  }
0x55: {  	[sflag:s25] =	ssyncset.done $0x0  }
0x56: {  	[sflag:s25] =	ssyncadd.s32 $0xFFFFFFB0  }
0x57: {  	_ =	swait.ge [sflag:s26], $0x2800  }
0x58: {  	[sflag:s26] =	ssyncset.done $0x0  }
0x59: {  	[sflag:s26] =	ssyncadd.s32 $0xFFFFD800  }
0x5a: {  	[spmem:s3] =	stream.indirect.scatter.add.f32 [tilespmem:s22], [sflag:$0x5], $0x80, s20, s21, $0xb8;
	[tilespmem:$0x1D100] =	vst v63  }
0x5b: {  	_ =	swait.ge [sflag:s15], $0x2800  }
0x5c: {  	s8 =	sshrl.u32 s0, $0x3;
	[sflag:s15] =	ssyncset.done $0x0  }
0x5d: {  	s8 =	sadd.s32 s5, s8;
	[sflag:s15] =	ssyncadd.s32 $0xFFFFD800  }
0x5e: {  	[tilespmem:s20], [sflag:$0x3] =	stream.linear.gather [hbm4b:s8+s4], $0x50, $0x38;
	[tilespmem:$0x1D100] =	vst v63  }
0x5f: {  	_ = 	snop  }
0x60: {  	[tilespmem:s22], [sflag:$0x1] =	stream.indirect.gather [hbm4b:s1+s21], $0x80, s31, s21, $0xb8;
	[tilespmem:$0x1D100] =	vst v63  }
0x61: {  	_ =	swait.ge [sflag:s28], $0x50  }
0x62: {  	[sflag:s28] =	ssyncset.done $0x0  }
0x63: {  	[sflag:s28] =	ssyncadd.s32 $0xFFFFFFB0  }
0x64: {  	_ =	swait.ge [sflag:s29], $0x2800  }
.Ltmp0:
0x65: {  	[sflag:s29] =	ssyncset.done $0x0;
	(pc) =	sbr.rel @p0 .LBB2_2-.Ltmp0, $4  }
0x66: {  	[sflag:s29] =	ssyncadd.s32 $0xFFFFD800  }
0x67: {  	[spmem:s3] =	stream.indirect.scatter.add.f32 [tilespmem:s24], [sflag:$0x5], $0x80, s23, s21, $0xb8;
	[tilespmem:$0x1D100] =	vst v63  }
0x68: {  	s0 =	sadd.s32 $0xA0, s0;
	_ =	swait.ge [sflag:s15], $0x2800  }
0x69: {  	s8 =	smov.u32 s10;
	s31 =	sadd.s32 $0x100, s31;
	[sflag:s15] =	ssyncset.done $0x0  }
0x6a: {  	s2 =	sadd.s32 s2, s13;
	[sflag:s15] =	ssyncadd.s32 $0xFFFFD800  }
0x6b: {  	[tilespmem:s23], [sflag:$0x4] =	stream.linear.gather [hbm4b:s2+s4], $0x50, $0x38;
	[tilespmem:$0x1D100] =	vst v63  }
0x6c: {  	s10 =	sadd.s32 $0xFFFFFF80, s31  }
0x6d: {  	[tilespmem:s24], [sflag:$0x2] =	stream.indirect.gather [hbm4b:s1+s21], $0x80, s10, s21, $0xb8;
	[tilespmem:$0x1D100] =	vst v63  }
0x6e: {  	_ =	swait.ge [sflag:s25], $0x50  }
0x6f: {  	[sflag:s25] =	ssyncset.done $0x0  }
0x70: {  	[sflag:s25] =	ssyncadd.s32 $0xFFFFFFB0  }
0x71: {  	_ =	swait.ge [sflag:s26], $0x2800  }
0x72: {  	[sflag:s26] =	ssyncset.done $0x0  }
0x73: {  	[sflag:s26] =	ssyncadd.s32 $0xFFFFD800  }
0x74: {  	[spmem:s3] =	stream.indirect.scatter.add.f32 [tilespmem:s22], [sflag:$0x5], $0x80, s20, s21, $0xb8;
	[tilespmem:$0x1D100] =	vst v63  }
0x75: {  	_ =	swait.ge [sflag:s15], $0x2800  }
0x76: {  	s0 =	sshrl.u32 s0, $0x3;
	[sflag:s15] =	ssyncset.done $0x0  }
0x77: {  	s0 =	sadd.s32 s5, s0;
	[sflag:s15] =	ssyncadd.s32 $0xFFFFD800  }
0x78: {  	[tilespmem:s20], [sflag:$0x3] =	stream.linear.gather [hbm4b:s0+s4], $0x50, $0x38;
	[tilespmem:$0x1D100] =	vst v63  }
0x79: {  	_ = 	snop  }
0x7a: {  	[tilespmem:s22], [sflag:$0x1] =	stream.indirect.gather [hbm4b:s1+s21], $0x80, s31, s21, $0xb8;
	[tilespmem:$0x1D100] =	vst v63  }
0x7b: {  	_ =	swait.ge [sflag:s28], $0x50  }
0x7c: {  	[sflag:s28] =	ssyncset.done $0x0  }
0x7d: {  	[sflag:s28] =	ssyncadd.s32 $0xFFFFFFB0  }
0x7e: {  	_ =	swait.ge [sflag:s29], $0x2800  }
0x7f: {  	[sflag:s29] =	ssyncset.done $0x0  }
0x80: {  	[sflag:s29] =	ssyncadd.s32 $0xFFFFD800  }
0x81: {  	[spmem:s3] =	stream.indirect.scatter.add.f32 [tilespmem:s24], [sflag:$0x5], $0x80, s23, s21, $0xb8;
	[tilespmem:$0x1D100] =	vst v63  }
0x82: {  	_ =	swait.ge [sflag:s15], $0x2800  }
0x83: {  	[sflag:s15] =	ssyncset.done $0x0  }
0x84: {  	[sflag:s15] =	ssyncadd.s32 $0xFFFFD800  }
0x85: {  	_ =	swait.ge [sflag:s25], $0x50  }
0x86: {  	[sflag:s25] =	ssyncset.done $0x0  }
0x87: {  	[sflag:s25] =	ssyncadd.s32 $0xFFFFFFB0  }
0x88: {  	_ =	swait.ge [sflag:s26], $0x2800  }
0x89: {  	[sflag:s26] =	ssyncset.done $0x0  }
0x8a: {  	[sflag:s26] =	ssyncadd.s32 $0xFFFFD800  }
0x8b: {  	[spmem:s3] =	stream.indirect.scatter.add.f32 [tilespmem:s22], [sflag:$0x5], $0x80, s20, s21, $0xb8;
	[tilespmem:$0x1D100] =	vst v63  }
0x8c: {  	_ =	swait.ge [sflag:s15], $0x2800  }
0x8d: {  	[sflag:s15] =	ssyncset.done $0x0  }
0x8e: {  	s30 =	sadd.s32 $0x1, s30;
	[sflag:s15] =	ssyncadd.s32 $0xFFFFD800  }
0x8f: {  	p0 =	sne.s32 s30, s11;
	[bflag:$0x0] =	sbarrier.arrive $0xFFFF  }
.Ltmp1:
0x90: {  	s31 =	rddreg [dreg:$0x6];
	(pc) =	sbr.rel @p0 .LBB2_1-.Ltmp1, $4  }
0x91: {  	[hbm:s31], [sflag:s7] =	dma.local [spmem:s14], $0x2800  }
0x92: {  	_ =	swait.ge [sflag:s15], $0x2800  }
0x93: {  	[sflag:s15] =	ssyncset.done $0x0  }
0x94: {  	[sflag:s15] =	ssyncadd.s32 $0xFFFFD800  }
0x95: {  	_ =	sfence.sel $0x180000  }
0x96: {  	[bflag:$0x0] =	sbarrier.arrive $0xFFFF  }
0x97: {  	_ =	strace $0x90000053  }
0x98: {  	s0 =	stileid.u32;
	[bflag:$0x2] =	sbarrier.arrive $0xFFFF  }
0x99: {  	p0 =	sne.s32 s0, $0x0;
	s0 =	rddreg [dreg:$0x3]  }
0x9a: {  	s0 =	sadd.s32 @!p0 $0x100000, s0  }
0x9b: {  	[sflag:s0] =	ssyncadd.tile.s32 @!p0 $0x1;
	_ =	shalt  }
.Lfunc_end2:
_tile_overlayer_lowered:
.L_overlay_start_2:
0x9c: {  	(tag) =	ssettag $0x2  }
0x9d: {  	s0 =	rddreg [dreg:$0x0];
	s2 =	stileid.u32  }
0x9e: {  	s1 =	rddreg [dreg:$0x1];
	p0 =	sne.s32 s2, $0x0  }
0x9f: {  	s3 =	rddreg [dreg:$0x2];
	[bflag:$0x3] =	sbarrier.arrive $0xFFFF;
	s2 =	simm.s32 @!p0 $0x1C05  }
0xa0: {  	[timem:s3], [sflag:s2] =	dma.local @!p0 [hbm:s0], s1  }
0xa1: {  	s0 =	simm.s32 @!p0 $0x5  }
0xa2: {  	_ =	swait.ge @!p0 [sflag:s0], s1  }
0xa3: {  	s1 =	ssub.s32 @!p0 $0x0, s1;
	[sflag:s0] =	ssyncset.done @!p0 $0x0  }
0xa4: {  	[sflag:s0] =	ssyncadd.s32 @!p0 s1  }
0xa5: {  	[bflag:$0x3] =	sbarrier.arrive $0xFFFF  }
0xa6: {  	_ =	shalt  }

</sc_bundles>
